<compile_context>
chip_gen: v7x
topology: tpu7x:2x2x1
jax: 0.10.2.dev20260603
libtpu: 0.0.44.dev20260713+nightly
codegen_flags: <defaults>
</compile_context>

<pallas_src>
import functools

import jax
import jax.numpy as jnp
from jax import lax
from jax.experimental import pallas as pl
from jax.experimental.pallas import tpu as pltpu
from jax.experimental.pallas import tpu_sc as plsc

_N = 10000
_E = 320000
_D = 128
_B = 64
_C = 10

_NC = 2
_NS = 16
_NW = _NC * _NS
_EPT = _E // _NW
_K = 128
_CHUNKS = 80
_GRP = 8
_NG = _CHUNKS // _GRP
_DCH = (_NG + 2) * _GRP
_RPT = 632
_NP = _RPT * _NS


def _sc_scatter_add(h, src3, dst3, zeros):
    mesh = plsc.VectorSubcoreMesh(core_axis_name="c", subcore_axis_name="s")

    @functools.partial(
        pl.kernel,
        out_type=jax.ShapeDtypeStruct((_NC, _NP, _D), jnp.float32),
        mesh=mesh,
        scratch_types=[
            pltpu.VMEM((_CHUNKS + 2, _K), jnp.int32),
            pltpu.VMEM((_GRP, _K), jnp.int32),
            pltpu.VMEM((_GRP, _K), jnp.int32),
            pltpu.VMEM((_K, _D), jnp.float32),
            pltpu.VMEM((_K, _D), jnp.float32),
            pltpu.VMEM_SHARED((_NP, _D), jnp.float32),
            pltpu.SemaphoreType.DMA,
            pltpu.SemaphoreType.DMA,
            pltpu.SemaphoreType.DMA,
            pltpu.SemaphoreType.DMA,
            pltpu.SemaphoreType.DMA,
            pltpu.SemaphoreType.DMA,
        ],
    )
    def k(h_hbm, src_hbm, dst_hbm, z_hbm, out_hbm,
          sidx, dbuf0, dbuf1, rows0, rows1, acc,
          semG, semS0, semS1, semD0, semD1, semZ):
        c = lax.axis_index("c")
        s = lax.axis_index("s")
        wid = c * _NS + s
        zcp = pltpu.async_copy(z_hbm.at[pl.ds(s * _RPT, _RPT)],
                               acc.at[pl.ds(s * _RPT, _RPT)], semZ)
        pltpu.async_copy(src_hbm.at[wid], sidx, semG)
        pltpu.make_async_copy(src_hbm.at[wid], sidx, semG).wait()
        zcp.wait()
        plsc.subcore_barrier()

        pltpu.async_copy(dst_hbm.at[wid, pl.ds(0, _GRP)], dbuf0, semD0)
        pltpu.async_copy(dst_hbm.at[wid, pl.ds(_GRP, _GRP)], dbuf1, semD1)

        def outer(i, carry):
            for half in (0, 1):
                g = 2 * i + half
                dbuf = dbuf0 if half == 0 else dbuf1
                semD = semD0 if half == 0 else semD1
                pltpu.make_async_copy(
                    dst_hbm.at[wid, pl.ds(g * _GRP, _GRP)], dbuf, semD).wait()

                j0 = g * _GRP
                pltpu.async_copy(h_hbm.at[sidx.at[j0]], rows0, semG)
                pltpu.make_async_copy(h_hbm.at[sidx.at[j0]], rows0, semG).wait()
                pltpu.async_copy(rows0, acc.at[dbuf.at[0]], semS0, add=True)
                pltpu.async_copy(h_hbm.at[sidx.at[j0 + 1]], rows1, semG)
                pltpu.make_async_copy(h_hbm.at[sidx.at[j0 + 1]], rows1,
                                      semG).wait()
                pltpu.async_copy(rows1, acc.at[dbuf.at[1]], semS1, add=True)

                def inner(t, cc, dbuf=dbuf, g=g):
                    j = g * _GRP + 2 * t
                    pltpu.make_async_copy(rows0, acc.at[dbuf.at[0]], semS0).wait()
                    pltpu.async_copy(h_hbm.at[sidx.at[j]], rows0, semG)
                    pltpu.make_async_copy(h_hbm.at[sidx.at[j]], rows0, semG).wait()
                    pltpu.async_copy(rows0, acc.at[dbuf.at[2 * t]], semS0,
                                     add=True)
                    pltpu.make_async_copy(rows1, acc.at[dbuf.at[0]], semS1).wait()
                    pltpu.async_copy(h_hbm.at[sidx.at[j + 1]], rows1, semG)
                    pltpu.make_async_copy(h_hbm.at[sidx.at[j + 1]], rows1,
                                          semG).wait()
                    pltpu.async_copy(rows1, acc.at[dbuf.at[2 * t + 1]], semS1,
                                     add=True)
                    return cc

                lax.fori_loop(1, _GRP // 2, inner, 0)
                pltpu.make_async_copy(rows0, acc.at[dbuf.at[0]], semS0).wait()
                pltpu.make_async_copy(rows1, acc.at[dbuf.at[0]], semS1).wait()
                pltpu.async_copy(
                    dst_hbm.at[wid, pl.ds((g + 2) * _GRP, _GRP)], dbuf, semD)
            return carry

        lax.fori_loop(0, _NG // 2, outer, 0)
        pltpu.make_async_copy(
            dst_hbm.at[wid, pl.ds(_NG * _GRP, _GRP)], dbuf0, semD0).wait()
        pltpu.make_async_copy(
            dst_hbm.at[wid, pl.ds((_NG + 1) * _GRP, _GRP)], dbuf1, semD1).wait()
        plsc.subcore_barrier()
        pltpu.sync_copy(acc.at[pl.ds(s * _RPT, _RPT)],
                        out_hbm.at[c, pl.ds(s * _RPT, _RPT)])

    return k(h, src3, dst3, zeros)


def _bn_relu(z, g, be):
    m = jnp.mean(z, axis=0, keepdims=True)
    v = jnp.mean(z * z, axis=0, keepdims=True) - m * m
    return jnp.maximum(g * (z - m) * lax.rsqrt(v + 1e-5) + be, 0.0)


def _gin_mlp(p_ref, h_ref, sc_ref, W1_ref, b1_ref, g1_ref, be1_ref,
             W2_ref, b2_ref, g_ref, be_ref):
    pooled = p_ref[0, :_N] + p_ref[1, :_N] + sc_ref[0] * h_ref[...]
    z = jnp.dot(pooled, W1_ref[...], preferred_element_type=jnp.float32) + b1_ref[...]
    hid = _bn_relu(z, g1_ref[...], be1_ref[...])
    z2 = jnp.dot(hid, W2_ref[...], preferred_element_type=jnp.float32) + b2_ref[...]
    return _bn_relu(z2, g_ref[...], be_ref[...])


def _layer_body(p_ref, h_ref, sc_ref, W1_ref, b1_ref, g1_ref, be1_ref,
                W2_ref, b2_ref, g_ref, be_ref, o_ref):
    o_ref[...] = _gin_mlp(p_ref, h_ref, sc_ref, W1_ref, b1_ref, g1_ref,
                          be1_ref, W2_ref, b2_ref, g_ref, be_ref)


def _final_body(p_ref, h_ref, sc_ref, W1_ref, b1_ref, g1_ref, be1_ref,
                W2_ref, b2_ref, g_ref, be_ref, gid_ref,
                fc1W_ref, fc1b_ref, fc2W_ref, fc2b_ref, fc3W_ref, fc3b_ref,
                o_ref):
    hfin = _gin_mlp(p_ref, h_ref, sc_ref, W1_ref, b1_ref, g1_ref, be1_ref,
                    W2_ref, b2_ref, g_ref, be_ref)
    ids = gid_ref[...]
    ohT = (lax.broadcasted_iota(jnp.int32, (_B, _N), 0) == ids).astype(jnp.float32)
    gp = jnp.dot(ohT, hfin, preferred_element_type=jnp.float32)
    z = jnp.maximum(jnp.dot(gp, fc1W_ref[...],
                            preferred_element_type=jnp.float32) + fc1b_ref[...], 0.0)
    z = jnp.maximum(jnp.dot(z, fc2W_ref[...],
                            preferred_element_type=jnp.float32) + fc2b_ref[...], 0.0)
    o_ref[...] = jnp.dot(z, fc3W_ref[...],
                         preferred_element_type=jnp.float32) + fc3b_ref[...]


def _tc_layer(p, h, scale, W1, b1, g1, be1, W2, b2, g, be):
    specs = ([pl.BlockSpec(memory_space=pltpu.VMEM)] * 2
             + [pl.BlockSpec(memory_space=pltpu.SMEM)]
             + [pl.BlockSpec(memory_space=pltpu.VMEM)] * 8)
    return pl.pallas_call(
        _layer_body,
        out_shape=jax.ShapeDtypeStruct((_N, _D), jnp.float32),
        in_specs=specs,
        out_specs=pl.BlockSpec(memory_space=pltpu.VMEM),
    )(p, h, scale, W1, b1, g1, be1, W2, b2, g, be)


def _tc_final(p, h, scale, W1, b1, g1, be1, W2, b2, g, be, gids,
              fc1W, fc1b, fc2W, fc2b, fc3W, fc3b):
    specs = ([pl.BlockSpec(memory_space=pltpu.VMEM)] * 2
             + [pl.BlockSpec(memory_space=pltpu.SMEM)]
             + [pl.BlockSpec(memory_space=pltpu.VMEM)] * 15)
    return pl.pallas_call(
        _final_body,
        out_shape=jax.ShapeDtypeStruct((_B, _C), jnp.float32),
        in_specs=specs,
        out_specs=pl.BlockSpec(memory_space=pltpu.VMEM),
    )(p, h, scale, W1, b1, g1, be1, W2, b2, g, be, gids,
      fc1W, fc1b, fc2W, fc2b, fc3W, fc3b)


def kernel(x, edge_index, graph_ids, eps,
           l0_W1, l0_b1, l0_g1, l0_be1, l0_W2, l0_b2, l0_g, l0_be,
           l1_W1, l1_b1, l1_g1, l1_be1, l1_W2, l1_b2, l1_g, l1_be,
           fc1_W, fc1_b, fc2_W, fc2_b, fc3_W, fc3_b):
    src3 = jnp.pad(edge_index[0].astype(jnp.int32).reshape(_NW, _EPT),
                   ((0, 0), (0, (_CHUNKS + 2) * _K - _EPT))
                   ).reshape(_NW, _CHUNKS + 2, _K)
    dst3 = jnp.pad(edge_index[1].astype(jnp.int32).reshape(_NW, _EPT),
                   ((0, 0), (0, _DCH * _K - _EPT)),
                   constant_values=_N).reshape(_NW, _DCH, _K)
    zeros = jnp.zeros((_NP, _D), jnp.float32)
    scale0 = (1.0 + eps[0]).reshape(1).astype(jnp.float32)
    scale1 = (1.0 + eps[1]).reshape(1).astype(jnp.float32)
    gids = graph_ids.astype(jnp.int32).reshape(1, _N)

    r = lambda a: a.reshape(1, -1).astype(jnp.float32)

    p0 = _sc_scatter_add(x, src3, dst3, zeros)
    h1 = _tc_layer(p0, x, scale0, l0_W1, r(l0_b1), r(l0_g1), r(l0_be1),
                   l0_W2, r(l0_b2), r(l0_g), r(l0_be))
    p1 = _sc_scatter_add(h1, src3, dst3, zeros)
    return _tc_final(p1, h1, scale1, l1_W1, r(l1_b1), r(l1_g1), r(l1_be1),
                     l1_W2, r(l1_b2), r(l1_g), r(l1_be), gids,
                     fc1_W, r(fc1_b), fc2_W, r(fc2_b), fc3_W, r(fc3_b))

# --- scband reference (transcript-rebuilt; emitter-appended) ---
"""Pipeline reference for scband-gin-lgvr-87514253623712 (READ-ONLY COPY).

The authoritative reference and input builder live on the scoring server;
editing this copy changes nothing except your own understanding.
"""

import jax, jax.numpy as jnp
import numpy as np

N = 10000
E = 320000
D = 128
B = 64
C = 10


def _bn(h, g, b):
    m = jnp.mean(h, axis=0, keepdims=True)
    v = jnp.var(h, axis=0, keepdims=True)
    return g * (h - m) / jnp.sqrt(v + 1e-5) + b


def setup_inputs(seed: int = 0) -> dict:
    key = jax.random.key(seed)
    ks = jax.random.split(key, 40)
    inp = {}
    inp["x"] = jax.random.normal(ks[0], (N, D), dtype=jnp.float32)
    inp["edge_index"] = jax.random.randint(ks[1], (2, E), 0, N)
    inp["graph_ids"] = jnp.sort(jax.random.randint(ks[2], (N,), 0, B))
    inp["eps"] = jnp.zeros((2,), dtype=jnp.float32)
    i = 3
    for l in range(2):
        inp[f"l{l}_W1"] = jax.random.normal(ks[i], (D, D), dtype=jnp.float32) * (1.0 / np.sqrt(D)); i += 1
        inp[f"l{l}_b1"] = jnp.zeros((D,), dtype=jnp.float32)
        inp[f"l{l}_g1"] = jnp.ones((D,), dtype=jnp.float32)
        inp[f"l{l}_be1"] = jnp.zeros((D,), dtype=jnp.float32)
        inp[f"l{l}_W2"] = jax.random.normal(ks[i], (D, D), dtype=jnp.float32) * (1.0 / np.sqrt(D)); i += 1
        inp[f"l{l}_b2"] = jnp.zeros((D,), dtype=jnp.float32)
        inp[f"l{l}_g"] = jnp.ones((D,), dtype=jnp.float32)
        inp[f"l{l}_be"] = jnp.zeros((D,), dtype=jnp.float32)
    inp["fc1_W"] = jax.random.normal(ks[i], (D, 64), dtype=jnp.float32) * (1.0 / np.sqrt(D)); i += 1
    inp["fc1_b"] = jnp.zeros((64,), dtype=jnp.float32)
    inp["fc2_W"] = jax.random.normal(ks[i], (64, 32), dtype=jnp.float32) * 0.125; i += 1
    inp["fc2_b"] = jnp.zeros((32,), dtype=jnp.float32)
    inp["fc3_W"] = jax.random.normal(ks[i], (32, C), dtype=jnp.float32) * (1.0 / np.sqrt(32)); i += 1
    inp["fc3_b"] = jnp.zeros((C,), dtype=jnp.float32)
    return inp


def _forward(x, eps, layer_params, fc_params, edge_index, graph_ids):
    src = edge_index[0]
    dst = edge_index[1]
    h = x
    for l in range(2):
        W1, b1, g1, be1, W2, b2, g, be = layer_params[l]
        # sum-pool neighbor aggregation: sparse Adj @ h as scatter-add over edges
        pooled = jnp.zeros_like(h).at[dst].add(h[src])
        # learn_eps=True: add (1+eps)*self feature
        pooled = pooled + (1.0 + eps[l]) * h
        # 2-layer MLP with internal BN+ReLU (GIN MLP)
        hid = jax.nn.relu(_bn(pooled @ W1 + b1, g1, be1))
        out = hid @ W2 + b2
        # outer batch_norm + relu from next_layer_eps
        h = jax.nn.relu(_bn(out, g, be))
    # graph_pooling_type='sum': sparse graph_pool @ h as segment_sum
    gp = jax.ops.segment_sum(h, graph_ids, num_segments=B)
    fc1_W, fc1_b, fc2_W, fc2_b, fc3_W, fc3_b = fc_params
    z = jax.nn.relu(gp @ fc1_W + fc1_b)
    z = jax.nn.relu(z @ fc2_W + fc2_b)
    return z @ fc3_W + fc3_b


def reference(x, edge_index, graph_ids, eps,
              l0_W1, l0_b1, l0_g1, l0_be1, l0_W2, l0_b2, l0_g, l0_be,
              l1_W1, l1_b1, l1_g1, l1_be1, l1_W2, l1_b2, l1_g, l1_be,
              fc1_W, fc1_b, fc2_W, fc2_b, fc3_W, fc3_b):
    layer_params = [
        (l0_W1, l0_b1, l0_g1, l0_be1, l0_W2, l0_b2, l0_g, l0_be),
        (l1_W1, l1_b1, l1_g1, l1_be1, l1_W2, l1_b2, l1_g, l1_be),
    ]
    fc_params = (fc1_W, fc1_b, fc2_W, fc2_b, fc3_W, fc3_b)
    return _forward(x, eps, layer_params, fc_params, edge_index, graph_ids)

if __name__ == "__main__":
    import jax
    _d = setup_inputs()
    print(jax.jit(kernel)(*tuple(_d.values())))

</pallas_src>

<mosaic_0001>
#map = affine_map<(d0, d1) -> (0, 0)>
#map1 = affine_map<(d0, d1) -> (0, 0, 0)>
module attributes {stable_mosaic.version = 14 : i64} {
  func.func @k(%arg0: i32, %arg1: i32, %arg2: memref<10000x128xf32, #tpu.memory_space<hbm>>, %arg3: memref<32x82x128xi32, #tpu.memory_space<hbm>>, %arg4: memref<32x96x128xi32, #tpu.memory_space<hbm>>, %arg5: memref<10112x128xf32, #tpu.memory_space<hbm>>, %arg6: memref<2x10112x128xf32, #tpu.memory_space<hbm>>, %arg7: memref<82x128xi32, #tpu.memory_space<vmem>>, %arg8: memref<8x128xi32, #tpu.memory_space<vmem>>, %arg9: memref<8x128xi32, #tpu.memory_space<vmem>>, %arg10: memref<128x128xf32, #tpu.memory_space<vmem>>, %arg11: memref<128x128xf32, #tpu.memory_space<vmem>>, %arg12: memref<10112x128xf32, #tpu.memory_space<vmem_shared>>, %arg13: memref<!tpu.dma_semaphore, #tpu.memory_space<semaphore_mem>>, %arg14: memref<!tpu.dma_semaphore, #tpu.memory_space<semaphore_mem>>, %arg15: memref<!tpu.dma_semaphore, #tpu.memory_space<semaphore_mem>>, %arg16: memref<!tpu.dma_semaphore, #tpu.memory_space<semaphore_mem>>, %arg17: memref<!tpu.dma_semaphore, #tpu.memory_space<semaphore_mem>>, %arg18: memref<!tpu.dma_semaphore, #tpu.memory_space<semaphore_mem>>) attributes {dimension_semantics = [#tpu.dimension_semantics<core_parallel>, #tpu.dimension_semantics<subcore_parallel>], iteration_bounds = array<i64: 2, 16>, scalar_prefetch = 0 : i64, scratch_operands = 12 : i64, tpu.core_type = #tpu.core_type<sc_vector_subcore>, window_params = [{transform_indices = #map}, {transform_indices = #map1}, {transform_indices = #map1}, {transform_indices = #map}, {transform_indices = #map1}]} {
    %mul3A = arith.constant 16 : i32
    %mul3A_0 = arith.muli %arg0, %mul3A : i32
    %add3A = arith.addi %mul3A_0, %arg1 : i32
    %mul3A_1 = arith.constant 632 : i32
    %mul3A_2 = arith.muli %arg1, %mul3A_1 : i32
    %mul3A_3 = arith.constant 632 : i32
    %mul3A_4 = arith.muli %arg1, %mul3A_3 : i32
    %dma_start3A = arith.constant 0 : i32
    %dma_start3A_5 = tpu.memref_slice %arg12[%mul3A_4, %dma_start3A] : memref<10112x128xf32, #tpu.memory_space<vmem_shared>> -> memref<632x128xf32, #tpu.memory_space<vmem_shared>>
    %dma_start3A_6 = arith.constant 0 : i32
    %dma_start3A_7 = tpu.memref_slice %arg5[%mul3A_2, %dma_start3A_6] : memref<10112x128xf32, #tpu.memory_space<hbm>> -> memref<632x128xf32, #tpu.memory_space<hbm>>
    tpu.enqueue_dma source(%dma_start3A_7 : memref<632x128xf32, #tpu.memory_space<hbm>>) target(%dma_start3A_5 : memref<632x128xf32, #tpu.memory_space<vmem_shared>>) target_semaphore(%arg18 : memref<!tpu.dma_semaphore, #tpu.memory_space<semaphore_mem>>)
    %dma_start3A_8 = arith.constant 0 : i32
    %dma_start3A_9 = arith.constant 0 : i32
    %dma_start3A_10 = tpu.memref_slice %arg3[%add3A, %dma_start3A_8, %dma_start3A_9] : memref<32x82x128xi32, #tpu.memory_space<hbm>> -> memref<1x82x128xi32, #tpu.memory_space<hbm>>
    %dma_start3A_11 = tpu.memref_squeeze %dma_start3A_10 : memref<1x82x128xi32, #tpu.memory_space<hbm>> -> memref<82x128xi32, #tpu.memory_space<hbm>>
    %dma_start3A_12 = arith.constant 0 : i32
    %dma_start3A_13 = arith.constant 0 : i32
    %dma_start3A_14 = tpu.memref_slice %arg3[%add3A, %dma_start3A_12, %dma_start3A_13] : memref<32x82x128xi32, #tpu.memory_space<hbm>> -> memref<1x82x128xi32, #tpu.memory_space<hbm>>
    %dma_start3A_15 = tpu.memref_squeeze %dma_start3A_14 : memref<1x82x128xi32, #tpu.memory_space<hbm>> -> memref<82x128xi32, #tpu.memory_space<hbm>>
    tpu.enqueue_dma source(%dma_start3A_15 : memref<82x128xi32, #tpu.memory_space<hbm>>) target(%arg7 : memref<82x128xi32, #tpu.memory_space<vmem>>) target_semaphore(%arg13 : memref<!tpu.dma_semaphore, #tpu.memory_space<semaphore_mem>>)
    %dma_wait3A = arith.constant 0 : i32
    %dma_wait3A_16 = arith.constant 0 : i32
    %dma_wait3A_17 = tpu.memref_slice %arg3[%add3A, %dma_wait3A, %dma_wait3A_16] : memref<32x82x128xi32, #tpu.memory_space<hbm>> -> memref<1x82x128xi32, #tpu.memory_space<hbm>>
    %dma_wait3A_18 = tpu.memref_squeeze %dma_wait3A_17 : memref<1x82x128xi32, #tpu.memory_space<hbm>> -> memref<82x128xi32, #tpu.memory_space<hbm>>
    %dma_wait3A_19 = arith.constant 0 : i32
    %dma_wait3A_20 = arith.constant 0 : i32
    %dma_wait3A_21 = tpu.memref_slice %arg3[%add3A, %dma_wait3A_19, %dma_wait3A_20] : memref<32x82x128xi32, #tpu.memory_space<hbm>> -> memref<1x82x128xi32, #tpu.memory_space<hbm>>
    %dma_wait3A_22 = tpu.memref_squeeze %dma_wait3A_21 : memref<1x82x128xi32, #tpu.memory_space<hbm>> -> memref<82x128xi32, #tpu.memory_space<hbm>>
    tpu.wait_dma2 semaphore(%arg13 : memref<!tpu.dma_semaphore, #tpu.memory_space<semaphore_mem>>) src(%dma_wait3A_22 : memref<82x128xi32, #tpu.memory_space<hbm>>) dst(%arg7 : memref<82x128xi32, #tpu.memory_space<vmem>>)
    %dma_wait3A_23 = arith.constant 0 : i32
    %dma_wait3A_24 = tpu.memref_slice %arg12[%mul3A_4, %dma_wait3A_23] : memref<10112x128xf32, #tpu.memory_space<vmem_shared>> -> memref<632x128xf32, #tpu.memory_space<vmem_shared>>
    %dma_wait3A_25 = arith.constant 0 : i32
    %dma_wait3A_26 = tpu.memref_slice %arg5[%mul3A_2, %dma_wait3A_25] : memref<10112x128xf32, #tpu.memory_space<hbm>> -> memref<632x128xf32, #tpu.memory_space<hbm>>
    tpu.wait_dma2 semaphore(%arg18 : memref<!tpu.dma_semaphore, #tpu.memory_space<semaphore_mem>>) src(%dma_wait3A_26 : memref<632x128xf32, #tpu.memory_space<hbm>>) dst(%dma_wait3A_24 : memref<632x128xf32, #tpu.memory_space<vmem_shared>>)
    %barrier3A = arith.constant 0 : index
    tpu.barrier barrier_id(%barrier3A)
    %dma_start3A_27 = arith.constant 0 : i32
    %dma_start3A_28 = arith.constant 0 : i32
    %dma_start3A_29 = tpu.memref_slice %arg4[%add3A, %dma_start3A_27, %dma_start3A_28] : memref<32x96x128xi32, #tpu.memory_space<hbm>> -> memref<1x8x128xi32, #tpu.memory_space<hbm>>
    %dma_start3A_30 = tpu.memref_squeeze %dma_start3A_29 : memref<1x8x128xi32, #tpu.memory_space<hbm>> -> memref<8x128xi32, #tpu.memory_space<hbm>>
    %dma_start3A_31 = arith.constant 0 : i32
    %dma_start3A_32 = arith.constant 0 : i32
    %dma_start3A_33 = tpu.memref_slice %arg4[%add3A, %dma_start3A_31, %dma_start3A_32] : memref<32x96x128xi32, #tpu.memory_space<hbm>> -> memref<1x8x128xi32, #tpu.memory_space<hbm>>
    %dma_start3A_34 = tpu.memref_squeeze %dma_start3A_33 : memref<1x8x128xi32, #tpu.memory_space<hbm>> -> memref<8x128xi32, #tpu.memory_space<hbm>>
    tpu.enqueue_dma source(%dma_start3A_34 : memref<8x128xi32, #tpu.memory_space<hbm>>) target(%arg8 : memref<8x128xi32, #tpu.memory_space<vmem>>) target_semaphore(%arg16 : memref<!tpu.dma_semaphore, #tpu.memory_space<semaphore_mem>>)
    %dma_start3A_35 = arith.constant 8 : i32
    %dma_start3A_36 = arith.constant 0 : i32
    %dma_start3A_37 = tpu.memref_slice %arg4[%add3A, %dma_start3A_35, %dma_start3A_36] : memref<32x96x128xi32, #tpu.memory_space<hbm>> -> memref<1x8x128xi32, #tpu.memory_space<hbm>>
    %dma_start3A_38 = tpu.memref_squeeze %dma_start3A_37 : memref<1x8x128xi32, #tpu.memory_space<hbm>> -> memref<8x128xi32, #tpu.memory_space<hbm>>
    %dma_start3A_39 = arith.constant 8 : i32
    %dma_start3A_40 = arith.constant 0 : i32
    %dma_start3A_41 = tpu.memref_slice %arg4[%add3A, %dma_start3A_39, %dma_start3A_40] : memref<32x96x128xi32, #tpu.memory_space<hbm>> -> memref<1x8x128xi32, #tpu.memory_space<hbm>>
    %dma_start3A_42 = tpu.memref_squeeze %dma_start3A_41 : memref<1x8x128xi32, #tpu.memory_space<hbm>> -> memref<8x128xi32, #tpu.memory_space<hbm>>
    tpu.enqueue_dma source(%dma_start3A_42 : memref<8x128xi32, #tpu.memory_space<hbm>>) target(%arg9 : memref<8x128xi32, #tpu.memory_space<vmem>>) target_semaphore(%arg17 : memref<!tpu.dma_semaphore, #tpu.memory_space<semaphore_mem>>)
    %scan3A = arith.constant 0 : i32
    %scan3A_43 = arith.constant 0 : i32
    %scan3A_44 = arith.constant 5 : i32
    %scan3A_45 = arith.addi %scan3A_43, %scan3A_44 : i32
    %scan3A_46 = arith.constant 1 : i32
    scf.for %scan3A_69 = %scan3A_43 to %scan3A_45 step %scan3A_46  : i32 {
      %mul3A_70 = arith.constant 2 : i32
      %mul3A_71 = arith.muli %mul3A_70, %scan3A_69 : i32
      %add3A_72 = arith.constant 0 : i32
      %add3A_73 = arith.addi %mul3A_71, %add3A_72 : i32
      %mul3A_74 = arith.constant 8 : i32
      %mul3A_75 = arith.muli %add3A_73, %mul3A_74 : i32
      %dma_wait3A_76 = arith.constant 0 : i32
      %dma_wait3A_77 = tpu.memref_slice %arg4[%add3A, %mul3A_75, %dma_wait3A_76] : memref<32x96x128xi32, #tpu.memory_space<hbm>> -> memref<1x8x128xi32, #tpu.memory_space<hbm>>
      %dma_wait3A_78 = tpu.memref_squeeze %dma_wait3A_77 : memref<1x8x128xi32, #tpu.memory_space<hbm>> -> memref<8x128xi32, #tpu.memory_space<hbm>>
      %dma_wait3A_79 = arith.constant 0 : i32
      %dma_wait3A_80 = tpu.memref_slice %arg4[%add3A, %mul3A_75, %dma_wait3A_79] : memref<32x96x128xi32, #tpu.memory_space<hbm>> -> memref<1x8x128xi32, #tpu.memory_space<hbm>>
      %dma_wait3A_81 = tpu.memref_squeeze %dma_wait3A_80 : memref<1x8x128xi32, #tpu.memory_space<hbm>> -> memref<8x128xi32, #tpu.memory_space<hbm>>
      tpu.wait_dma2 semaphore(%arg16 : memref<!tpu.dma_semaphore, #tpu.memory_space<semaphore_mem>>) src(%dma_wait3A_81 : memref<8x128xi32, #tpu.memory_space<hbm>>) dst(%arg8 : memref<8x128xi32, #tpu.memory_space<vmem>>)
      %mul3A_82 = arith.constant 8 : i32
      %mul3A_83 = arith.muli %add3A_73, %mul3A_82 : i32
      %dma_start3A_84 = arith.constant 0 : i32
      %dma_start3A_85 = tpu.memref_slice %arg7[%mul3A_83, %dma_start3A_84] : memref<82x128xi32, #tpu.memory_space<vmem>> -> memref<1x128xi32, #tpu.memory_space<vmem>>
      %dma_start3A_86 = tpu.memref_squeeze %dma_start3A_85 : memref<1x128xi32, #tpu.memory_space<vmem>> -> memref<128xi32, #tpu.memory_space<vmem>>
      %dma_start3A_87 = arith.constant 0 : i32
      %dma_start3A_88 = arith.constant 0 : i32
      %dma_start3A_89 = tpu.memref_slice %arg2[%dma_start3A_87, %dma_start3A_88] : memref<10000x128xf32, #tpu.memory_space<hbm>> -> memref<10000x128xf32, #tpu.memory_space<hbm>>
      tpu.enqueue_indirect_dma source(%dma_start3A_89 : memref<10000x128xf32, #tpu.memory_space<hbm>>) target(%arg10 : memref<128x128xf32, #tpu.memory_space<vmem>>) offsets(%dma_start3A_86 : memref<128xi32, #tpu.memory_space<vmem>>) semaphore(%arg13 : memref<!tpu.dma_semaphore, #tpu.memory_space<semaphore_mem>>)
      %dma_wait3A_90 = arith.constant 0 : i32
      %dma_wait3A_91 = tpu.memref_slice %arg7[%mul3A_83, %dma_wait3A_90] : memref<82x128xi32, #tpu.memory_space<vmem>> -> memref<1x128xi32, #tpu.memory_space<vmem>>
      %dma_wait3A_92 = tpu.memref_squeeze %dma_wait3A_91 : memref<1x128xi32, #tpu.memory_space<vmem>> -> memref<128xi32, #tpu.memory_space<vmem>>
      %dma_wait3A_93 = arith.constant 0 : i32
      %dma_wait3A_94 = arith.constant 0 : i32
      %dma_wait3A_95 = tpu.memref_slice %arg2[%dma_wait3A_93, %dma_wait3A_94] : memref<10000x128xf32, #tpu.memory_space<hbm>> -> memref<10000x128xf32, #tpu.memory_space<hbm>>
      tpu.wait_indirect_dma semaphore(%arg13 : memref<!tpu.dma_semaphore, #tpu.memory_space<semaphore_mem>>) src(%dma_wait3A_95 : memref<10000x128xf32, #tpu.memory_space<hbm>>) dst(%arg10 : memref<128x128xf32, #tpu.memory_space<vmem>>)
      %dma_start3A_96 = arith.constant 0 : i32
      %dma_start3A_97 = arith.constant 0 : i32
      %dma_start3A_98 = tpu.memref_slice %arg8[%dma_start3A_96, %dma_start3A_97] : memref<8x128xi32, #tpu.memory_space<vmem>> -> memref<1x128xi32, #tpu.memory_space<vmem>>
      %dma_start3A_99 = tpu.memref_squeeze %dma_start3A_98 : memref<1x128xi32, #tpu.memory_space<vmem>> -> memref<128xi32, #tpu.memory_space<vmem>>
      %dma_start3A_100 = arith.constant 0 : i32
      %dma_start3A_101 = arith.constant 0 : i32
      %dma_start3A_102 = tpu.memref_slice %arg12[%dma_start3A_100, %dma_start3A_101] : memref<10112x128xf32, #tpu.memory_space<vmem_shared>> -> memref<10112x128xf32, #tpu.memory_space<vmem_shared>>
      tpu.enqueue_indirect_dma source(%arg10 : memref<128x128xf32, #tpu.memory_space<vmem>>) target(%dma_start3A_102 : memref<10112x128xf32, #tpu.memory_space<vmem_shared>>) offsets(%dma_start3A_99 : memref<128xi32, #tpu.memory_space<vmem>>) semaphore(%arg14 : memref<!tpu.dma_semaphore, #tpu.memory_space<semaphore_mem>>) {add = true}
      %add3A_103 = arith.constant 1 : i32
      %add3A_104 = arith.addi %mul3A_83, %add3A_103 : i32
      %dma_start3A_105 = arith.constant 0 : i32
      %dma_start3A_106 = tpu.memref_slice %arg7[%add3A_104, %dma_start3A_105] : memref<82x128xi32, #tpu.memory_space<vmem>> -> memref<1x128xi32, #tpu.memory_space<vmem>>
      %dma_start3A_107 = tpu.memref_squeeze %dma_start3A_106 : memref<1x128xi32, #tpu.memory_space<vmem>> -> memref<128xi32, #tpu.memory_space<vmem>>
      %dma_start3A_108 = arith.constant 0 : i32
      %dma_start3A_109 = arith.constant 0 : i32
      %dma_start3A_110 = tpu.memref_slice %arg2[%dma_start3A_108, %dma_start3A_109] : memref<10000x128xf32, #tpu.memory_space<hbm>> -> memref<10000x128xf32, #tpu.memory_space<hbm>>
      tpu.enqueue_indirect_dma source(%dma_start3A_110 : memref<10000x128xf32, #tpu.memory_space<hbm>>) target(%arg11 : memref<128x128xf32, #tpu.memory_space<vmem>>) offsets(%dma_start3A_107 : memref<128xi32, #tpu.memory_space<vmem>>) semaphore(%arg13 : memref<!tpu.dma_semaphore, #tpu.memory_space<semaphore_mem>>)
      %add3A_111 = arith.constant 1 : i32
      %add3A_112 = arith.addi %mul3A_83, %add3A_111 : i32
      %dma_wait3A_113 = arith.constant 0 : i32
      %dma_wait3A_114 = tpu.memref_slice %arg7[%add3A_112, %dma_wait3A_113] : memref<82x128xi32, #tpu.memory_space<vmem>> -> memref<1x128xi32, #tpu.memory_space<vmem>>
      %dma_wait3A_115 = tpu.memref_squeeze %dma_wait3A_114 : memref<1x128xi32, #tpu.memory_space<vmem>> -> memref<128xi32, #tpu.memory_space<vmem>>
      %dma_wait3A_116 = arith.constant 0 : i32
      %dma_wait3A_117 = arith.constant 0 : i32
      %dma_wait3A_118 = tpu.memref_slice %arg2[%dma_wait3A_116, %dma_wait3A_117] : memref<10000x128xf32, #tpu.memory_space<hbm>> -> memref<10000x128xf32, #tpu.memory_space<hbm>>
      tpu.wait_indirect_dma semaphore(%arg13 : memref<!tpu.dma_semaphore, #tpu.memory_space<semaphore_mem>>) src(%dma_wait3A_118 : memref<10000x128xf32, #tpu.memory_space<hbm>>) dst(%arg11 : memref<128x128xf32, #tpu.memory_space<vmem>>)
      %dma_start3A_119 = arith.constant 1 : i32
      %dma_start3A_120 = arith.constant 0 : i32
      %dma_start3A_121 = tpu.memref_slice %arg8[%dma_start3A_119, %dma_start3A_120] : memref<8x128xi32, #tpu.memory_space<vmem>> -> memref<1x128xi32, #tpu.memory_space<vmem>>
      %dma_start3A_122 = tpu.memref_squeeze %dma_start3A_121 : memref<1x128xi32, #tpu.memory_space<vmem>> -> memref<128xi32, #tpu.memory_space<vmem>>
      %dma_start3A_123 = arith.constant 0 : i32
      %dma_start3A_124 = arith.constant 0 : i32
      %dma_start3A_125 = tpu.memref_slice %arg12[%dma_start3A_123, %dma_start3A_124] : memref<10112x128xf32, #tpu.memory_space<vmem_shared>> -> memref<10112x128xf32, #tpu.memory_space<vmem_shared>>
      tpu.enqueue_indirect_dma source(%arg11 : memref<128x128xf32, #tpu.memory_space<vmem>>) target(%dma_start3A_125 : memref<10112x128xf32, #tpu.memory_space<vmem_shared>>) offsets(%dma_start3A_122 : memref<128xi32, #tpu.memory_space<vmem>>) semaphore(%arg15 : memref<!tpu.dma_semaphore, #tpu.memory_space<semaphore_mem>>) {add = true}
      %scan3A_126 = arith.constant 0 : i32
      %scan3A_127 = arith.constant 1 : i32
      %scan3A_128 = arith.constant 3 : i32
      %scan3A_129 = arith.addi %scan3A_127, %scan3A_128 : i32
      %scan3A_130 = arith.constant 1 : i32
      scf.for %scan3A_242 = %scan3A_127 to %scan3A_129 step %scan3A_130  : i32 {
        %mul3A_243 = arith.constant 8 : i32
        %mul3A_244 = arith.muli %add3A_73, %mul3A_243 : i32
        %mul3A_245 = arith.constant 2 : i32
        %mul3A_246 = arith.muli %mul3A_245, %scan3A_242 : i32
        %add3A_247 = arith.addi %mul3A_244, %mul3A_246 : i32
        %dma_wait3A_248 = arith.constant 0 : i32
        %dma_wait3A_249 = arith.constant 0 : i32
        %dma_wait3A_250 = tpu.memref_slice %arg8[%dma_wait3A_248, %dma_wait3A_249] : memref<8x128xi32, #tpu.memory_space<vmem>> -> memref<1x128xi32, #tpu.memory_space<vmem>>
        %dma_wait3A_251 = tpu.memref_squeeze %dma_wait3A_250 : memref<1x128xi32, #tpu.memory_space<vmem>> -> memref<128xi32, #tpu.memory_space<vmem>>
        %dma_wait3A_252 = arith.constant 0 : i32
        %dma_wait3A_253 = arith.constant 0 : i32
        %dma_wait3A_254 = tpu.memref_slice %arg12[%dma_wait3A_252, %dma_wait3A_253] : memref<10112x128xf32, #tpu.memory_space<vmem_shared>> -> memref<10112x128xf32, #tpu.memory_space<vmem_shared>>
        tpu.wait_indirect_dma semaphore(%arg14 : memref<!tpu.dma_semaphore, #tpu.memory_space<semaphore_mem>>) src(%arg10 : memref<128x128xf32, #tpu.memory_space<vmem>>) dst(%dma_wait3A_254 : memref<10112x128xf32, #tpu.memory_space<vmem_shared>>)
        %dma_start3A_255 = arith.constant 0 : i32
        %dma_start3A_256 = tpu.memref_slice %arg7[%add3A_247, %dma_start3A_255] : memref<82x128xi32, #tpu.memory_space<vmem>> -> memref<1x128xi32, #tpu.memory_space<vmem>>
        %dma_start3A_257 = tpu.memref_squeeze %dma_start3A_256 : memref<1x128xi32, #tpu.memory_space<vmem>> -> memref<128xi32, #tpu.memory_space<vmem>>
        %dma_start3A_258 = arith.constant 0 : i32
        %dma_start3A_259 = arith.constant 0 : i32
        %dma_start3A_260 = tpu.memref_slice %arg2[%dma_start3A_258, %dma_start3A_259] : memref<10000x128xf32, #tpu.memory_space<hbm>> -> memref<10000x128xf32, #tpu.memory_space<hbm>>
        tpu.enqueue_indirect_dma source(%dma_start3A_260 : memref<10000x128xf32, #tpu.memory_space<hbm>>) target(%arg10 : memref<128x128xf32, #tpu.memory_space<vmem>>) offsets(%dma_start3A_257 : memref<128xi32, #tpu.memory_space<vmem>>) semaphore(%arg13 : memref<!tpu.dma_semaphore, #tpu.memory_space<semaphore_mem>>)
        %dma_wait3A_261 = arith.constant 0 : i32
        %dma_wait3A_262 = tpu.memref_slice %arg7[%add3A_247, %dma_wait3A_261] : memref<82x128xi32, #tpu.memory_space<vmem>> -> memref<1x128xi32, #tpu.memory_space<vmem>>
        %dma_wait3A_263 = tpu.memref_squeeze %dma_wait3A_262 : memref<1x128xi32, #tpu.memory_space<vmem>> -> memref<128xi32, #tpu.memory_space<vmem>>
        %dma_wait3A_264 = arith.constant 0 : i32
        %dma_wait3A_265 = arith.constant 0 : i32
        %dma_wait3A_266 = tpu.memref_slice %arg2[%dma_wait3A_264, %dma_wait3A_265] : memref<10000x128xf32, #tpu.memory_space<hbm>> -> memref<10000x128xf32, #tpu.memory_space<hbm>>
        tpu.wait_indirect_dma semaphore(%arg13 : memref<!tpu.dma_semaphore, #tpu.memory_space<semaphore_mem>>) src(%dma_wait3A_266 : memref<10000x128xf32, #tpu.memory_space<hbm>>) dst(%arg10 : memref<128x128xf32, #tpu.memory_space<vmem>>)
        %mul3A_267 = arith.constant 2 : i32
        %mul3A_268 = arith.muli %mul3A_267, %scan3A_242 : i32
        %dma_start3A_269 = arith.constant 0 : i32
        %dma_start3A_270 = tpu.memref_slice %arg8[%mul3A_268, %dma_start3A_269] : memref<8x128xi32, #tpu.memory_space<vmem>> -> memref<1x128xi32, #tpu.memory_space<vmem>>
        %dma_start3A_271 = tpu.memref_squeeze %dma_start3A_270 : memref<1x128xi32, #tpu.memory_space<vmem>> -> memref<128xi32, #tpu.memory_space<vmem>>
        %dma_start3A_272 = arith.constant 0 : i32
        %dma_start3A_273 = arith.constant 0 : i32
        %dma_start3A_274 = tpu.memref_slice %arg12[%dma_start3A_272, %dma_start3A_273] : memref<10112x128xf32, #tpu.memory_space<vmem_shared>> -> memref<10112x128xf32, #tpu.memory_space<vmem_shared>>
        tpu.enqueue_indirect_dma source(%arg10 : memref<128x128xf32, #tpu.memory_space<vmem>>) target(%dma_start3A_274 : memref<10112x128xf32, #tpu.memory_space<vmem_shared>>) offsets(%dma_start3A_271 : memref<128xi32, #tpu.memory_space<vmem>>) semaphore(%arg14 : memref<!tpu.dma_semaphore, #tpu.memory_space<semaphore_mem>>) {add = true}
        %dma_wait3A_275 = arith.constant 0 : i32
        %dma_wait3A_276 = arith.constant 0 : i32
        %dma_wait3A_277 = tpu.memref_slice %arg8[%dma_wait3A_275, %dma_wait3A_276] : memref<8x128xi32, #tpu.memory_space<vmem>> -> memref<1x128xi32, #tpu.memory_space<vmem>>
        %dma_wait3A_278 = tpu.memref_squeeze %dma_wait3A_277 : memref<1x128xi32, #tpu.memory_space<vmem>> -> memref<128xi32, #tpu.memory_space<vmem>>
        %dma_wait3A_279 = arith.constant 0 : i32
        %dma_wait3A_280 = arith.constant 0 : i32
        %dma_wait3A_281 = tpu.memref_slice %arg12[%dma_wait3A_279, %dma_wait3A_280] : memref<10112x128xf32, #tpu.memory_space<vmem_shared>> -> memref<10112x128xf32, #tpu.memory_space<vmem_shared>>
        tpu.wait_indirect_dma semaphore(%arg15 : memref<!tpu.dma_semaphore, #tpu.memory_space<semaphore_mem>>) src(%arg11 : memref<128x128xf32, #tpu.memory_space<vmem>>) dst(%dma_wait3A_281 : memref<10112x128xf32, #tpu.memory_space<vmem_shared>>)
        %add3A_282 = arith.constant 1 : i32
        %add3A_283 = arith.addi %add3A_247, %add3A_282 : i32
        %dma_start3A_284 = arith.constant 0 : i32
        %dma_start3A_285 = tpu.memref_slice %arg7[%add3A_283, %dma_start3A_284] : memref<82x128xi32, #tpu.memory_space<vmem>> -> memref<1x128xi32, #tpu.memory_space<vmem>>
        %dma_start3A_286 = tpu.memref_squeeze %dma_start3A_285 : memref<1x128xi32, #tpu.memory_space<vmem>> -> memref<128xi32, #tpu.memory_space<vmem>>
        %dma_start3A_287 = arith.constant 0 : i32
        %dma_start3A_288 = arith.constant 0 : i32
        %dma_start3A_289 = tpu.memref_slice %arg2[%dma_start3A_287, %dma_start3A_288] : memref<10000x128xf32, #tpu.memory_space<hbm>> -> memref<10000x128xf32, #tpu.memory_space<hbm>>
        tpu.enqueue_indirect_dma source(%dma_start3A_289 : memref<10000x128xf32, #tpu.memory_space<hbm>>) target(%arg11 : memref<128x128xf32, #tpu.memory_space<vmem>>) offsets(%dma_start3A_286 : memref<128xi32, #tpu.memory_space<vmem>>) semaphore(%arg13 : memref<!tpu.dma_semaphore, #tpu.memory_space<semaphore_mem>>)
        %add3A_290 = arith.constant 1 : i32
        %add3A_291 = arith.addi %add3A_247, %add3A_290 : i32
        %dma_wait3A_292 = arith.constant 0 : i32
        %dma_wait3A_293 = tpu.memref_slice %arg7[%add3A_291, %dma_wait3A_292] : memref<82x128xi32, #tpu.memory_space<vmem>> -> memref<1x128xi32, #tpu.memory_space<vmem>>
        %dma_wait3A_294 = tpu.memref_squeeze %dma_wait3A_293 : memref<1x128xi32, #tpu.memory_space<vmem>> -> memref<128xi32, #tpu.memory_space<vmem>>
        %dma_wait3A_295 = arith.constant 0 : i32
        %dma_wait3A_296 = arith.constant 0 : i32
        %dma_wait3A_297 = tpu.memref_slice %arg2[%dma_wait3A_295, %dma_wait3A_296] : memref<10000x128xf32, #tpu.memory_space<hbm>> -> memref<10000x128xf32, #tpu.memory_space<hbm>>
        tpu.wait_indirect_dma semaphore(%arg13 : memref<!tpu.dma_semaphore, #tpu.memory_space<semaphore_mem>>) src(%dma_wait3A_297 : memref<10000x128xf32, #tpu.memory_space<hbm>>) dst(%arg11 : memref<128x128xf32, #tpu.memory_space<vmem>>)
        %mul3A_298 = arith.constant 2 : i32
        %mul3A_299 = arith.muli %mul3A_298, %scan3A_242 : i32
        %add3A_300 = arith.constant 1 : i32
        %add3A_301 = arith.addi %mul3A_299, %add3A_300 : i32
        %dma_start3A_302 = arith.constant 0 : i32
        %dma_start3A_303 = tpu.memref_slice %arg8[%add3A_301, %dma_start3A_302] : memref<8x128xi32, #tpu.memory_space<vmem>> -> memref<1x128xi32, #tpu.memory_space<vmem>>
        %dma_start3A_304 = tpu.memref_squeeze %dma_start3A_303 : memref<1x128xi32, #tpu.memory_space<vmem>> -> memref<128xi32, #tpu.memory_space<vmem>>
        %dma_start3A_305 = arith.constant 0 : i32
        %dma_start3A_306 = arith.constant 0 : i32
        %dma_start3A_307 = tpu.memref_slice %arg12[%dma_start3A_305, %dma_start3A_306] : memref<10112x128xf32, #tpu.memory_space<vmem_shared>> -> memref<10112x128xf32, #tpu.memory_space<vmem_shared>>
        tpu.enqueue_indirect_dma source(%arg11 : memref<128x128xf32, #tpu.memory_space<vmem>>) target(%dma_start3A_307 : memref<10112x128xf32, #tpu.memory_space<vmem_shared>>) offsets(%dma_start3A_304 : memref<128xi32, #tpu.memory_space<vmem>>) semaphore(%arg15 : memref<!tpu.dma_semaphore, #tpu.memory_space<semaphore_mem>>) {add = true}
      }
      %scan3A_131 = arith.constant 3 : i32
      %dma_wait3A_132 = arith.constant 0 : i32
      %dma_wait3A_133 = arith.constant 0 : i32
      %dma_wait3A_134 = tpu.memref_slice %arg8[%dma_wait3A_132, %dma_wait3A_133] : memref<8x128xi32, #tpu.memory_space<vmem>> -> memref<1x128xi32, #tpu.memory_space<vmem>>
      %dma_wait3A_135 = tpu.memref_squeeze %dma_wait3A_134 : memref<1x128xi32, #tpu.memory_space<vmem>> -> memref<128xi32, #tpu.memory_space<vmem>>
      %dma_wait3A_136 = arith.constant 0 : i32
      %dma_wait3A_137 = arith.constant 0 : i32
      %dma_wait3A_138 = tpu.memref_slice %arg12[%dma_wait3A_136, %dma_wait3A_137] : memref<10112x128xf32, #tpu.memory_space<vmem_shared>> -> memref<10112x128xf32, #tpu.memory_space<vmem_shared>>
      tpu.wait_indirect_dma semaphore(%arg14 : memref<!tpu.dma_semaphore, #tpu.memory_space<semaphore_mem>>) src(%arg10 : memref<128x128xf32, #tpu.memory_space<vmem>>) dst(%dma_wait3A_138 : memref<10112x128xf32, #tpu.memory_space<vmem_shared>>)
      %dma_wait3A_139 = arith.constant 0 : i32
      %dma_wait3A_140 = arith.constant 0 : i32
      %dma_wait3A_141 = tpu.memref_slice %arg8[%dma_wait3A_139, %dma_wait3A_140] : memref<8x128xi32, #tpu.memory_space<vmem>> -> memref<1x128xi32, #tpu.memory_space<vmem>>
      %dma_wait3A_142 = tpu.memref_squeeze %dma_wait3A_141 : memref<1x128xi32, #tpu.memory_space<vmem>> -> memref<128xi32, #tpu.memory_space<vmem>>
      %dma_wait3A_143 = arith.constant 0 : i32
      %dma_wait3A_144 = arith.constant 0 : i32
      %dma_wait3A_145 = tpu.memref_slice %arg12[%dma_wait3A_143, %dma_wait3A_144] : memref<10112x128xf32, #tpu.memory_space<vmem_shared>> -> memref<10112x128xf32, #tpu.memory_space<vmem_shared>>
      tpu.wait_indirect_dma semaphore(%arg15 : memref<!tpu.dma_semaphore, #tpu.memory_space<semaphore_mem>>) src(%arg11 : memref<128x128xf32, #tpu.memory_space<vmem>>) dst(%dma_wait3A_145 : memref<10112x128xf32, #tpu.memory_space<vmem_shared>>)
      %add3A_146 = arith.constant 2 : i32
      %add3A_147 = arith.addi %add3A_73, %add3A_146 : i32
      %mul3A_148 = arith.constant 8 : i32
      %mul3A_149 = arith.muli %add3A_147, %mul3A_148 : i32
      %dma_start3A_150 = arith.constant 0 : i32
      %dma_start3A_151 = tpu.memref_slice %arg4[%add3A, %mul3A_149, %dma_start3A_150] : memref<32x96x128xi32, #tpu.memory_space<hbm>> -> memref<1x8x128xi32, #tpu.memory_space<hbm>>
      %dma_start3A_152 = tpu.memref_squeeze %dma_start3A_151 : memref<1x8x128xi32, #tpu.memory_space<hbm>> -> memref<8x128xi32, #tpu.memory_space<hbm>>
      %dma_start3A_153 = arith.constant 0 : i32
      %dma_start3A_154 = tpu.memref_slice %arg4[%add3A, %mul3A_149, %dma_start3A_153] : memref<32x96x128xi32, #tpu.memory_space<hbm>> -> memref<1x8x128xi32, #tpu.memory_space<hbm>>
      %dma_start3A_155 = tpu.memref_squeeze %dma_start3A_154 : memref<1x8x128xi32, #tpu.memory_space<hbm>> -> memref<8x128xi32, #tpu.memory_space<hbm>>
      tpu.enqueue_dma source(%dma_start3A_155 : memref<8x128xi32, #tpu.memory_space<hbm>>) target(%arg8 : memref<8x128xi32, #tpu.memory_space<vmem>>) target_semaphore(%arg16 : memref<!tpu.dma_semaphore, #tpu.memory_space<semaphore_mem>>)
      %mul3A_156 = arith.constant 2 : i32
      %mul3A_157 = arith.muli %mul3A_156, %scan3A_69 : i32
      %add3A_158 = arith.constant 1 : i32
      %add3A_159 = arith.addi %mul3A_157, %add3A_158 : i32
      %mul3A_160 = arith.constant 8 : i32
      %mul3A_161 = arith.muli %add3A_159, %mul3A_160 : i32
      %dma_wait3A_162 = arith.constant 0 : i32
      %dma_wait3A_163 = tpu.memref_slice %arg4[%add3A, %mul3A_161, %dma_wait3A_162] : memref<32x96x128xi32, #tpu.memory_space<hbm>> -> memref<1x8x128xi32, #tpu.memory_space<hbm>>
      %dma_wait3A_164 = tpu.memref_squeeze %dma_wait3A_163 : memref<1x8x128xi32, #tpu.memory_space<hbm>> -> memref<8x128xi32, #tpu.memory_space<hbm>>
      %dma_wait3A_165 = arith.constant 0 : i32
      %dma_wait3A_166 = tpu.memref_slice %arg4[%add3A, %mul3A_161, %dma_wait3A_165] : memref<32x96x128xi32, #tpu.memory_space<hbm>> -> memref<1x8x128xi32, #tpu.memory_space<hbm>>
      %dma_wait3A_167 = tpu.memref_squeeze %dma_wait3A_166 : memref<1x8x128xi32, #tpu.memory_space<hbm>> -> memref<8x128xi32, #tpu.memory_space<hbm>>
      tpu.wait_dma2 semaphore(%arg17 : memref<!tpu.dma_semaphore, #tpu.memory_space<semaphore_mem>>) src(%dma_wait3A_167 : memref<8x128xi32, #tpu.memory_space<hbm>>) dst(%arg9 : memref<8x128xi32, #tpu.memory_space<vmem>>)
      %mul3A_168 = arith.constant 8 : i32
      %mul3A_169 = arith.muli %add3A_159, %mul3A_168 : i32
      %dma_start3A_170 = arith.constant 0 : i32
      %dma_start3A_171 = tpu.memref_slice %arg7[%mul3A_169, %dma_start3A_170] : memref<82x128xi32, #tpu.memory_space<vmem>> -> memref<1x128xi32, #tpu.memory_space<vmem>>
      %dma_start3A_172 = tpu.memref_squeeze %dma_start3A_171 : memref<1x128xi32, #tpu.memory_space<vmem>> -> memref<128xi32, #tpu.memory_space<vmem>>
      %dma_start3A_173 = arith.constant 0 : i32
      %dma_start3A_174 = arith.constant 0 : i32
      %dma_start3A_175 = tpu.memref_slice %arg2[%dma_start3A_173, %dma_start3A_174] : memref<10000x128xf32, #tpu.memory_space<hbm>> -> memref<10000x128xf32, #tpu.memory_space<hbm>>
      tpu.enqueue_indirect_dma source(%dma_start3A_175 : memref<10000x128xf32, #tpu.memory_space<hbm>>) target(%arg10 : memref<128x128xf32, #tpu.memory_space<vmem>>) offsets(%dma_start3A_172 : memref<128xi32, #tpu.memory_space<vmem>>) semaphore(%arg13 : memref<!tpu.dma_semaphore, #tpu.memory_space<semaphore_mem>>)
      %dma_wait3A_176 = arith.constant 0 : i32
      %dma_wait3A_177 = tpu.memref_slice %arg7[%mul3A_169, %dma_wait3A_176] : memref<82x128xi32, #tpu.memory_space<vmem>> -> memref<1x128xi32, #tpu.memory_space<vmem>>
      %dma_wait3A_178 = tpu.memref_squeeze %dma_wait3A_177 : memref<1x128xi32, #tpu.memory_space<vmem>> -> memref<128xi32, #tpu.memory_space<vmem>>
      %dma_wait3A_179 = arith.constant 0 : i32
      %dma_wait3A_180 = arith.constant 0 : i32
      %dma_wait3A_181 = tpu.memref_slice %arg2[%dma_wait3A_179, %dma_wait3A_180] : memref<10000x128xf32, #tpu.memory_space<hbm>> -> memref<10000x128xf32, #tpu.memory_space<hbm>>
      tpu.wait_indirect_dma semaphore(%arg13 : memref<!tpu.dma_semaphore, #tpu.memory_space<semaphore_mem>>) src(%dma_wait3A_181 : memref<10000x128xf32, #tpu.memory_space<hbm>>) dst(%arg10 : memref<128x128xf32, #tpu.memory_space<vmem>>)
      %dma_start3A_182 = arith.constant 0 : i32
      %dma_start3A_183 = arith.constant 0 : i32
      %dma_start3A_184 = tpu.memref_slice %arg9[%dma_start3A_182, %dma_start3A_183] : memref<8x128xi32, #tpu.memory_space<vmem>> -> memref<1x128xi32, #tpu.memory_space<vmem>>
      %dma_start3A_185 = tpu.memref_squeeze %dma_start3A_184 : memref<1x128xi32, #tpu.memory_space<vmem>> -> memref<128xi32, #tpu.memory_space<vmem>>
      %dma_start3A_186 = arith.constant 0 : i32
      %dma_start3A_187 = arith.constant 0 : i32
      %dma_start3A_188 = tpu.memref_slice %arg12[%dma_start3A_186, %dma_start3A_187] : memref<10112x128xf32, #tpu.memory_space<vmem_shared>> -> memref<10112x128xf32, #tpu.memory_space<vmem_shared>>
      tpu.enqueue_indirect_dma source(%arg10 : memref<128x128xf32, #tpu.memory_space<vmem>>) target(%dma_start3A_188 : memref<10112x128xf32, #tpu.memory_space<vmem_shared>>) offsets(%dma_start3A_185 : memref<128xi32, #tpu.memory_space<vmem>>) semaphore(%arg14 : memref<!tpu.dma_semaphore, #tpu.memory_space<semaphore_mem>>) {add = true}
      %add3A_189 = arith.constant 1 : i32
      %add3A_190 = arith.addi %mul3A_169, %add3A_189 : i32
      %dma_start3A_191 = arith.constant 0 : i32
      %dma_start3A_192 = tpu.memref_slice %arg7[%add3A_190, %dma_start3A_191] : memref<82x128xi32, #tpu.memory_space<vmem>> -> memref<1x128xi32, #tpu.memory_space<vmem>>
      %dma_start3A_193 = tpu.memref_squeeze %dma_start3A_192 : memref<1x128xi32, #tpu.memory_space<vmem>> -> memref<128xi32, #tpu.memory_space<vmem>>
      %dma_start3A_194 = arith.constant 0 : i32
      %dma_start3A_195 = arith.constant 0 : i32
      %dma_start3A_196 = tpu.memref_slice %arg2[%dma_start3A_194, %dma_start3A_195] : memref<10000x128xf32, #tpu.memory_space<hbm>> -> memref<10000x128xf32, #tpu.memory_space<hbm>>
      tpu.enqueue_indirect_dma source(%dma_start3A_196 : memref<10000x128xf32, #tpu.memory_space<hbm>>) target(%arg11 : memref<128x128xf32, #tpu.memory_space<vmem>>) offsets(%dma_start3A_193 : memref<128xi32, #tpu.memory_space<vmem>>) semaphore(%arg13 : memref<!tpu.dma_semaphore, #tpu.memory_space<semaphore_mem>>)
      %add3A_197 = arith.constant 1 : i32
      %add3A_198 = arith.addi %mul3A_169, %add3A_197 : i32
      %dma_wait3A_199 = arith.constant 0 : i32
      %dma_wait3A_200 = tpu.memref_slice %arg7[%add3A_198, %dma_wait3A_199] : memref<82x128xi32, #tpu.memory_space<vmem>> -> memref<1x128xi32, #tpu.memory_space<vmem>>
      %dma_wait3A_201 = tpu.memref_squeeze %dma_wait3A_200 : memref<1x128xi32, #tpu.memory_space<vmem>> -> memref<128xi32, #tpu.memory_space<vmem>>
      %dma_wait3A_202 = arith.constant 0 : i32
      %dma_wait3A_203 = arith.constant 0 : i32
      %dma_wait3A_204 = tpu.memref_slice %arg2[%dma_wait3A_202, %dma_wait3A_203] : memref<10000x128xf32, #tpu.memory_space<hbm>> -> memref<10000x128xf32, #tpu.memory_space<hbm>>
      tpu.wait_indirect_dma semaphore(%arg13 : memref<!tpu.dma_semaphore, #tpu.memory_space<semaphore_mem>>) src(%dma_wait3A_204 : memref<10000x128xf32, #tpu.memory_space<hbm>>) dst(%arg11 : memref<128x128xf32, #tpu.memory_space<vmem>>)
      %dma_start3A_205 = arith.constant 1 : i32
      %dma_start3A_206 = arith.constant 0 : i32
      %dma_start3A_207 = tpu.memref_slice %arg9[%dma_start3A_205, %dma_start3A_206] : memref<8x128xi32, #tpu.memory_space<vmem>> -> memref<1x128xi32, #tpu.memory_space<vmem>>
      %dma_start3A_208 = tpu.memref_squeeze %dma_start3A_207 : memref<1x128xi32, #tpu.memory_space<vmem>> -> memref<128xi32, #tpu.memory_space<vmem>>
      %dma_start3A_209 = arith.constant 0 : i32
      %dma_start3A_210 = arith.constant 0 : i32
      %dma_start3A_211 = tpu.memref_slice %arg12[%dma_start3A_209, %dma_start3A_210] : memref<10112x128xf32, #tpu.memory_space<vmem_shared>> -> memref<10112x128xf32, #tpu.memory_space<vmem_shared>>
      tpu.enqueue_indirect_dma source(%arg11 : memref<128x128xf32, #tpu.memory_space<vmem>>) target(%dma_start3A_211 : memref<10112x128xf32, #tpu.memory_space<vmem_shared>>) offsets(%dma_start3A_208 : memref<128xi32, #tpu.memory_space<vmem>>) semaphore(%arg15 : memref<!tpu.dma_semaphore, #tpu.memory_space<semaphore_mem>>) {add = true}
      %scan3A_212 = arith.constant 0 : i32
      %scan3A_213 = arith.constant 1 : i32
      %scan3A_214 = arith.constant 3 : i32
      %scan3A_215 = arith.addi %scan3A_213, %scan3A_214 : i32
      %scan3A_216 = arith.constant 1 : i32
      scf.for %scan3A_242 = %scan3A_213 to %scan3A_215 step %scan3A_216  : i32 {
        %mul3A_243 = arith.constant 8 : i32
        %mul3A_244 = arith.muli %add3A_159, %mul3A_243 : i32
        %mul3A_245 = arith.constant 2 : i32
        %mul3A_246 = arith.muli %mul3A_245, %scan3A_242 : i32
        %add3A_247 = arith.addi %mul3A_244, %mul3A_246 : i32
        %dma_wait3A_248 = arith.constant 0 : i32
        %dma_wait3A_249 = arith.constant 0 : i32
        %dma_wait3A_250 = tpu.memref_slice %arg9[%dma_wait3A_248, %dma_wait3A_249] : memref<8x128xi32, #tpu.memory_space<vmem>> -> memref<1x128xi32, #tpu.memory_space<vmem>>
        %dma_wait3A_251 = tpu.memref_squeeze %dma_wait3A_250 : memref<1x128xi32, #tpu.memory_space<vmem>> -> memref<128xi32, #tpu.memory_space<vmem>>
        %dma_wait3A_252 = arith.constant 0 : i32
        %dma_wait3A_253 = arith.constant 0 : i32
        %dma_wait3A_254 = tpu.memref_slice %arg12[%dma_wait3A_252, %dma_wait3A_253] : memref<10112x128xf32, #tpu.memory_space<vmem_shared>> -> memref<10112x128xf32, #tpu.memory_space<vmem_shared>>
        tpu.wait_indirect_dma semaphore(%arg14 : memref<!tpu.dma_semaphore, #tpu.memory_space<semaphore_mem>>) src(%arg10 : memref<128x128xf32, #tpu.memory_space<vmem>>) dst(%dma_wait3A_254 : memref<10112x128xf32, #tpu.memory_space<vmem_shared>>)
        %dma_start3A_255 = arith.constant 0 : i32
        %dma_start3A_256 = tpu.memref_slice %arg7[%add3A_247, %dma_start3A_255] : memref<82x128xi32, #tpu.memory_space<vmem>> -> memref<1x128xi32, #tpu.memory_space<vmem>>
        %dma_start3A_257 = tpu.memref_squeeze %dma_start3A_256 : memref<1x128xi32, #tpu.memory_space<vmem>> -> memref<128xi32, #tpu.memory_space<vmem>>
        %dma_start3A_258 = arith.constant 0 : i32
        %dma_start3A_259 = arith.constant 0 : i32
        %dma_start3A_260 = tpu.memref_slice %arg2[%dma_start3A_258, %dma_start3A_259] : memref<10000x128xf32, #tpu.memory_space<hbm>> -> memref<10000x128xf32, #tpu.memory_space<hbm>>
        tpu.enqueue_indirect_dma source(%dma_start3A_260 : memref<10000x128xf32, #tpu.memory_space<hbm>>) target(%arg10 : memref<128x128xf32, #tpu.memory_space<vmem>>) offsets(%dma_start3A_257 : memref<128xi32, #tpu.memory_space<vmem>>) semaphore(%arg13 : memref<!tpu.dma_semaphore, #tpu.memory_space<semaphore_mem>>)
        %dma_wait3A_261 = arith.constant 0 : i32
        %dma_wait3A_262 = tpu.memref_slice %arg7[%add3A_247, %dma_wait3A_261] : memref<82x128xi32, #tpu.memory_space<vmem>> -> memref<1x128xi32, #tpu.memory_space<vmem>>
        %dma_wait3A_263 = tpu.memref_squeeze %dma_wait3A_262 : memref<1x128xi32, #tpu.memory_space<vmem>> -> memref<128xi32, #tpu.memory_space<vmem>>
        %dma_wait3A_264 = arith.constant 0 : i32
        %dma_wait3A_265 = arith.constant 0 : i32
        %dma_wait3A_266 = tpu.memref_slice %arg2[%dma_wait3A_264, %dma_wait3A_265] : memref<10000x128xf32, #tpu.memory_space<hbm>> -> memref<10000x128xf32, #tpu.memory_space<hbm>>
        tpu.wait_indirect_dma semaphore(%arg13 : memref<!tpu.dma_semaphore, #tpu.memory_space<semaphore_mem>>) src(%dma_wait3A_266 : memref<10000x128xf32, #tpu.memory_space<hbm>>) dst(%arg10 : memref<128x128xf32, #tpu.memory_space<vmem>>)
        %mul3A_267 = arith.constant 2 : i32
        %mul3A_268 = arith.muli %mul3A_267, %scan3A_242 : i32
        %dma_start3A_269 = arith.constant 0 : i32
        %dma_start3A_270 = tpu.memref_slice %arg9[%mul3A_268, %dma_start3A_269] : memref<8x128xi32, #tpu.memory_space<vmem>> -> memref<1x128xi32, #tpu.memory_space<vmem>>
        %dma_start3A_271 = tpu.memref_squeeze %dma_start3A_270 : memref<1x128xi32, #tpu.memory_space<vmem>> -> memref<128xi32, #tpu.memory_space<vmem>>
        %dma_start3A_272 = arith.constant 0 : i32
        %dma_start3A_273 = arith.constant 0 : i32
        %dma_start3A_274 = tpu.memref_slice %arg12[%dma_start3A_272, %dma_start3A_273] : memref<10112x128xf32, #tpu.memory_space<vmem_shared>> -> memref<10112x128xf32, #tpu.memory_space<vmem_shared>>
        tpu.enqueue_indirect_dma source(%arg10 : memref<128x128xf32, #tpu.memory_space<vmem>>) target(%dma_start3A_274 : memref<10112x128xf32, #tpu.memory_space<vmem_shared>>) offsets(%dma_start3A_271 : memref<128xi32, #tpu.memory_space<vmem>>) semaphore(%arg14 : memref<!tpu.dma_semaphore, #tpu.memory_space<semaphore_mem>>) {add = true}
        %dma_wait3A_275 = arith.constant 0 : i32
        %dma_wait3A_276 = arith.constant 0 : i32
        %dma_wait3A_277 = tpu.memref_slice %arg9[%dma_wait3A_275, %dma_wait3A_276] : memref<8x128xi32, #tpu.memory_space<vmem>> -> memref<1x128xi32, #tpu.memory_space<vmem>>
        %dma_wait3A_278 = tpu.memref_squeeze %dma_wait3A_277 : memref<1x128xi32, #tpu.memory_space<vmem>> -> memref<128xi32, #tpu.memory_space<vmem>>
        %dma_wait3A_279 = arith.constant 0 : i32
        %dma_wait3A_280 = arith.constant 0 : i32
        %dma_wait3A_281 = tpu.memref_slice %arg12[%dma_wait3A_279, %dma_wait3A_280] : memref<10112x128xf32, #tpu.memory_space<vmem_shared>> -> memref<10112x128xf32, #tpu.memory_space<vmem_shared>>
        tpu.wait_indirect_dma semaphore(%arg15 : memref<!tpu.dma_semaphore, #tpu.memory_space<semaphore_mem>>) src(%arg11 : memref<128x128xf32, #tpu.memory_space<vmem>>) dst(%dma_wait3A_281 : memref<10112x128xf32, #tpu.memory_space<vmem_shared>>)
        %add3A_282 = arith.constant 1 : i32
        %add3A_283 = arith.addi %add3A_247, %add3A_282 : i32
        %dma_start3A_284 = arith.constant 0 : i32
        %dma_start3A_285 = tpu.memref_slice %arg7[%add3A_283, %dma_start3A_284] : memref<82x128xi32, #tpu.memory_space<vmem>> -> memref<1x128xi32, #tpu.memory_space<vmem>>
        %dma_start3A_286 = tpu.memref_squeeze %dma_start3A_285 : memref<1x128xi32, #tpu.memory_space<vmem>> -> memref<128xi32, #tpu.memory_space<vmem>>
        %dma_start3A_287 = arith.constant 0 : i32
        %dma_start3A_288 = arith.constant 0 : i32
        %dma_start3A_289 = tpu.memref_slice %arg2[%dma_start3A_287, %dma_start3A_288] : memref<10000x128xf32, #tpu.memory_space<hbm>> -> memref<10000x128xf32, #tpu.memory_space<hbm>>
        tpu.enqueue_indirect_dma source(%dma_start3A_289 : memref<10000x128xf32, #tpu.memory_space<hbm>>) target(%arg11 : memref<128x128xf32, #tpu.memory_space<vmem>>) offsets(%dma_start3A_286 : memref<128xi32, #tpu.memory_space<vmem>>) semaphore(%arg13 : memref<!tpu.dma_semaphore, #tpu.memory_space<semaphore_mem>>)
        %add3A_290 = arith.constant 1 : i32
        %add3A_291 = arith.addi %add3A_247, %add3A_290 : i32
        %dma_wait3A_292 = arith.constant 0 : i32
        %dma_wait3A_293 = tpu.memref_slice %arg7[%add3A_291, %dma_wait3A_292] : memref<82x128xi32, #tpu.memory_space<vmem>> -> memref<1x128xi32, #tpu.memory_space<vmem>>
        %dma_wait3A_294 = tpu.memref_squeeze %dma_wait3A_293 : memref<1x128xi32, #tpu.memory_space<vmem>> -> memref<128xi32, #tpu.memory_space<vmem>>
        %dma_wait3A_295 = arith.constant 0 : i32
        %dma_wait3A_296 = arith.constant 0 : i32
        %dma_wait3A_297 = tpu.memref_slice %arg2[%dma_wait3A_295, %dma_wait3A_296] : memref<10000x128xf32, #tpu.memory_space<hbm>> -> memref<10000x128xf32, #tpu.memory_space<hbm>>
        tpu.wait_indirect_dma semaphore(%arg13 : memref<!tpu.dma_semaphore, #tpu.memory_space<semaphore_mem>>) src(%dma_wait3A_297 : memref<10000x128xf32, #tpu.memory_space<hbm>>) dst(%arg11 : memref<128x128xf32, #tpu.memory_space<vmem>>)
        %mul3A_298 = arith.constant 2 : i32
        %mul3A_299 = arith.muli %mul3A_298, %scan3A_242 : i32
        %add3A_300 = arith.constant 1 : i32
        %add3A_301 = arith.addi %mul3A_299, %add3A_300 : i32
        %dma_start3A_302 = arith.constant 0 : i32
        %dma_start3A_303 = tpu.memref_slice %arg9[%add3A_301, %dma_start3A_302] : memref<8x128xi32, #tpu.memory_space<vmem>> -> memref<1x128xi32, #tpu.memory_space<vmem>>
        %dma_start3A_304 = tpu.memref_squeeze %dma_start3A_303 : memref<1x128xi32, #tpu.memory_space<vmem>> -> memref<128xi32, #tpu.memory_space<vmem>>
        %dma_start3A_305 = arith.constant 0 : i32
        %dma_start3A_306 = arith.constant 0 : i32
        %dma_start3A_307 = tpu.memref_slice %arg12[%dma_start3A_305, %dma_start3A_306] : memref<10112x128xf32, #tpu.memory_space<vmem_shared>> -> memref<10112x128xf32, #tpu.memory_space<vmem_shared>>
        tpu.enqueue_indirect_dma source(%arg11 : memref<128x128xf32, #tpu.memory_space<vmem>>) target(%dma_start3A_307 : memref<10112x128xf32, #tpu.memory_space<vmem_shared>>) offsets(%dma_start3A_304 : memref<128xi32, #tpu.memory_space<vmem>>) semaphore(%arg15 : memref<!tpu.dma_semaphore, #tpu.memory_space<semaphore_mem>>) {add = true}
      }
      %scan3A_217 = arith.constant 3 : i32
      %dma_wait3A_218 = arith.constant 0 : i32
      %dma_wait3A_219 = arith.constant 0 : i32
      %dma_wait3A_220 = tpu.memref_slice %arg9[%dma_wait3A_218, %dma_wait3A_219] : memref<8x128xi32, #tpu.memory_space<vmem>> -> memref<1x128xi32, #tpu.memory_space<vmem>>
      %dma_wait3A_221 = tpu.memref_squeeze %dma_wait3A_220 : memref<1x128xi32, #tpu.memory_space<vmem>> -> memref<128xi32, #tpu.memory_space<vmem>>
      %dma_wait3A_222 = arith.constant 0 : i32
      %dma_wait3A_223 = arith.constant 0 : i32
      %dma_wait3A_224 = tpu.memref_slice %arg12[%dma_wait3A_222, %dma_wait3A_223] : memref<10112x128xf32, #tpu.memory_space<vmem_shared>> -> memref<10112x128xf32, #tpu.memory_space<vmem_shared>>
      tpu.wait_indirect_dma semaphore(%arg14 : memref<!tpu.dma_semaphore, #tpu.memory_space<semaphore_mem>>) src(%arg10 : memref<128x128xf32, #tpu.memory_space<vmem>>) dst(%dma_wait3A_224 : memref<10112x128xf32, #tpu.memory_space<vmem_shared>>)
      %dma_wait3A_225 = arith.constant 0 : i32
      %dma_wait3A_226 = arith.constant 0 : i32
      %dma_wait3A_227 = tpu.memref_slice %arg9[%dma_wait3A_225, %dma_wait3A_226] : memref<8x128xi32, #tpu.memory_space<vmem>> -> memref<1x128xi32, #tpu.memory_space<vmem>>
      %dma_wait3A_228 = tpu.memref_squeeze %dma_wait3A_227 : memref<1x128xi32, #tpu.memory_space<vmem>> -> memref<128xi32, #tpu.memory_space<vmem>>
      %dma_wait3A_229 = arith.constant 0 : i32
      %dma_wait3A_230 = arith.constant 0 : i32
      %dma_wait3A_231 = tpu.memref_slice %arg12[%dma_wait3A_229, %dma_wait3A_230] : memref<10112x128xf32, #tpu.memory_space<vmem_shared>> -> memref<10112x128xf32, #tpu.memory_space<vmem_shared>>
      tpu.wait_indirect_dma semaphore(%arg15 : memref<!tpu.dma_semaphore, #tpu.memory_space<semaphore_mem>>) src(%arg11 : memref<128x128xf32, #tpu.memory_space<vmem>>) dst(%dma_wait3A_231 : memref<10112x128xf32, #tpu.memory_space<vmem_shared>>)
      %add3A_232 = arith.constant 2 : i32
      %add3A_233 = arith.addi %add3A_159, %add3A_232 : i32
      %mul3A_234 = arith.constant 8 : i32
      %mul3A_235 = arith.muli %add3A_233, %mul3A_234 : i32
      %dma_start3A_236 = arith.constant 0 : i32
      %dma_start3A_237 = tpu.memref_slice %arg4[%add3A, %mul3A_235, %dma_start3A_236] : memref<32x96x128xi32, #tpu.memory_space<hbm>> -> memref<1x8x128xi32, #tpu.memory_space<hbm>>
      %dma_start3A_238 = tpu.memref_squeeze %dma_start3A_237 : memref<1x8x128xi32, #tpu.memory_space<hbm>> -> memref<8x128xi32, #tpu.memory_space<hbm>>
      %dma_start3A_239 = arith.constant 0 : i32
      %dma_start3A_240 = tpu.memref_slice %arg4[%add3A, %mul3A_235, %dma_start3A_239] : memref<32x96x128xi32, #tpu.memory_space<hbm>> -> memref<1x8x128xi32, #tpu.memory_space<hbm>>
      %dma_start3A_241 = tpu.memref_squeeze %dma_start3A_240 : memref<1x8x128xi32, #tpu.memory_space<hbm>> -> memref<8x128xi32, #tpu.memory_space<hbm>>
      tpu.enqueue_dma source(%dma_start3A_241 : memref<8x128xi32, #tpu.memory_space<hbm>>) target(%arg9 : memref<8x128xi32, #tpu.memory_space<vmem>>) target_semaphore(%arg17 : memref<!tpu.dma_semaphore, #tpu.memory_space<semaphore_mem>>)
    }
    %scan3A_47 = arith.constant 5 : i32
    %dma_wait3A_48 = arith.constant 80 : i32
    %dma_wait3A_49 = arith.constant 0 : i32
    %dma_wait3A_50 = tpu.memref_slice %arg4[%add3A, %dma_wait3A_48, %dma_wait3A_49] : memref<32x96x128xi32, #tpu.memory_space<hbm>> -> memref<1x8x128xi32, #tpu.memory_space<hbm>>
    %dma_wait3A_51 = tpu.memref_squeeze %dma_wait3A_50 : memref<1x8x128xi32, #tpu.memory_space<hbm>> -> memref<8x128xi32, #tpu.memory_space<hbm>>
    %dma_wait3A_52 = arith.constant 80 : i32
    %dma_wait3A_53 = arith.constant 0 : i32
    %dma_wait3A_54 = tpu.memref_slice %arg4[%add3A, %dma_wait3A_52, %dma_wait3A_53] : memref<32x96x128xi32, #tpu.memory_space<hbm>> -> memref<1x8x128xi32, #tpu.memory_space<hbm>>
    %dma_wait3A_55 = tpu.memref_squeeze %dma_wait3A_54 : memref<1x8x128xi32, #tpu.memory_space<hbm>> -> memref<8x128xi32, #tpu.memory_space<hbm>>
    tpu.wait_dma2 semaphore(%arg16 : memref<!tpu.dma_semaphore, #tpu.memory_space<semaphore_mem>>) src(%dma_wait3A_55 : memref<8x128xi32, #tpu.memory_space<hbm>>) dst(%arg8 : memref<8x128xi32, #tpu.memory_space<vmem>>)
    %dma_wait3A_56 = arith.constant 88 : i32
    %dma_wait3A_57 = arith.constant 0 : i32
    %dma_wait3A_58 = tpu.memref_slice %arg4[%add3A, %dma_wait3A_56, %dma_wait3A_57] : memref<32x96x128xi32, #tpu.memory_space<hbm>> -> memref<1x8x128xi32, #tpu.memory_space<hbm>>
    %dma_wait3A_59 = tpu.memref_squeeze %dma_wait3A_58 : memref<1x8x128xi32, #tpu.memory_space<hbm>> -> memref<8x128xi32, #tpu.memory_space<hbm>>
    %dma_wait3A_60 = arith.constant 88 : i32
    %dma_wait3A_61 = arith.constant 0 : i32
    %dma_wait3A_62 = tpu.memref_slice %arg4[%add3A, %dma_wait3A_60, %dma_wait3A_61] : memref<32x96x128xi32, #tpu.memory_space<hbm>> -> memref<1x8x128xi32, #tpu.memory_space<hbm>>
    %dma_wait3A_63 = tpu.memref_squeeze %dma_wait3A_62 : memref<1x8x128xi32, #tpu.memory_space<hbm>> -> memref<8x128xi32, #tpu.memory_space<hbm>>
    tpu.wait_dma2 semaphore(%arg17 : memref<!tpu.dma_semaphore, #tpu.memory_space<semaphore_mem>>) src(%dma_wait3A_63 : memref<8x128xi32, #tpu.memory_space<hbm>>) dst(%arg9 : memref<8x128xi32, #tpu.memory_space<vmem>>)
    %barrier3A_64 = arith.constant 0 : index
    tpu.barrier barrier_id(%barrier3A_64)
    %mul3A_65 = arith.constant 632 : i32
    %mul3A_66 = arith.muli %arg1, %mul3A_65 : i32
    %mul3A_67 = arith.constant 632 : i32
    %mul3A_68 = arith.muli %arg1, %mul3A_67 : i32
    "tpu.region"() ({
      %run_scoped3A = tpu.sem_alloc : memref<!tpu.dma_semaphore, #tpu.memory_space<semaphore_mem>>
      %dma_start3A_69 = arith.constant 0 : i32
      %dma_start3A_70 = tpu.memref_slice %arg6[%arg0, %mul3A_68, %dma_start3A_69] : memref<2x10112x128xf32, #tpu.memory_space<hbm>> -> memref<1x632x128xf32, #tpu.memory_space<hbm>>
      %dma_start3A_71 = tpu.memref_squeeze %dma_start3A_70 : memref<1x632x128xf32, #tpu.memory_space<hbm>> -> memref<632x128xf32, #tpu.memory_space<hbm>>
      %dma_start3A_72 = arith.constant 0 : i32
      %dma_start3A_73 = tpu.memref_slice %arg12[%mul3A_66, %dma_start3A_72] : memref<10112x128xf32, #tpu.memory_space<vmem_shared>> -> memref<632x128xf32, #tpu.memory_space<vmem_shared>>
      tpu.enqueue_dma source(%dma_start3A_73 : memref<632x128xf32, #tpu.memory_space<vmem_shared>>) target(%dma_start3A_71 : memref<632x128xf32, #tpu.memory_space<hbm>>) target_semaphore(%run_scoped3A : memref<!tpu.dma_semaphore, #tpu.memory_space<semaphore_mem>>)
      %dma_wait3A_74 = arith.constant 0 : i32
      %dma_wait3A_75 = tpu.memref_slice %arg6[%arg0, %mul3A_68, %dma_wait3A_74] : memref<2x10112x128xf32, #tpu.memory_space<hbm>> -> memref<1x632x128xf32, #tpu.memory_space<hbm>>
      %dma_wait3A_76 = tpu.memref_squeeze %dma_wait3A_75 : memref<1x632x128xf32, #tpu.memory_space<hbm>> -> memref<632x128xf32, #tpu.memory_space<hbm>>
      %dma_wait3A_77 = arith.constant 0 : i32
      %dma_wait3A_78 = tpu.memref_slice %arg12[%mul3A_66, %dma_wait3A_77] : memref<10112x128xf32, #tpu.memory_space<vmem_shared>> -> memref<632x128xf32, #tpu.memory_space<vmem_shared>>
      tpu.wait_dma2 semaphore(%run_scoped3A : memref<!tpu.dma_semaphore, #tpu.memory_space<semaphore_mem>>) src(%dma_wait3A_78 : memref<632x128xf32, #tpu.memory_space<vmem_shared>>) dst(%dma_wait3A_76 : memref<632x128xf32, #tpu.memory_space<hbm>>)
      tpu.yield
    }) : () -> ()
    return
  }
}

#map = affine_map<(d0, d1) -> (0, 0)>
#map1 = affine_map<(d0, d1) -> (0, 0, 0)>
module attributes {stable_mosaic.version = 14 : i64} {
  func.func @k(%arg0: i32, %arg1: i32, %arg2: memref<10000x128xf32, #tpu.memory_space<hbm>>, %arg3: memref<32x82x128xi32, #tpu.memory_space<hbm>>, %arg4: memref<32x96x128xi32, #tpu.memory_space<hbm>>, %arg5: memref<10112x128xf32, #tpu.memory_space<hbm>>, %arg6: memref<2x10112x128xf32, #tpu.memory_space<hbm>>, %arg7: memref<82x128xi32, #tpu.memory_space<vmem>>, %arg8: memref<8x128xi32, #tpu.memory_space<vmem>>, %arg9: memref<8x128xi32, #tpu.memory_space<vmem>>, %arg10: memref<128x128xf32, #tpu.memory_space<vmem>>, %arg11: memref<128x128xf32, #tpu.memory_space<vmem>>, %arg12: memref<10112x128xf32, #tpu.memory_space<vmem_shared>>, %arg13: memref<!tpu.dma_semaphore, #tpu.memory_space<semaphore_mem>>, %arg14: memref<!tpu.dma_semaphore, #tpu.memory_space<semaphore_mem>>, %arg15: memref<!tpu.dma_semaphore, #tpu.memory_space<semaphore_mem>>, %arg16: memref<!tpu.dma_semaphore, #tpu.memory_space<semaphore_mem>>, %arg17: memref<!tpu.dma_semaphore, #tpu.memory_space<semaphore_mem>>, %arg18: memref<!tpu.dma_semaphore, #tpu.memory_space<semaphore_mem>>) attributes {dimension_semantics = [#tpu.dimension_semantics<core_parallel>, #tpu.dimension_semantics<subcore_parallel>], iteration_bounds = array<i64: 2, 16>, scalar_prefetch = 0 : i64, scratch_operands = 12 : i64, tpu.core_type = #tpu.core_type<sc_vector_subcore>, window_params = [{transform_indices = #map}, {transform_indices = #map1}, {transform_indices = #map1}, {transform_indices = #map}, {transform_indices = #map1}]} {
    %mul3A = arith.constant 16 : i32
    %mul3A_0 = arith.muli %arg0, %mul3A : i32
    %add3A = arith.addi %mul3A_0, %arg1 : i32
    %mul3A_1 = arith.constant 632 : i32
    %mul3A_2 = arith.muli %arg1, %mul3A_1 : i32
    %mul3A_3 = arith.constant 632 : i32
    %mul3A_4 = arith.muli %arg1, %mul3A_3 : i32
    %dma_start3A = arith.constant 0 : i32
    %dma_start3A_5 = tpu.memref_slice %arg12[%mul3A_4, %dma_start3A] : memref<10112x128xf32, #tpu.memory_space<vmem_shared>> -> memref<632x128xf32, #tpu.memory_space<vmem_shared>>
    %dma_start3A_6 = arith.constant 0 : i32
    %dma_start3A_7 = tpu.memref_slice %arg5[%mul3A_2, %dma_start3A_6] : memref<10112x128xf32, #tpu.memory_space<hbm>> -> memref<632x128xf32, #tpu.memory_space<hbm>>
    tpu.enqueue_dma source(%dma_start3A_7 : memref<632x128xf32, #tpu.memory_space<hbm>>) target(%dma_start3A_5 : memref<632x128xf32, #tpu.memory_space<vmem_shared>>) target_semaphore(%arg18 : memref<!tpu.dma_semaphore, #tpu.memory_space<semaphore_mem>>)
    %dma_start3A_8 = arith.constant 0 : i32
    %dma_start3A_9 = arith.constant 0 : i32
    %dma_start3A_10 = tpu.memref_slice %arg3[%add3A, %dma_start3A_8, %dma_start3A_9] : memref<32x82x128xi32, #tpu.memory_space<hbm>> -> memref<1x82x128xi32, #tpu.memory_space<hbm>>
    %dma_start3A_11 = tpu.memref_squeeze %dma_start3A_10 : memref<1x82x128xi32, #tpu.memory_space<hbm>> -> memref<82x128xi32, #tpu.memory_space<hbm>>
    %dma_start3A_12 = arith.constant 0 : i32
    %dma_start3A_13 = arith.constant 0 : i32
    %dma_start3A_14 = tpu.memref_slice %arg3[%add3A, %dma_start3A_12, %dma_start3A_13] : memref<32x82x128xi32, #tpu.memory_space<hbm>> -> memref<1x82x128xi32, #tpu.memory_space<hbm>>
    %dma_start3A_15 = tpu.memref_squeeze %dma_start3A_14 : memref<1x82x128xi32, #tpu.memory_space<hbm>> -> memref<82x128xi32, #tpu.memory_space<hbm>>
    tpu.enqueue_dma source(%dma_start3A_15 : memref<82x128xi32, #tpu.memory_space<hbm>>) target(%arg7 : memref<82x128xi32, #tpu.memory_space<vmem>>) target_semaphore(%arg13 : memref<!tpu.dma_semaphore, #tpu.memory_space<semaphore_mem>>)
    %dma_wait3A = arith.constant 0 : i32
    %dma_wait3A_16 = arith.constant 0 : i32
    %dma_wait3A_17 = tpu.memref_slice %arg3[%add3A, %dma_wait3A, %dma_wait3A_16] : memref<32x82x128xi32, #tpu.memory_space<hbm>> -> memref<1x82x128xi32, #tpu.memory_space<hbm>>
    %dma_wait3A_18 = tpu.memref_squeeze %dma_wait3A_17 : memref<1x82x128xi32, #tpu.memory_space<hbm>> -> memref<82x128xi32, #tpu.memory_space<hbm>>
    %dma_wait3A_19 = arith.constant 0 : i32
    %dma_wait3A_20 = arith.constant 0 : i32
    %dma_wait3A_21 = tpu.memref_slice %arg3[%add3A, %dma_wait3A_19, %dma_wait3A_20] : memref<32x82x128xi32, #tpu.memory_space<hbm>> -> memref<1x82x128xi32, #tpu.memory_space<hbm>>
    %dma_wait3A_22 = tpu.memref_squeeze %dma_wait3A_21 : memref<1x82x128xi32, #tpu.memory_space<hbm>> -> memref<82x128xi32, #tpu.memory_space<hbm>>
    tpu.wait_dma2 semaphore(%arg13 : memref<!tpu.dma_semaphore, #tpu.memory_space<semaphore_mem>>) src(%dma_wait3A_22 : memref<82x128xi32, #tpu.memory_space<hbm>>) dst(%arg7 : memref<82x128xi32, #tpu.memory_space<vmem>>)
    %dma_wait3A_23 = arith.constant 0 : i32
    %dma_wait3A_24 = tpu.memref_slice %arg12[%mul3A_4, %dma_wait3A_23] : memref<10112x128xf32, #tpu.memory_space<vmem_shared>> -> memref<632x128xf32, #tpu.memory_space<vmem_shared>>
    %dma_wait3A_25 = arith.constant 0 : i32
    %dma_wait3A_26 = tpu.memref_slice %arg5[%mul3A_2, %dma_wait3A_25] : memref<10112x128xf32, #tpu.memory_space<hbm>> -> memref<632x128xf32, #tpu.memory_space<hbm>>
    tpu.wait_dma2 semaphore(%arg18 : memref<!tpu.dma_semaphore, #tpu.memory_space<semaphore_mem>>) src(%dma_wait3A_26 : memref<632x128xf32, #tpu.memory_space<hbm>>) dst(%dma_wait3A_24 : memref<632x128xf32, #tpu.memory_space<vmem_shared>>)
    %barrier3A = arith.constant 0 : index
    tpu.barrier barrier_id(%barrier3A)
    %dma_start3A_27 = arith.constant 0 : i32
    %dma_start3A_28 = arith.constant 0 : i32
    %dma_start3A_29 = tpu.memref_slice %arg4[%add3A, %dma_start3A_27, %dma_start3A_28] : memref<32x96x128xi32, #tpu.memory_space<hbm>> -> memref<1x8x128xi32, #tpu.memory_space<hbm>>
    %dma_start3A_30 = tpu.memref_squeeze %dma_start3A_29 : memref<1x8x128xi32, #tpu.memory_space<hbm>> -> memref<8x128xi32, #tpu.memory_space<hbm>>
    %dma_start3A_31 = arith.constant 0 : i32
    %dma_start3A_32 = arith.constant 0 : i32
    %dma_start3A_33 = tpu.memref_slice %arg4[%add3A, %dma_start3A_31, %dma_start3A_32] : memref<32x96x128xi32, #tpu.memory_space<hbm>> -> memref<1x8x128xi32, #tpu.memory_space<hbm>>
    %dma_start3A_34 = tpu.memref_squeeze %dma_start3A_33 : memref<1x8x128xi32, #tpu.memory_space<hbm>> -> memref<8x128xi32, #tpu.memory_space<hbm>>
    tpu.enqueue_dma source(%dma_start3A_34 : memref<8x128xi32, #tpu.memory_space<hbm>>) target(%arg8 : memref<8x128xi32, #tpu.memory_space<vmem>>) target_semaphore(%arg16 : memref<!tpu.dma_semaphore, #tpu.memory_space<semaphore_mem>>)
    %dma_start3A_35 = arith.constant 8 : i32
    %dma_start3A_36 = arith.constant 0 : i32
    %dma_start3A_37 = tpu.memref_slice %arg4[%add3A, %dma_start3A_35, %dma_start3A_36] : memref<32x96x128xi32, #tpu.memory_space<hbm>> -> memref<1x8x128xi32, #tpu.memory_space<hbm>>
    %dma_start3A_38 = tpu.memref_squeeze %dma_start3A_37 : memref<1x8x128xi32, #tpu.memory_space<hbm>> -> memref<8x128xi32, #tpu.memory_space<hbm>>
    %dma_start3A_39 = arith.constant 8 : i32
    %dma_start3A_40 = arith.constant 0 : i32
    %dma_start3A_41 = tpu.memref_slice %arg4[%add3A, %dma_start3A_39, %dma_start3A_40] : memref<32x96x128xi32, #tpu.memory_space<hbm>> -> memref<1x8x128xi32, #tpu.memory_space<hbm>>
    %dma_start3A_42 = tpu.memref_squeeze %dma_start3A_41 : memref<1x8x128xi32, #tpu.memory_space<hbm>> -> memref<8x128xi32, #tpu.memory_space<hbm>>
    tpu.enqueue_dma source(%dma_start3A_42 : memref<8x128xi32, #tpu.memory_space<hbm>>) target(%arg9 : memref<8x128xi32, #tpu.memory_space<vmem>>) target_semaphore(%arg17 : memref<!tpu.dma_semaphore, #tpu.memory_space<semaphore_mem>>)
    %scan3A = arith.constant 0 : i32
    %scan3A_43 = arith.constant 0 : i32
    %scan3A_44 = arith.constant 5 : i32
    %scan3A_45 = arith.addi %scan3A_43, %scan3A_44 : i32
    %scan3A_46 = arith.constant 1 : i32
    scf.for %scan3A_69 = %scan3A_43 to %scan3A_45 step %scan3A_46  : i32 {
      %mul3A_70 = arith.constant 2 : i32
      %mul3A_71 = arith.muli %mul3A_70, %scan3A_69 : i32
      %add3A_72 = arith.constant 0 : i32
      %add3A_73 = arith.addi %mul3A_71, %add3A_72 : i32
      %mul3A_74 = arith.constant 8 : i32
      %mul3A_75 = arith.muli %add3A_73, %mul3A_74 : i32
      %dma_wait3A_76 = arith.constant 0 : i32
      %dma_wait3A_77 = tpu.memref_slice %arg4[%add3A, %mul3A_75, %dma_wait3A_76] : memref<32x96x128xi32, #tpu.memory_space<hbm>> -> memref<1x8x128xi32, #tpu.memory_space<hbm>>
      %dma_wait3A_78 = tpu.memref_squeeze %dma_wait3A_77 : memref<1x8x128xi32, #tpu.memory_space<hbm>> -> memref<8x128xi32, #tpu.memory_space<hbm>>
      %dma_wait3A_79 = arith.constant 0 : i32
      %dma_wait3A_80 = tpu.memref_slice %arg4[%add3A, %mul3A_75, %dma_wait3A_79] : memref<32x96x128xi32, #tpu.memory_space<hbm>> -> memref<1x8x128xi32, #tpu.memory_space<hbm>>
      %dma_wait3A_81 = tpu.memref_squeeze %dma_wait3A_80 : memref<1x8x128xi32, #tpu.memory_space<hbm>> -> memref<8x128xi32, #tpu.memory_space<hbm>>
      tpu.wait_dma2 semaphore(%arg16 : memref<!tpu.dma_semaphore, #tpu.memory_space<semaphore_mem>>) src(%dma_wait3A_81 : memref<8x128xi32, #tpu.memory_space<hbm>>) dst(%arg8 : memref<8x128xi32, #tpu.memory_space<vmem>>)
      %mul3A_82 = arith.constant 8 : i32
      %mul3A_83 = arith.muli %add3A_73, %mul3A_82 : i32
      %dma_start3A_84 = arith.constant 0 : i32
      %dma_start3A_85 = tpu.memref_slice %arg7[%mul3A_83, %dma_start3A_84] : memref<82x128xi32, #tpu.memory_space<vmem>> -> memref<1x128xi32, #tpu.memory_space<vmem>>
      %dma_start3A_86 = tpu.memref_squeeze %dma_start3A_85 : memref<1x128xi32, #tpu.memory_space<vmem>> -> memref<128xi32, #tpu.memory_space<vmem>>
      %dma_start3A_87 = arith.constant 0 : i32
      %dma_start3A_88 = arith.constant 0 : i32
      %dma_start3A_89 = tpu.memref_slice %arg2[%dma_start3A_87, %dma_start3A_88] : memref<10000x128xf32, #tpu.memory_space<hbm>> -> memref<10000x128xf32, #tpu.memory_space<hbm>>
      tpu.enqueue_indirect_dma source(%dma_start3A_89 : memref<10000x128xf32, #tpu.memory_space<hbm>>) target(%arg10 : memref<128x128xf32, #tpu.memory_space<vmem>>) offsets(%dma_start3A_86 : memref<128xi32, #tpu.memory_space<vmem>>) semaphore(%arg13 : memref<!tpu.dma_semaphore, #tpu.memory_space<semaphore_mem>>)
      %dma_wait3A_90 = arith.constant 0 : i32
      %dma_wait3A_91 = tpu.memref_slice %arg7[%mul3A_83, %dma_wait3A_90] : memref<82x128xi32, #tpu.memory_space<vmem>> -> memref<1x128xi32, #tpu.memory_space<vmem>>
      %dma_wait3A_92 = tpu.memref_squeeze %dma_wait3A_91 : memref<1x128xi32, #tpu.memory_space<vmem>> -> memref<128xi32, #tpu.memory_space<vmem>>
      %dma_wait3A_93 = arith.constant 0 : i32
      %dma_wait3A_94 = arith.constant 0 : i32
      %dma_wait3A_95 = tpu.memref_slice %arg2[%dma_wait3A_93, %dma_wait3A_94] : memref<10000x128xf32, #tpu.memory_space<hbm>> -> memref<10000x128xf32, #tpu.memory_space<hbm>>
      tpu.wait_indirect_dma semaphore(%arg13 : memref<!tpu.dma_semaphore, #tpu.memory_space<semaphore_mem>>) src(%dma_wait3A_95 : memref<10000x128xf32, #tpu.memory_space<hbm>>) dst(%arg10 : memref<128x128xf32, #tpu.memory_space<vmem>>)
      %dma_start3A_96 = arith.constant 0 : i32
      %dma_start3A_97 = arith.constant 0 : i32
      %dma_start3A_98 = tpu.memref_slice %arg8[%dma_start3A_96, %dma_start3A_97] : memref<8x128xi32, #tpu.memory_space<vmem>> -> memref<1x128xi32, #tpu.memory_space<vmem>>
      %dma_start3A_99 = tpu.memref_squeeze %dma_start3A_98 : memref<1x128xi32, #tpu.memory_space<vmem>> -> memref<128xi32, #tpu.memory_space<vmem>>
      %dma_start3A_100 = arith.constant 0 : i32
      %dma_start3A_101 = arith.constant 0 : i32
      %dma_start3A_102 = tpu.memref_slice %arg12[%dma_start3A_100, %dma_start3A_101] : memref<10112x128xf32, #tpu.memory_space<vmem_shared>> -> memref<10112x128xf32, #tpu.memory_space<vmem_shared>>
      tpu.enqueue_indirect_dma source(%arg10 : memref<128x128xf32, #tpu.memory_space<vmem>>) target(%dma_start3A_102 : memref<10112x128xf32, #tpu.memory_space<vmem_shared>>) offsets(%dma_start3A_99 : memref<128xi32, #tpu.memory_space<vmem>>) semaphore(%arg14 : memref<!tpu.dma_semaphore, #tpu.memory_space<semaphore_mem>>) {add = true}
      %add3A_103 = arith.constant 1 : i32
      %add3A_104 = arith.addi %mul3A_83, %add3A_103 : i32
      %dma_start3A_105 = arith.constant 0 : i32
      %dma_start3A_106 = tpu.memref_slice %arg7[%add3A_104, %dma_start3A_105] : memref<82x128xi32, #tpu.memory_space<vmem>> -> memref<1x128xi32, #tpu.memory_space<vmem>>
      %dma_start3A_107 = tpu.memref_squeeze %dma_start3A_106 : memref<1x128xi32, #tpu.memory_space<vmem>> -> memref<128xi32, #tpu.memory_space<vmem>>
      %dma_start3A_108 = arith.constant 0 : i32
      %dma_start3A_109 = arith.constant 0 : i32
      %dma_start3A_110 = tpu.memref_slice %arg2[%dma_start3A_108, %dma_start3A_109] : memref<10000x128xf32, #tpu.memory_space<hbm>> -> memref<10000x128xf32, #tpu.memory_space<hbm>>
      tpu.enqueue_indirect_dma source(%dma_start3A_110 : memref<10000x128xf32, #tpu.memory_space<hbm>>) target(%arg11 : memref<128x128xf32, #tpu.memory_space<vmem>>) offsets(%dma_start3A_107 : memref<128xi32, #tpu.memory_space<vmem>>) semaphore(%arg13 : memref<!tpu.dma_semaphore, #tpu.memory_space<semaphore_mem>>)
      %add3A_111 = arith.constant 1 : i32
      %add3A_112 = arith.addi %mul3A_83, %add3A_111 : i32
      %dma_wait3A_113 = arith.constant 0 : i32
      %dma_wait3A_114 = tpu.memref_slice %arg7[%add3A_112, %dma_wait3A_113] : memref<82x128xi32, #tpu.memory_space<vmem>> -> memref<1x128xi32, #tpu.memory_space<vmem>>
      %dma_wait3A_115 = tpu.memref_squeeze %dma_wait3A_114 : memref<1x128xi32, #tpu.memory_space<vmem>> -> memref<128xi32, #tpu.memory_space<vmem>>
      %dma_wait3A_116 = arith.constant 0 : i32
      %dma_wait3A_117 = arith.constant 0 : i32
      %dma_wait3A_118 = tpu.memref_slice %arg2[%dma_wait3A_116, %dma_wait3A_117] : memref<10000x128xf32, #tpu.memory_space<hbm>> -> memref<10000x128xf32, #tpu.memory_space<hbm>>
      tpu.wait_indirect_dma semaphore(%arg13 : memref<!tpu.dma_semaphore, #tpu.memory_space<semaphore_mem>>) src(%dma_wait3A_118 : memref<10000x128xf32, #tpu.memory_space<hbm>>) dst(%arg11 : memref<128x128xf32, #tpu.memory_space<vmem>>)
      %dma_start3A_119 = arith.constant 1 : i32
      %dma_start3A_120 = arith.constant 0 : i32
      %dma_start3A_121 = tpu.memref_slice %arg8[%dma_start3A_119, %dma_start3A_120] : memref<8x128xi32, #tpu.memory_space<vmem>> -> memref<1x128xi32, #tpu.memory_space<vmem>>
      %dma_start3A_122 = tpu.memref_squeeze %dma_start3A_121 : memref<1x128xi32, #tpu.memory_space<vmem>> -> memref<128xi32, #tpu.memory_space<vmem>>
      %dma_start3A_123 = arith.constant 0 : i32
      %dma_start3A_124 = arith.constant 0 : i32
      %dma_start3A_125 = tpu.memref_slice %arg12[%dma_start3A_123, %dma_start3A_124] : memref<10112x128xf32, #tpu.memory_space<vmem_shared>> -> memref<10112x128xf32, #tpu.memory_space<vmem_shared>>
      tpu.enqueue_indirect_dma source(%arg11 : memref<128x128xf32, #tpu.memory_space<vmem>>) target(%dma_start3A_125 : memref<10112x128xf32, #tpu.memory_space<vmem_shared>>) offsets(%dma_start3A_122 : memref<128xi32, #tpu.memory_space<vmem>>) semaphore(%arg15 : memref<!tpu.dma_semaphore, #tpu.memory_space<semaphore_mem>>) {add = true}
      %scan3A_126 = arith.constant 0 : i32
      %scan3A_127 = arith.constant 1 : i32
      %scan3A_128 = arith.constant 3 : i32
      %scan3A_129 = arith.addi %scan3A_127, %scan3A_128 : i32
      %scan3A_130 = arith.constant 1 : i32
      scf.for %scan3A_242 = %scan3A_127 to %scan3A_129 step %scan3A_130  : i32 {
        %mul3A_243 = arith.constant 8 : i32
        %mul3A_244 = arith.muli %add3A_73, %mul3A_243 : i32
        %mul3A_245 = arith.constant 2 : i32
        %mul3A_246 = arith.muli %mul3A_245, %scan3A_242 : i32
        %add3A_247 = arith.addi %mul3A_244, %mul3A_246 : i32
        %dma_wait3A_248 = arith.constant 0 : i32
        %dma_wait3A_249 = arith.constant 0 : i32
        %dma_wait3A_250 = tpu.memref_slice %arg8[%dma_wait3A_248, %dma_wait3A_249] : memref<8x128xi32, #tpu.memory_space<vmem>> -> memref<1x128xi32, #tpu.memory_space<vmem>>
        %dma_wait3A_251 = tpu.memref_squeeze %dma_wait3A_250 : memref<1x128xi32, #tpu.memory_space<vmem>> -> memref<128xi32, #tpu.memory_space<vmem>>
        %dma_wait3A_252 = arith.constant 0 : i32
        %dma_wait3A_253 = arith.constant 0 : i32
        %dma_wait3A_254 = tpu.memref_slice %arg12[%dma_wait3A_252, %dma_wait3A_253] : memref<10112x128xf32, #tpu.memory_space<vmem_shared>> -> memref<10112x128xf32, #tpu.memory_space<vmem_shared>>
        tpu.wait_indirect_dma semaphore(%arg14 : memref<!tpu.dma_semaphore, #tpu.memory_space<semaphore_mem>>) src(%arg10 : memref<128x128xf32, #tpu.memory_space<vmem>>) dst(%dma_wait3A_254 : memref<10112x128xf32, #tpu.memory_space<vmem_shared>>)
        %dma_start3A_255 = arith.constant 0 : i32
        %dma_start3A_256 = tpu.memref_slice %arg7[%add3A_247, %dma_start3A_255] : memref<82x128xi32, #tpu.memory_space<vmem>> -> memref<1x128xi32, #tpu.memory_space<vmem>>
        %dma_start3A_257 = tpu.memref_squeeze %dma_start3A_256 : memref<1x128xi32, #tpu.memory_space<vmem>> -> memref<128xi32, #tpu.memory_space<vmem>>
        %dma_start3A_258 = arith.constant 0 : i32
        %dma_start3A_259 = arith.constant 0 : i32
        %dma_start3A_260 = tpu.memref_slice %arg2[%dma_start3A_258, %dma_start3A_259] : memref<10000x128xf32, #tpu.memory_space<hbm>> -> memref<10000x128xf32, #tpu.memory_space<hbm>>
        tpu.enqueue_indirect_dma source(%dma_start3A_260 : memref<10000x128xf32, #tpu.memory_space<hbm>>) target(%arg10 : memref<128x128xf32, #tpu.memory_space<vmem>>) offsets(%dma_start3A_257 : memref<128xi32, #tpu.memory_space<vmem>>) semaphore(%arg13 : memref<!tpu.dma_semaphore, #tpu.memory_space<semaphore_mem>>)
        %dma_wait3A_261 = arith.constant 0 : i32
        %dma_wait3A_262 = tpu.memref_slice %arg7[%add3A_247, %dma_wait3A_261] : memref<82x128xi32, #tpu.memory_space<vmem>> -> memref<1x128xi32, #tpu.memory_space<vmem>>
        %dma_wait3A_263 = tpu.memref_squeeze %dma_wait3A_262 : memref<1x128xi32, #tpu.memory_space<vmem>> -> memref<128xi32, #tpu.memory_space<vmem>>
        %dma_wait3A_264 = arith.constant 0 : i32
        %dma_wait3A_265 = arith.constant 0 : i32
        %dma_wait3A_266 = tpu.memref_slice %arg2[%dma_wait3A_264, %dma_wait3A_265] : memref<10000x128xf32, #tpu.memory_space<hbm>> -> memref<10000x128xf32, #tpu.memory_space<hbm>>
        tpu.wait_indirect_dma semaphore(%arg13 : memref<!tpu.dma_semaphore, #tpu.memory_space<semaphore_mem>>) src(%dma_wait3A_266 : memref<10000x128xf32, #tpu.memory_space<hbm>>) dst(%arg10 : memref<128x128xf32, #tpu.memory_space<vmem>>)
        %mul3A_267 = arith.constant 2 : i32
        %mul3A_268 = arith.muli %mul3A_267, %scan3A_242 : i32
        %dma_start3A_269 = arith.constant 0 : i32
        %dma_start3A_270 = tpu.memref_slice %arg8[%mul3A_268, %dma_start3A_269] : memref<8x128xi32, #tpu.memory_space<vmem>> -> memref<1x128xi32, #tpu.memory_space<vmem>>
        %dma_start3A_271 = tpu.memref_squeeze %dma_start3A_270 : memref<1x128xi32, #tpu.memory_space<vmem>> -> memref<128xi32, #tpu.memory_space<vmem>>
        %dma_start3A_272 = arith.constant 0 : i32
        %dma_start3A_273 = arith.constant 0 : i32
        %dma_start3A_274 = tpu.memref_slice %arg12[%dma_start3A_272, %dma_start3A_273] : memref<10112x128xf32, #tpu.memory_space<vmem_shared>> -> memref<10112x128xf32, #tpu.memory_space<vmem_shared>>
        tpu.enqueue_indirect_dma source(%arg10 : memref<128x128xf32, #tpu.memory_space<vmem>>) target(%dma_start3A_274 : memref<10112x128xf32, #tpu.memory_space<vmem_shared>>) offsets(%dma_start3A_271 : memref<128xi32, #tpu.memory_space<vmem>>) semaphore(%arg14 : memref<!tpu.dma_semaphore, #tpu.memory_space<semaphore_mem>>) {add = true}
        %dma_wait3A_275 = arith.constant 0 : i32
        %dma_wait3A_276 = arith.constant 0 : i32
        %dma_wait3A_277 = tpu.memref_slice %arg8[%dma_wait3A_275, %dma_wait3A_276] : memref<8x128xi32, #tpu.memory_space<vmem>> -> memref<1x128xi32, #tpu.memory_space<vmem>>
        %dma_wait3A_278 = tpu.memref_squeeze %dma_wait3A_277 : memref<1x128xi32, #tpu.memory_space<vmem>> -> memref<128xi32, #tpu.memory_space<vmem>>
        %dma_wait3A_279 = arith.constant 0 : i32
        %dma_wait3A_280 = arith.constant 0 : i32
        %dma_wait3A_281 = tpu.memref_slice %arg12[%dma_wait3A_279, %dma_wait3A_280] : memref<10112x128xf32, #tpu.memory_space<vmem_shared>> -> memref<10112x128xf32, #tpu.memory_space<vmem_shared>>
        tpu.wait_indirect_dma semaphore(%arg15 : memref<!tpu.dma_semaphore, #tpu.memory_space<semaphore_mem>>) src(%arg11 : memref<128x128xf32, #tpu.memory_space<vmem>>) dst(%dma_wait3A_281 : memref<10112x128xf32, #tpu.memory_space<vmem_shared>>)
        %add3A_282 = arith.constant 1 : i32
        %add3A_283 = arith.addi %add3A_247, %add3A_282 : i32
        %dma_start3A_284 = arith.constant 0 : i32
        %dma_start3A_285 = tpu.memref_slice %arg7[%add3A_283, %dma_start3A_284] : memref<82x128xi32, #tpu.memory_space<vmem>> -> memref<1x128xi32, #tpu.memory_space<vmem>>
        %dma_start3A_286 = tpu.memref_squeeze %dma_start3A_285 : memref<1x128xi32, #tpu.memory_space<vmem>> -> memref<128xi32, #tpu.memory_space<vmem>>
        %dma_start3A_287 = arith.constant 0 : i32
        %dma_start3A_288 = arith.constant 0 : i32
        %dma_start3A_289 = tpu.memref_slice %arg2[%dma_start3A_287, %dma_start3A_288] : memref<10000x128xf32, #tpu.memory_space<hbm>> -> memref<10000x128xf32, #tpu.memory_space<hbm>>
        tpu.enqueue_indirect_dma source(%dma_start3A_289 : memref<10000x128xf32, #tpu.memory_space<hbm>>) target(%arg11 : memref<128x128xf32, #tpu.memory_space<vmem>>) offsets(%dma_start3A_286 : memref<128xi32, #tpu.memory_space<vmem>>) semaphore(%arg13 : memref<!tpu.dma_semaphore, #tpu.memory_space<semaphore_mem>>)
        %add3A_290 = arith.constant 1 : i32
        %add3A_291 = arith.addi %add3A_247, %add3A_290 : i32
        %dma_wait3A_292 = arith.constant 0 : i32
        %dma_wait3A_293 = tpu.memref_slice %arg7[%add3A_291, %dma_wait3A_292] : memref<82x128xi32, #tpu.memory_space<vmem>> -> memref<1x128xi32, #tpu.memory_space<vmem>>
        %dma_wait3A_294 = tpu.memref_squeeze %dma_wait3A_293 : memref<1x128xi32, #tpu.memory_space<vmem>> -> memref<128xi32, #tpu.memory_space<vmem>>
        %dma_wait3A_295 = arith.constant 0 : i32
        %dma_wait3A_296 = arith.constant 0 : i32
        %dma_wait3A_297 = tpu.memref_slice %arg2[%dma_wait3A_295, %dma_wait3A_296] : memref<10000x128xf32, #tpu.memory_space<hbm>> -> memref<10000x128xf32, #tpu.memory_space<hbm>>
        tpu.wait_indirect_dma semaphore(%arg13 : memref<!tpu.dma_semaphore, #tpu.memory_space<semaphore_mem>>) src(%dma_wait3A_297 : memref<10000x128xf32, #tpu.memory_space<hbm>>) dst(%arg11 : memref<128x128xf32, #tpu.memory_space<vmem>>)
        %mul3A_298 = arith.constant 2 : i32
        %mul3A_299 = arith.muli %mul3A_298, %scan3A_242 : i32
        %add3A_300 = arith.constant 1 : i32
        %add3A_301 = arith.addi %mul3A_299, %add3A_300 : i32
        %dma_start3A_302 = arith.constant 0 : i32
        %dma_start3A_303 = tpu.memref_slice %arg8[%add3A_301, %dma_start3A_302] : memref<8x128xi32, #tpu.memory_space<vmem>> -> memref<1x128xi32, #tpu.memory_space<vmem>>
        %dma_start3A_304 = tpu.memref_squeeze %dma_start3A_303 : memref<1x128xi32, #tpu.memory_space<vmem>> -> memref<128xi32, #tpu.memory_space<vmem>>
        %dma_start3A_305 = arith.constant 0 : i32
        %dma_start3A_306 = arith.constant 0 : i32
        %dma_start3A_307 = tpu.memref_slice %arg12[%dma_start3A_305, %dma_start3A_306] : memref<10112x128xf32, #tpu.memory_space<vmem_shared>> -> memref<10112x128xf32, #tpu.memory_space<vmem_shared>>
        tpu.enqueue_indirect_dma source(%arg11 : memref<128x128xf32, #tpu.memory_space<vmem>>) target(%dma_start3A_307 : memref<10112x128xf32, #tpu.memory_space<vmem_shared>>) offsets(%dma_start3A_304 : memref<128xi32, #tpu.memory_space<vmem>>) semaphore(%arg15 : memref<!tpu.dma_semaphore, #tpu.memory_space<semaphore_mem>>) {add = true}
      }
      %scan3A_131 = arith.constant 3 : i32
      %dma_wait3A_132 = arith.constant 0 : i32
      %dma_wait3A_133 = arith.constant 0 : i32
      %dma_wait3A_134 = tpu.memref_slice %arg8[%dma_wait3A_132, %dma_wait3A_133] : memref<8x128xi32, #tpu.memory_space<vmem>> -> memref<1x128xi32, #tpu.memory_space<vmem>>
      %dma_wait3A_135 = tpu.memref_squeeze %dma_wait3A_134 : memref<1x128xi32, #tpu.memory_space<vmem>> -> memref<128xi32, #tpu.memory_space<vmem>>
      %dma_wait3A_136 = arith.constant 0 : i32
      %dma_wait3A_137 = arith.constant 0 : i32
      %dma_wait3A_138 = tpu.memref_slice %arg12[%dma_wait3A_136, %dma_wait3A_137] : memref<10112x128xf32, #tpu.memory_space<vmem_shared>> -> memref<10112x128xf32, #tpu.memory_space<vmem_shared>>
      tpu.wait_indirect_dma semaphore(%arg14 : memref<!tpu.dma_semaphore, #tpu.memory_space<semaphore_mem>>) src(%arg10 : memref<128x128xf32, #tpu.memory_space<vmem>>) dst(%dma_wait3A_138 : memref<10112x128xf32, #tpu.memory_space<vmem_shared>>)
      %dma_wait3A_139 = arith.constant 0 : i32
      %dma_wait3A_140 = arith.constant 0 : i32
      %dma_wait3A_141 = tpu.memref_slice %arg8[%dma_wait3A_139, %dma_wait3A_140] : memref<8x128xi32, #tpu.memory_space<vmem>> -> memref<1x128xi32, #tpu.memory_space<vmem>>
      %dma_wait3A_142 = tpu.memref_squeeze %dma_wait3A_141 : memref<1x128xi32, #tpu.memory_space<vmem>> -> memref<128xi32, #tpu.memory_space<vmem>>
      %dma_wait3A_143 = arith.constant 0 : i32
      %dma_wait3A_144 = arith.constant 0 : i32
      %dma_wait3A_145 = tpu.memref_slice %arg12[%dma_wait3A_143, %dma_wait3A_144] : memref<10112x128xf32, #tpu.memory_space<vmem_shared>> -> memref<10112x128xf32, #tpu.memory_space<vmem_shared>>
      tpu.wait_indirect_dma semaphore(%arg15 : memref<!tpu.dma_semaphore, #tpu.memory_space<semaphore_mem>>) src(%arg11 : memref<128x128xf32, #tpu.memory_space<vmem>>) dst(%dma_wait3A_145 : memref<10112x128xf32, #tpu.memory_space<vmem_shared>>)
      %add3A_146 = arith.constant 2 : i32
      %add3A_147 = arith.addi %add3A_73, %add3A_146 : i32
      %mul3A_148 = arith.constant 8 : i32
      %mul3A_149 = arith.muli %add3A_147, %mul3A_148 : i32
      %dma_start3A_150 = arith.constant 0 : i32
      %dma_start3A_151 = tpu.memref_slice %arg4[%add3A, %mul3A_149, %dma_start3A_150] : memref<32x96x128xi32, #tpu.memory_space<hbm>> -> memref<1x8x128xi32, #tpu.memory_space<hbm>>
      %dma_start3A_152 = tpu.memref_squeeze %dma_start3A_151 : memref<1x8x128xi32, #tpu.memory_space<hbm>> -> memref<8x128xi32, #tpu.memory_space<hbm>>
      %dma_start3A_153 = arith.constant 0 : i32
      %dma_start3A_154 = tpu.memref_slice %arg4[%add3A, %mul3A_149, %dma_start3A_153] : memref<32x96x128xi32, #tpu.memory_space<hbm>> -> memref<1x8x128xi32, #tpu.memory_space<hbm>>
      %dma_start3A_155 = tpu.memref_squeeze %dma_start3A_154 : memref<1x8x128xi32, #tpu.memory_space<hbm>> -> memref<8x128xi32, #tpu.memory_space<hbm>>
      tpu.enqueue_dma source(%dma_start3A_155 : memref<8x128xi32, #tpu.memory_space<hbm>>) target(%arg8 : memref<8x128xi32, #tpu.memory_space<vmem>>) target_semaphore(%arg16 : memref<!tpu.dma_semaphore, #tpu.memory_space<semaphore_mem>>)
      %mul3A_156 = arith.constant 2 : i32
      %mul3A_157 = arith.muli %mul3A_156, %scan3A_69 : i32
      %add3A_158 = arith.constant 1 : i32
      %add3A_159 = arith.addi %mul3A_157, %add3A_158 : i32
      %mul3A_160 = arith.constant 8 : i32
      %mul3A_161 = arith.muli %add3A_159, %mul3A_160 : i32
      %dma_wait3A_162 = arith.constant 0 : i32
      %dma_wait3A_163 = tpu.memref_slice %arg4[%add3A, %mul3A_161, %dma_wait3A_162] : memref<32x96x128xi32, #tpu.memory_space<hbm>> -> memref<1x8x128xi32, #tpu.memory_space<hbm>>
      %dma_wait3A_164 = tpu.memref_squeeze %dma_wait3A_163 : memref<1x8x128xi32, #tpu.memory_space<hbm>> -> memref<8x128xi32, #tpu.memory_space<hbm>>
      %dma_wait3A_165 = arith.constant 0 : i32
      %dma_wait3A_166 = tpu.memref_slice %arg4[%add3A, %mul3A_161, %dma_wait3A_165] : memref<32x96x128xi32, #tpu.memory_space<hbm>> -> memref<1x8x128xi32, #tpu.memory_space<hbm>>
      %dma_wait3A_167 = tpu.memref_squeeze %dma_wait3A_166 : memref<1x8x128xi32, #tpu.memory_space<hbm>> -> memref<8x128xi32, #tpu.memory_space<hbm>>
      tpu.wait_dma2 semaphore(%arg17 : memref<!tpu.dma_semaphore, #tpu.memory_space<semaphore_mem>>) src(%dma_wait3A_167 : memref<8x128xi32, #tpu.memory_space<hbm>>) dst(%arg9 : memref<8x128xi32, #tpu.memory_space<vmem>>)
      %mul3A_168 = arith.constant 8 : i32
      %mul3A_169 = arith.muli %add3A_159, %mul3A_168 : i32
      %dma_start3A_170 = arith.constant 0 : i32
      %dma_start3A_171 = tpu.memref_slice %arg7[%mul3A_169, %dma_start3A_170] : memref<82x128xi32, #tpu.memory_space<vmem>> -> memref<1x128xi32, #tpu.memory_space<vmem>>
      %dma_start3A_172 = tpu.memref_squeeze %dma_start3A_171 : memref<1x128xi32, #tpu.memory_space<vmem>> -> memref<128xi32, #tpu.memory_space<vmem>>
      %dma_start3A_173 = arith.constant 0 : i32
      %dma_start3A_174 = arith.constant 0 : i32
      %dma_start3A_175 = tpu.memref_slice %arg2[%dma_start3A_173, %dma_start3A_174] : memref<10000x128xf32, #tpu.memory_space<hbm>> -> memref<10000x128xf32, #tpu.memory_space<hbm>>
      tpu.enqueue_indirect_dma source(%dma_start3A_175 : memref<10000x128xf32, #tpu.memory_space<hbm>>) target(%arg10 : memref<128x128xf32, #tpu.memory_space<vmem>>) offsets(%dma_start3A_172 : memref<128xi32, #tpu.memory_space<vmem>>) semaphore(%arg13 : memref<!tpu.dma_semaphore, #tpu.memory_space<semaphore_mem>>)
      %dma_wait3A_176 = arith.constant 0 : i32
      %dma_wait3A_177 = tpu.memref_slice %arg7[%mul3A_169, %dma_wait3A_176] : memref<82x128xi32, #tpu.memory_space<vmem>> -> memref<1x128xi32, #tpu.memory_space<vmem>>
      %dma_wait3A_178 = tpu.memref_squeeze %dma_wait3A_177 : memref<1x128xi32, #tpu.memory_space<vmem>> -> memref<128xi32, #tpu.memory_space<vmem>>
      %dma_wait3A_179 = arith.constant 0 : i32
      %dma_wait3A_180 = arith.constant 0 : i32
      %dma_wait3A_181 = tpu.memref_slice %arg2[%dma_wait3A_179, %dma_wait3A_180] : memref<10000x128xf32, #tpu.memory_space<hbm>> -> memref<10000x128xf32, #tpu.memory_space<hbm>>
      tpu.wait_indirect_dma semaphore(%arg13 : memref<!tpu.dma_semaphore, #tpu.memory_space<semaphore_mem>>) src(%dma_wait3A_181 : memref<10000x128xf32, #tpu.memory_space<hbm>>) dst(%arg10 : memref<128x128xf32, #tpu.memory_space<vmem>>)
      %dma_start3A_182 = arith.constant 0 : i32
      %dma_start3A_183 = arith.constant 0 : i32
      %dma_start3A_184 = tpu.memref_slice %arg9[%dma_start3A_182, %dma_start3A_183] : memref<8x128xi32, #tpu.memory_space<vmem>> -> memref<1x128xi32, #tpu.memory_space<vmem>>
      %dma_start3A_185 = tpu.memref_squeeze %dma_start3A_184 : memref<1x128xi32, #tpu.memory_space<vmem>> -> memref<128xi32, #tpu.memory_space<vmem>>
      %dma_start3A_186 = arith.constant 0 : i32
      %dma_start3A_187 = arith.constant 0 : i32
      %dma_start3A_188 = tpu.memref_slice %arg12[%dma_start3A_186, %dma_start3A_187] : memref<10112x128xf32, #tpu.memory_space<vmem_shared>> -> memref<10112x128xf32, #tpu.memory_space<vmem_shared>>
      tpu.enqueue_indirect_dma source(%arg10 : memref<128x128xf32, #tpu.memory_space<vmem>>) target(%dma_start3A_188 : memref<10112x128xf32, #tpu.memory_space<vmem_shared>>) offsets(%dma_start3A_185 : memref<128xi32, #tpu.memory_space<vmem>>) semaphore(%arg14 : memref<!tpu.dma_semaphore, #tpu.memory_space<semaphore_mem>>) {add = true}
      %add3A_189 = arith.constant 1 : i32
      %add3A_190 = arith.addi %mul3A_169, %add3A_189 : i32
      %dma_start3A_191 = arith.constant 0 : i32
      %dma_start3A_192 = tpu.memref_slice %arg7[%add3A_190, %dma_start3A_191] : memref<82x128xi32, #tpu.memory_space<vmem>> -> memref<1x128xi32, #tpu.memory_space<vmem>>
      %dma_start3A_193 = tpu.memref_squeeze %dma_start3A_192 : memref<1x128xi32, #tpu.memory_space<vmem>> -> memref<128xi32, #tpu.memory_space<vmem>>
      %dma_start3A_194 = arith.constant 0 : i32
      %dma_start3A_195 = arith.constant 0 : i32
      %dma_start3A_196 = tpu.memref_slice %arg2[%dma_start3A_194, %dma_start3A_195] : memref<10000x128xf32, #tpu.memory_space<hbm>> -> memref<10000x128xf32, #tpu.memory_space<hbm>>
      tpu.enqueue_indirect_dma source(%dma_start3A_196 : memref<10000x128xf32, #tpu.memory_space<hbm>>) target(%arg11 : memref<128x128xf32, #tpu.memory_space<vmem>>) offsets(%dma_start3A_193 : memref<128xi32, #tpu.memory_space<vmem>>) semaphore(%arg13 : memref<!tpu.dma_semaphore, #tpu.memory_space<semaphore_mem>>)
      %add3A_197 = arith.constant 1 : i32
      %add3A_198 = arith.addi %mul3A_169, %add3A_197 : i32
      %dma_wait3A_199 = arith.constant 0 : i32
      %dma_wait3A_200 = tpu.memref_slice %arg7[%add3A_198, %dma_wait3A_199] : memref<82x128xi32, #tpu.memory_space<vmem>> -> memref<1x128xi32, #tpu.memory_space<vmem>>
      %dma_wait3A_201 = tpu.memref_squeeze %dma_wait3A_200 : memref<1x128xi32, #tpu.memory_space<vmem>> -> memref<128xi32, #tpu.memory_space<vmem>>
      %dma_wait3A_202 = arith.constant 0 : i32
      %dma_wait3A_203 = arith.constant 0 : i32
      %dma_wait3A_204 = tpu.memref_slice %arg2[%dma_wait3A_202, %dma_wait3A_203] : memref<10000x128xf32, #tpu.memory_space<hbm>> -> memref<10000x128xf32, #tpu.memory_space<hbm>>
      tpu.wait_indirect_dma semaphore(%arg13 : memref<!tpu.dma_semaphore, #tpu.memory_space<semaphore_mem>>) src(%dma_wait3A_204 : memref<10000x128xf32, #tpu.memory_space<hbm>>) dst(%arg11 : memref<128x128xf32, #tpu.memory_space<vmem>>)
      %dma_start3A_205 = arith.constant 1 : i32
      %dma_start3A_206 = arith.constant 0 : i32
      %dma_start3A_207 = tpu.memref_slice %arg9[%dma_start3A_205, %dma_start3A_206] : memref<8x128xi32, #tpu.memory_space<vmem>> -> memref<1x128xi32, #tpu.memory_space<vmem>>
      %dma_start3A_208 = tpu.memref_squeeze %dma_start3A_207 : memref<1x128xi32, #tpu.memory_space<vmem>> -> memref<128xi32, #tpu.memory_space<vmem>>
      %dma_start3A_209 = arith.constant 0 : i32
      %dma_start3A_210 = arith.constant 0 : i32
      %dma_start3A_211 = tpu.memref_slice %arg12[%dma_start3A_209, %dma_start3A_210] : memref<10112x128xf32, #tpu.memory_space<vmem_shared>> -> memref<10112x128xf32, #tpu.memory_space<vmem_shared>>
      tpu.enqueue_indirect_dma source(%arg11 : memref<128x128xf32, #tpu.memory_space<vmem>>) target(%dma_start3A_211 : memref<10112x128xf32, #tpu.memory_space<vmem_shared>>) offsets(%dma_start3A_208 : memref<128xi32, #tpu.memory_space<vmem>>) semaphore(%arg15 : memref<!tpu.dma_semaphore, #tpu.memory_space<semaphore_mem>>) {add = true}
      %scan3A_212 = arith.constant 0 : i32
      %scan3A_213 = arith.constant 1 : i32
      %scan3A_214 = arith.constant 3 : i32
      %scan3A_215 = arith.addi %scan3A_213, %scan3A_214 : i32
      %scan3A_216 = arith.constant 1 : i32
      scf.for %scan3A_242 = %scan3A_213 to %scan3A_215 step %scan3A_216  : i32 {
        %mul3A_243 = arith.constant 8 : i32
        %mul3A_244 = arith.muli %add3A_159, %mul3A_243 : i32
        %mul3A_245 = arith.constant 2 : i32
        %mul3A_246 = arith.muli %mul3A_245, %scan3A_242 : i32
        %add3A_247 = arith.addi %mul3A_244, %mul3A_246 : i32
        %dma_wait3A_248 = arith.constant 0 : i32
        %dma_wait3A_249 = arith.constant 0 : i32
        %dma_wait3A_250 = tpu.memref_slice %arg9[%dma_wait3A_248, %dma_wait3A_249] : memref<8x128xi32, #tpu.memory_space<vmem>> -> memref<1x128xi32, #tpu.memory_space<vmem>>
        %dma_wait3A_251 = tpu.memref_squeeze %dma_wait3A_250 : memref<1x128xi32, #tpu.memory_space<vmem>> -> memref<128xi32, #tpu.memory_space<vmem>>
        %dma_wait3A_252 = arith.constant 0 : i32
        %dma_wait3A_253 = arith.constant 0 : i32
        %dma_wait3A_254 = tpu.memref_slice %arg12[%dma_wait3A_252, %dma_wait3A_253] : memref<10112x128xf32, #tpu.memory_space<vmem_shared>> -> memref<10112x128xf32, #tpu.memory_space<vmem_shared>>
        tpu.wait_indirect_dma semaphore(%arg14 : memref<!tpu.dma_semaphore, #tpu.memory_space<semaphore_mem>>) src(%arg10 : memref<128x128xf32, #tpu.memory_space<vmem>>) dst(%dma_wait3A_254 : memref<10112x128xf32, #tpu.memory_space<vmem_shared>>)
        %dma_start3A_255 = arith.constant 0 : i32
        %dma_start3A_256 = tpu.memref_slice %arg7[%add3A_247, %dma_start3A_255] : memref<82x128xi32, #tpu.memory_space<vmem>> -> memref<1x128xi32, #tpu.memory_space<vmem>>
        %dma_start3A_257 = tpu.memref_squeeze %dma_start3A_256 : memref<1x128xi32, #tpu.memory_space<vmem>> -> memref<128xi32, #tpu.memory_space<vmem>>
        %dma_start3A_258 = arith.constant 0 : i32
        %dma_start3A_259 = arith.constant 0 : i32
        %dma_start3A_260 = tpu.memref_slice %arg2[%dma_start3A_258, %dma_start3A_259] : memref<10000x128xf32, #tpu.memory_space<hbm>> -> memref<10000x128xf32, #tpu.memory_space<hbm>>
        tpu.enqueue_indirect_dma source(%dma_start3A_260 : memref<10000x128xf32, #tpu.memory_space<hbm>>) target(%arg10 : memref<128x128xf32, #tpu.memory_space<vmem>>) offsets(%dma_start3A_257 : memref<128xi32, #tpu.memory_space<vmem>>) semaphore(%arg13 : memref<!tpu.dma_semaphore, #tpu.memory_space<semaphore_mem>>)
        %dma_wait3A_261 = arith.constant 0 : i32
        %dma_wait3A_262 = tpu.memref_slice %arg7[%add3A_247, %dma_wait3A_261] : memref<82x128xi32, #tpu.memory_space<vmem>> -> memref<1x128xi32, #tpu.memory_space<vmem>>
        %dma_wait3A_263 = tpu.memref_squeeze %dma_wait3A_262 : memref<1x128xi32, #tpu.memory_space<vmem>> -> memref<128xi32, #tpu.memory_space<vmem>>
        %dma_wait3A_264 = arith.constant 0 : i32
        %dma_wait3A_265 = arith.constant 0 : i32
        %dma_wait3A_266 = tpu.memref_slice %arg2[%dma_wait3A_264, %dma_wait3A_265] : memref<10000x128xf32, #tpu.memory_space<hbm>> -> memref<10000x128xf32, #tpu.memory_space<hbm>>
        tpu.wait_indirect_dma semaphore(%arg13 : memref<!tpu.dma_semaphore, #tpu.memory_space<semaphore_mem>>) src(%dma_wait3A_266 : memref<10000x128xf32, #tpu.memory_space<hbm>>) dst(%arg10 : memref<128x128xf32, #tpu.memory_space<vmem>>)
        %mul3A_267 = arith.constant 2 : i32
        %mul3A_268 = arith.muli %mul3A_267, %scan3A_242 : i32
        %dma_start3A_269 = arith.constant 0 : i32
        %dma_start3A_270 = tpu.memref_slice %arg9[%mul3A_268, %dma_start3A_269] : memref<8x128xi32, #tpu.memory_space<vmem>> -> memref<1x128xi32, #tpu.memory_space<vmem>>
        %dma_start3A_271 = tpu.memref_squeeze %dma_start3A_270 : memref<1x128xi32, #tpu.memory_space<vmem>> -> memref<128xi32, #tpu.memory_space<vmem>>
        %dma_start3A_272 = arith.constant 0 : i32
        %dma_start3A_273 = arith.constant 0 : i32
        %dma_start3A_274 = tpu.memref_slice %arg12[%dma_start3A_272, %dma_start3A_273] : memref<10112x128xf32, #tpu.memory_space<vmem_shared>> -> memref<10112x128xf32, #tpu.memory_space<vmem_shared>>
        tpu.enqueue_indirect_dma source(%arg10 : memref<128x128xf32, #tpu.memory_space<vmem>>) target(%dma_start3A_274 : memref<10112x128xf32, #tpu.memory_space<vmem_shared>>) offsets(%dma_start3A_271 : memref<128xi32, #tpu.memory_space<vmem>>) semaphore(%arg14 : memref<!tpu.dma_semaphore, #tpu.memory_space<semaphore_mem>>) {add = true}
        %dma_wait3A_275 = arith.constant 0 : i32
        %dma_wait3A_276 = arith.constant 0 : i32
        %dma_wait3A_277 = tpu.memref_slice %arg9[%dma_wait3A_275, %dma_wait3A_276] : memref<8x128xi32, #tpu.memory_space<vmem>> -> memref<1x128xi32, #tpu.memory_space<vmem>>
        %dma_wait3A_278 = tpu.memref_squeeze %dma_wait3A_277 : memref<1x128xi32, #tpu.memory_space<vmem>> -> memref<128xi32, #tpu.memory_space<vmem>>
        %dma_wait3A_279 = arith.constant 0 : i32
        %dma_wait3A_280 = arith.constant 0 : i32
        %dma_wait3A_281 = tpu.memref_slice %arg12[%dma_wait3A_279, %dma_wait3A_280] : memref<10112x128xf32, #tpu.memory_space<vmem_shared>> -> memref<10112x128xf32, #tpu.memory_space<vmem_shared>>
        tpu.wait_indirect_dma semaphore(%arg15 : memref<!tpu.dma_semaphore, #tpu.memory_space<semaphore_mem>>) src(%arg11 : memref<128x128xf32, #tpu.memory_space<vmem>>) dst(%dma_wait3A_281 : memref<10112x128xf32, #tpu.memory_space<vmem_shared>>)
        %add3A_282 = arith.constant 1 : i32
        %add3A_283 = arith.addi %add3A_247, %add3A_282 : i32
        %dma_start3A_284 = arith.constant 0 : i32
        %dma_start3A_285 = tpu.memref_slice %arg7[%add3A_283, %dma_start3A_284] : memref<82x128xi32, #tpu.memory_space<vmem>> -> memref<1x128xi32, #tpu.memory_space<vmem>>
        %dma_start3A_286 = tpu.memref_squeeze %dma_start3A_285 : memref<1x128xi32, #tpu.memory_space<vmem>> -> memref<128xi32, #tpu.memory_space<vmem>>
        %dma_start3A_287 = arith.constant 0 : i32
        %dma_start3A_288 = arith.constant 0 : i32
        %dma_start3A_289 = tpu.memref_slice %arg2[%dma_start3A_287, %dma_start3A_288] : memref<10000x128xf32, #tpu.memory_space<hbm>> -> memref<10000x128xf32, #tpu.memory_space<hbm>>
        tpu.enqueue_indirect_dma source(%dma_start3A_289 : memref<10000x128xf32, #tpu.memory_space<hbm>>) target(%arg11 : memref<128x128xf32, #tpu.memory_space<vmem>>) offsets(%dma_start3A_286 : memref<128xi32, #tpu.memory_space<vmem>>) semaphore(%arg13 : memref<!tpu.dma_semaphore, #tpu.memory_space<semaphore_mem>>)
        %add3A_290 = arith.constant 1 : i32
        %add3A_291 = arith.addi %add3A_247, %add3A_290 : i32
        %dma_wait3A_292 = arith.constant 0 : i32
        %dma_wait3A_293 = tpu.memref_slice %arg7[%add3A_291, %dma_wait3A_292] : memref<82x128xi32, #tpu.memory_space<vmem>> -> memref<1x128xi32, #tpu.memory_space<vmem>>
        %dma_wait3A_294 = tpu.memref_squeeze %dma_wait3A_293 : memref<1x128xi32, #tpu.memory_space<vmem>> -> memref<128xi32, #tpu.memory_space<vmem>>
        %dma_wait3A_295 = arith.constant 0 : i32
        %dma_wait3A_296 = arith.constant 0 : i32
        %dma_wait3A_297 = tpu.memref_slice %arg2[%dma_wait3A_295, %dma_wait3A_296] : memref<10000x128xf32, #tpu.memory_space<hbm>> -> memref<10000x128xf32, #tpu.memory_space<hbm>>
        tpu.wait_indirect_dma semaphore(%arg13 : memref<!tpu.dma_semaphore, #tpu.memory_space<semaphore_mem>>) src(%dma_wait3A_297 : memref<10000x128xf32, #tpu.memory_space<hbm>>) dst(%arg11 : memref<128x128xf32, #tpu.memory_space<vmem>>)
        %mul3A_298 = arith.constant 2 : i32
        %mul3A_299 = arith.muli %mul3A_298, %scan3A_242 : i32
        %add3A_300 = arith.constant 1 : i32
        %add3A_301 = arith.addi %mul3A_299, %add3A_300 : i32
        %dma_start3A_302 = arith.constant 0 : i32
        %dma_start3A_303 = tpu.memref_slice %arg9[%add3A_301, %dma_start3A_302] : memref<8x128xi32, #tpu.memory_space<vmem>> -> memref<1x128xi32, #tpu.memory_space<vmem>>
        %dma_start3A_304 = tpu.memref_squeeze %dma_start3A_303 : memref<1x128xi32, #tpu.memory_space<vmem>> -> memref<128xi32, #tpu.memory_space<vmem>>
        %dma_start3A_305 = arith.constant 0 : i32
        %dma_start3A_306 = arith.constant 0 : i32
        %dma_start3A_307 = tpu.memref_slice %arg12[%dma_start3A_305, %dma_start3A_306] : memref<10112x128xf32, #tpu.memory_space<vmem_shared>> -> memref<10112x128xf32, #tpu.memory_space<vmem_shared>>
        tpu.enqueue_indirect_dma source(%arg11 : memref<128x128xf32, #tpu.memory_space<vmem>>) target(%dma_start3A_307 : memref<10112x128xf32, #tpu.memory_space<vmem_shared>>) offsets(%dma_start3A_304 : memref<128xi32, #tpu.memory_space<vmem>>) semaphore(%arg15 : memref<!tpu.dma_semaphore, #tpu.memory_space<semaphore_mem>>) {add = true}
      }
      %scan3A_217 = arith.constant 3 : i32
      %dma_wait3A_218 = arith.constant 0 : i32
      %dma_wait3A_219 = arith.constant 0 : i32
      %dma_wait3A_220 = tpu.memref_slice %arg9[%dma_wait3A_218, %dma_wait3A_219] : memref<8x128xi32, #tpu.memory_space<vmem>> -> memref<1x128xi32, #tpu.memory_space<vmem>>
      %dma_wait3A_221 = tpu.memref_squeeze %dma_wait3A_220 : memref<1x128xi32, #tpu.memory_space<vmem>> -> memref<128xi32, #tpu.memory_space<vmem>>
      %dma_wait3A_222 = arith.constant 0 : i32
      %dma_wait3A_223 = arith.constant 0 : i32
      %dma_wait3A_224 = tpu.memref_slice %arg12[%dma_wait3A_222, %dma_wait3A_223] : memref<10112x128xf32, #tpu.memory_space<vmem_shared>> -> memref<10112x128xf32, #tpu.memory_space<vmem_shared>>
      tpu.wait_indirect_dma semaphore(%arg14 : memref<!tpu.dma_semaphore, #tpu.memory_space<semaphore_mem>>) src(%arg10 : memref<128x128xf32, #tpu.memory_space<vmem>>) dst(%dma_wait3A_224 : memref<10112x128xf32, #tpu.memory_space<vmem_shared>>)
      %dma_wait3A_225 = arith.constant 0 : i32
      %dma_wait3A_226 = arith.constant 0 : i32
      %dma_wait3A_227 = tpu.memref_slice %arg9[%dma_wait3A_225, %dma_wait3A_226] : memref<8x128xi32, #tpu.memory_space<vmem>> -> memref<1x128xi32, #tpu.memory_space<vmem>>
      %dma_wait3A_228 = tpu.memref_squeeze %dma_wait3A_227 : memref<1x128xi32, #tpu.memory_space<vmem>> -> memref<128xi32, #tpu.memory_space<vmem>>
      %dma_wait3A_229 = arith.constant 0 : i32
      %dma_wait3A_230 = arith.constant 0 : i32
      %dma_wait3A_231 = tpu.memref_slice %arg12[%dma_wait3A_229, %dma_wait3A_230] : memref<10112x128xf32, #tpu.memory_space<vmem_shared>> -> memref<10112x128xf32, #tpu.memory_space<vmem_shared>>
      tpu.wait_indirect_dma semaphore(%arg15 : memref<!tpu.dma_semaphore, #tpu.memory_space<semaphore_mem>>) src(%arg11 : memref<128x128xf32, #tpu.memory_space<vmem>>) dst(%dma_wait3A_231 : memref<10112x128xf32, #tpu.memory_space<vmem_shared>>)
      %add3A_232 = arith.constant 2 : i32
      %add3A_233 = arith.addi %add3A_159, %add3A_232 : i32
      %mul3A_234 = arith.constant 8 : i32
      %mul3A_235 = arith.muli %add3A_233, %mul3A_234 : i32
      %dma_start3A_236 = arith.constant 0 : i32
      %dma_start3A_237 = tpu.memref_slice %arg4[%add3A, %mul3A_235, %dma_start3A_236] : memref<32x96x128xi32, #tpu.memory_space<hbm>> -> memref<1x8x128xi32, #tpu.memory_space<hbm>>
      %dma_start3A_238 = tpu.memref_squeeze %dma_start3A_237 : memref<1x8x128xi32, #tpu.memory_space<hbm>> -> memref<8x128xi32, #tpu.memory_space<hbm>>
      %dma_start3A_239 = arith.constant 0 : i32
      %dma_start3A_240 = tpu.memref_slice %arg4[%add3A, %mul3A_235, %dma_start3A_239] : memref<32x96x128xi32, #tpu.memory_space<hbm>> -> memref<1x8x128xi32, #tpu.memory_space<hbm>>
      %dma_start3A_241 = tpu.memref_squeeze %dma_start3A_240 : memref<1x8x128xi32, #tpu.memory_space<hbm>> -> memref<8x128xi32, #tpu.memory_space<hbm>>
      tpu.enqueue_dma source(%dma_start3A_241 : memref<8x128xi32, #tpu.memory_space<hbm>>) target(%arg9 : memref<8x128xi32, #tpu.memory_space<vmem>>) target_semaphore(%arg17 : memref<!tpu.dma_semaphore, #tpu.memory_space<semaphore_mem>>)
    }
    %scan3A_47 = arith.constant 5 : i32
    %dma_wait3A_48 = arith.constant 80 : i32
    %dma_wait3A_49 = arith.constant 0 : i32
    %dma_wait3A_50 = tpu.memref_slice %arg4[%add3A, %dma_wait3A_48, %dma_wait3A_49] : memref<32x96x128xi32, #tpu.memory_space<hbm>> -> memref<1x8x128xi32, #tpu.memory_space<hbm>>
    %dma_wait3A_51 = tpu.memref_squeeze %dma_wait3A_50 : memref<1x8x128xi32, #tpu.memory_space<hbm>> -> memref<8x128xi32, #tpu.memory_space<hbm>>
    %dma_wait3A_52 = arith.constant 80 : i32
    %dma_wait3A_53 = arith.constant 0 : i32
    %dma_wait3A_54 = tpu.memref_slice %arg4[%add3A, %dma_wait3A_52, %dma_wait3A_53] : memref<32x96x128xi32, #tpu.memory_space<hbm>> -> memref<1x8x128xi32, #tpu.memory_space<hbm>>
    %dma_wait3A_55 = tpu.memref_squeeze %dma_wait3A_54 : memref<1x8x128xi32, #tpu.memory_space<hbm>> -> memref<8x128xi32, #tpu.memory_space<hbm>>
    tpu.wait_dma2 semaphore(%arg16 : memref<!tpu.dma_semaphore, #tpu.memory_space<semaphore_mem>>) src(%dma_wait3A_55 : memref<8x128xi32, #tpu.memory_space<hbm>>) dst(%arg8 : memref<8x128xi32, #tpu.memory_space<vmem>>)
    %dma_wait3A_56 = arith.constant 88 : i32
    %dma_wait3A_57 = arith.constant 0 : i32
    %dma_wait3A_58 = tpu.memref_slice %arg4[%add3A, %dma_wait3A_56, %dma_wait3A_57] : memref<32x96x128xi32, #tpu.memory_space<hbm>> -> memref<1x8x128xi32, #tpu.memory_space<hbm>>
    %dma_wait3A_59 = tpu.memref_squeeze %dma_wait3A_58 : memref<1x8x128xi32, #tpu.memory_space<hbm>> -> memref<8x128xi32, #tpu.memory_space<hbm>>
    %dma_wait3A_60 = arith.constant 88 : i32
    %dma_wait3A_61 = arith.constant 0 : i32
    %dma_wait3A_62 = tpu.memref_slice %arg4[%add3A, %dma_wait3A_60, %dma_wait3A_61] : memref<32x96x128xi32, #tpu.memory_space<hbm>> -> memref<1x8x128xi32, #tpu.memory_space<hbm>>
    %dma_wait3A_63 = tpu.memref_squeeze %dma_wait3A_62 : memref<1x8x128xi32, #tpu.memory_space<hbm>> -> memref<8x128xi32, #tpu.memory_space<hbm>>
    tpu.wait_dma2 semaphore(%arg17 : memref<!tpu.dma_semaphore, #tpu.memory_space<semaphore_mem>>) src(%dma_wait3A_63 : memref<8x128xi32, #tpu.memory_space<hbm>>) dst(%arg9 : memref<8x128xi32, #tpu.memory_space<vmem>>)
    %barrier3A_64 = arith.constant 0 : index
    tpu.barrier barrier_id(%barrier3A_64)
    %mul3A_65 = arith.constant 632 : i32
    %mul3A_66 = arith.muli %arg1, %mul3A_65 : i32
    %mul3A_67 = arith.constant 632 : i32
    %mul3A_68 = arith.muli %arg1, %mul3A_67 : i32
    "tpu.region"() ({
      %run_scoped3A = tpu.sem_alloc : memref<!tpu.dma_semaphore, #tpu.memory_space<semaphore_mem>>
      %dma_start3A_69 = arith.constant 0 : i32
      %dma_start3A_70 = tpu.memref_slice %arg6[%arg0, %mul3A_68, %dma_start3A_69] : memref<2x10112x128xf32, #tpu.memory_space<hbm>> -> memref<1x632x128xf32, #tpu.memory_space<hbm>>
      %dma_start3A_71 = tpu.memref_squeeze %dma_start3A_70 : memref<1x632x128xf32, #tpu.memory_space<hbm>> -> memref<632x128xf32, #tpu.memory_space<hbm>>
      %dma_start3A_72 = arith.constant 0 : i32
      %dma_start3A_73 = tpu.memref_slice %arg12[%mul3A_66, %dma_start3A_72] : memref<10112x128xf32, #tpu.memory_space<vmem_shared>> -> memref<632x128xf32, #tpu.memory_space<vmem_shared>>
      tpu.enqueue_dma source(%dma_start3A_73 : memref<632x128xf32, #tpu.memory_space<vmem_shared>>) target(%dma_start3A_71 : memref<632x128xf32, #tpu.memory_space<hbm>>) target_semaphore(%run_scoped3A : memref<!tpu.dma_semaphore, #tpu.memory_space<semaphore_mem>>)
      %dma_wait3A_74 = arith.constant 0 : i32
      %dma_wait3A_75 = tpu.memref_slice %arg6[%arg0, %mul3A_68, %dma_wait3A_74] : memref<2x10112x128xf32, #tpu.memory_space<hbm>> -> memref<1x632x128xf32, #tpu.memory_space<hbm>>
      %dma_wait3A_76 = tpu.memref_squeeze %dma_wait3A_75 : memref<1x632x128xf32, #tpu.memory_space<hbm>> -> memref<632x128xf32, #tpu.memory_space<hbm>>
      %dma_wait3A_77 = arith.constant 0 : i32
      %dma_wait3A_78 = tpu.memref_slice %arg12[%mul3A_66, %dma_wait3A_77] : memref<10112x128xf32, #tpu.memory_space<vmem_shared>> -> memref<632x128xf32, #tpu.memory_space<vmem_shared>>
      tpu.wait_dma2 semaphore(%run_scoped3A : memref<!tpu.dma_semaphore, #tpu.memory_space<semaphore_mem>>) src(%dma_wait3A_78 : memref<632x128xf32, #tpu.memory_space<vmem_shared>>) dst(%dma_wait3A_76 : memref<632x128xf32, #tpu.memory_space<hbm>>)
      tpu.yield
    }) : () -> ()
    return
  }
}

module attributes {stable_mosaic.version = 14 : i64} {
  func.func @_layer_body(%arg0: memref<2x10112x128xf32, #tpu.memory_space<vmem>>, %arg1: memref<10000x128xf32, #tpu.memory_space<vmem>>, %arg2: memref<1xf32, #tpu.memory_space<smem>>, %arg3: memref<128x128xf32, #tpu.memory_space<vmem>>, %arg4: memref<1x128xf32, #tpu.memory_space<vmem>>, %arg5: memref<1x128xf32, #tpu.memory_space<vmem>>, %arg6: memref<1x128xf32, #tpu.memory_space<vmem>>, %arg7: memref<128x128xf32, #tpu.memory_space<vmem>>, %arg8: memref<1x128xf32, #tpu.memory_space<vmem>>, %arg9: memref<1x128xf32, #tpu.memory_space<vmem>>, %arg10: memref<1x128xf32, #tpu.memory_space<vmem>>, %arg11: memref<10000x128xf32, #tpu.memory_space<vmem>>) attributes {dimension_semantics = [], scalar_prefetch = 0 : i64, scratch_operands = 0 : i64, tpu.core_type = #tpu.core_type<tc>} {
    %get3A = arith.constant 0 : index
    %get3A_0 = arith.constant 0 : index
    %get3A_1 = arith.constant 0 : index
    %get3A_2 = vector.load %arg0[%get3A, %get3A_0, %get3A_1] : memref<2x10112x128xf32, #tpu.memory_space<vmem>>, vector<1x10000x128xf32>
    %get3A_3 = vector.shape_cast %get3A_2 : vector<1x10000x128xf32> to vector<10000x128xf32>
    %get3A_4 = arith.constant 1 : index
    %get3A_5 = arith.constant 0 : index
    %get3A_6 = arith.constant 0 : index
    %get3A_7 = vector.load %arg0[%get3A_4, %get3A_5, %get3A_6] : memref<2x10112x128xf32, #tpu.memory_space<vmem>>, vector<1x10000x128xf32>
    %get3A_8 = vector.shape_cast %get3A_7 : vector<1x10000x128xf32> to vector<10000x128xf32>
    %add3A = arith.addf %get3A_3, %get3A_8 : vector<10000x128xf32>
    %get3A_9 = arith.constant 0 : index
    %get3A_10 = memref.load %arg2[%get3A_9] : memref<1xf32, #tpu.memory_space<smem>>
    %get3A_11 = arith.constant 0 : index
    %get3A_12 = arith.constant 0 : index
    %get3A_13 = vector.load %arg1[%get3A_11, %get3A_12] : memref<10000x128xf32, #tpu.memory_space<vmem>>, vector<10000x128xf32>
    %mul3A = vector.broadcast %get3A_10 : f32 to vector<10000x128xf32>
    %mul3A_14 = arith.mulf %mul3A, %get3A_13 : vector<10000x128xf32>
    %add3A_15 = arith.addf %add3A, %mul3A_14 : vector<10000x128xf32>
    %get3A_16 = arith.constant 0 : index
    %get3A_17 = arith.constant 0 : index
    %get3A_18 = vector.load %arg3[%get3A_16, %get3A_17] : memref<128x128xf32, #tpu.memory_space<vmem>>, vector<128x128xf32>
    %dot_general3A = arith.constant dense<0.000000e+00> : vector<10000x128xf32>
    %dot_general3A_19 = tpu.matmul %add3A_15, %get3A_18, %dot_general3A {dimension_numbers = #tpu.dot_dimension_numbers<[1], [0], [0], [1], [0, 0, 1, 1], [], []>, transpose_lhs_hint = false} : vector<10000x128xf32>, vector<128x128xf32>, vector<10000x128xf32> -> vector<10000x128xf32>
    %get3A_20 = arith.constant 0 : index
    %get3A_21 = arith.constant 0 : index
    %get3A_22 = vector.load %arg4[%get3A_20, %get3A_21] : memref<1x128xf32, #tpu.memory_space<vmem>>, vector<1x128xf32>
    %add3A_23 = vector.broadcast %get3A_22 : vector<1x128xf32> to vector<10000x128xf32>
    %add3A_24 = arith.addf %dot_general3A_19, %add3A_23 : vector<10000x128xf32>
    %get3A_25 = arith.constant 0 : index
    %get3A_26 = arith.constant 0 : index
    %get3A_27 = vector.load %arg5[%get3A_25, %get3A_26] : memref<1x128xf32, #tpu.memory_space<vmem>>, vector<1x128xf32>
    %get3A_28 = arith.constant 0 : index
    %get3A_29 = arith.constant 0 : index
    %get3A_30 = vector.load %arg6[%get3A_28, %get3A_29] : memref<1x128xf32, #tpu.memory_space<vmem>>, vector<1x128xf32>
    %reduce_sum3A = arith.constant dense<0.000000e+00> : vector<128xf32>
    %reduce_sum3A_31 = vector.multi_reduction <add>, %add3A_24, %reduce_sum3A [0] : vector<10000x128xf32> to vector<128xf32>
    %broadcast_in_dim3A = vector.shape_cast %reduce_sum3A_31 : vector<128xf32> to vector<1x128xf32>
    %div3A = arith.constant 1.000000e+04 : f32
    %div3A_32 = vector.broadcast %div3A : f32 to vector<1x128xf32>
    %div3A_33 = arith.divf %broadcast_in_dim3A, %div3A_32 : vector<1x128xf32>
    %mul3A_34 = arith.mulf %add3A_24, %add3A_24 : vector<10000x128xf32>
    %reduce_sum3A_35 = arith.constant dense<0.000000e+00> : vector<128xf32>
    %reduce_sum3A_36 = vector.multi_reduction <add>, %mul3A_34, %reduce_sum3A_35 [0] : vector<10000x128xf32> to vector<128xf32>
    %broadcast_in_dim3A_37 = vector.shape_cast %reduce_sum3A_36 : vector<128xf32> to vector<1x128xf32>
    %div3A_38 = arith.constant 1.000000e+04 : f32
    %div3A_39 = vector.broadcast %div3A_38 : f32 to vector<1x128xf32>
    %div3A_40 = arith.divf %broadcast_in_dim3A_37, %div3A_39 : vector<1x128xf32>
    %mul3A_41 = arith.mulf %div3A_33, %div3A_33 : vector<1x128xf32>
    %sub3A = arith.subf %div3A_40, %mul3A_41 : vector<1x128xf32>
    %sub3A_42 = vector.broadcast %div3A_33 : vector<1x128xf32> to vector<10000x128xf32>
    %sub3A_43 = arith.subf %add3A_24, %sub3A_42 : vector<10000x128xf32>
    %mul3A_44 = vector.broadcast %get3A_27 : vector<1x128xf32> to vector<10000x128xf32>
    %mul3A_45 = arith.mulf %mul3A_44, %sub3A_43 : vector<10000x128xf32>
    %add3A_46 = arith.constant 9.99999974E-6 : f32
    %add3A_47 = vector.broadcast %add3A_46 : f32 to vector<1x128xf32>
    %add3A_48 = arith.addf %sub3A, %add3A_47 : vector<1x128xf32>
    %rsqrt3A = math.rsqrt %add3A_48 : vector<1x128xf32>
    %mul3A_49 = vector.broadcast %rsqrt3A : vector<1x128xf32> to vector<10000x128xf32>
    %mul3A_50 = arith.mulf %mul3A_45, %mul3A_49 : vector<10000x128xf32>
    %add3A_51 = vector.broadcast %get3A_30 : vector<1x128xf32> to vector<10000x128xf32>
    %add3A_52 = arith.addf %mul3A_50, %add3A_51 : vector<10000x128xf32>
    %max3A = arith.constant 0.000000e+00 : f32
    %max3A_53 = vector.broadcast %max3A : f32 to vector<10000x128xf32>
    %max3A_54 = arith.maximumf %add3A_52, %max3A_53 : vector<10000x128xf32>
    %get3A_55 = arith.constant 0 : index
    %get3A_56 = arith.constant 0 : index
    %get3A_57 = vector.load %arg7[%get3A_55, %get3A_56] : memref<128x128xf32, #tpu.memory_space<vmem>>, vector<128x128xf32>
    %dot_general3A_58 = arith.constant dense<0.000000e+00> : vector<10000x128xf32>
    %dot_general3A_59 = tpu.matmul %max3A_54, %get3A_57, %dot_general3A_58 {dimension_numbers = #tpu.dot_dimension_numbers<[1], [0], [0], [1], [0, 0, 1, 1], [], []>, transpose_lhs_hint = false} : vector<10000x128xf32>, vector<128x128xf32>, vector<10000x128xf32> -> vector<10000x128xf32>
    %get3A_60 = arith.constant 0 : index
    %get3A_61 = arith.constant 0 : index
    %get3A_62 = vector.load %arg8[%get3A_60, %get3A_61] : memref<1x128xf32, #tpu.memory_space<vmem>>, vector<1x128xf32>
    %add3A_63 = vector.broadcast %get3A_62 : vector<1x128xf32> to vector<10000x128xf32>
    %add3A_64 = arith.addf %dot_general3A_59, %add3A_63 : vector<10000x128xf32>
    %get3A_65 = arith.constant 0 : index
    %get3A_66 = arith.constant 0 : index
    %get3A_67 = vector.load %arg9[%get3A_65, %get3A_66] : memref<1x128xf32, #tpu.memory_space<vmem>>, vector<1x128xf32>
    %get3A_68 = arith.constant 0 : index
    %get3A_69 = arith.constant 0 : index
    %get3A_70 = vector.load %arg10[%get3A_68, %get3A_69] : memref<1x128xf32, #tpu.memory_space<vmem>>, vector<1x128xf32>
    %reduce_sum3A_71 = arith.constant dense<0.000000e+00> : vector<128xf32>
    %reduce_sum3A_72 = vector.multi_reduction <add>, %add3A_64, %reduce_sum3A_71 [0] : vector<10000x128xf32> to vector<128xf32>
    %broadcast_in_dim3A_73 = vector.shape_cast %reduce_sum3A_72 : vector<128xf32> to vector<1x128xf32>
    %div3A_74 = arith.constant 1.000000e+04 : f32
    %div3A_75 = vector.broadcast %div3A_74 : f32 to vector<1x128xf32>
    %div3A_76 = arith.divf %broadcast_in_dim3A_73, %div3A_75 : vector<1x128xf32>
    %mul3A_77 = arith.mulf %add3A_64, %add3A_64 : vector<10000x128xf32>
    %reduce_sum3A_78 = arith.constant dense<0.000000e+00> : vector<128xf32>
    %reduce_sum3A_79 = vector.multi_reduction <add>, %mul3A_77, %reduce_sum3A_78 [0] : vector<10000x128xf32> to vector<128xf32>
    %broadcast_in_dim3A_80 = vector.shape_cast %reduce_sum3A_79 : vector<128xf32> to vector<1x128xf32>
    %div3A_81 = arith.constant 1.000000e+04 : f32
    %div3A_82 = vector.broadcast %div3A_81 : f32 to vector<1x128xf32>
    %div3A_83 = arith.divf %broadcast_in_dim3A_80, %div3A_82 : vector<1x128xf32>
    %mul3A_84 = arith.mulf %div3A_76, %div3A_76 : vector<1x128xf32>
    %sub3A_85 = arith.subf %div3A_83, %mul3A_84 : vector<1x128xf32>
    %sub3A_86 = vector.broadcast %div3A_76 : vector<1x128xf32> to vector<10000x128xf32>
    %sub3A_87 = arith.subf %add3A_64, %sub3A_86 : vector<10000x128xf32>
    %mul3A_88 = vector.broadcast %get3A_67 : vector<1x128xf32> to vector<10000x128xf32>
    %mul3A_89 = arith.mulf %mul3A_88, %sub3A_87 : vector<10000x128xf32>
    %add3A_90 = arith.constant 9.99999974E-6 : f32
    %add3A_91 = vector.broadcast %add3A_90 : f32 to vector<1x128xf32>
    %add3A_92 = arith.addf %sub3A_85, %add3A_91 : vector<1x128xf32>
    %rsqrt3A_93 = math.rsqrt %add3A_92 : vector<1x128xf32>
    %mul3A_94 = vector.broadcast %rsqrt3A_93 : vector<1x128xf32> to vector<10000x128xf32>
    %mul3A_95 = arith.mulf %mul3A_89, %mul3A_94 : vector<10000x128xf32>
    %add3A_96 = vector.broadcast %get3A_70 : vector<1x128xf32> to vector<10000x128xf32>
    %add3A_97 = arith.addf %mul3A_95, %add3A_96 : vector<10000x128xf32>
    %max3A_98 = arith.constant 0.000000e+00 : f32
    %max3A_99 = vector.broadcast %max3A_98 : f32 to vector<10000x128xf32>
    %max3A_100 = arith.maximumf %add3A_97, %max3A_99 : vector<10000x128xf32>
    %swap3A = arith.constant 0 : index
    %swap3A_101 = arith.constant 0 : index
    %swap3A_102 = vector.load %arg11[%swap3A, %swap3A_101] : memref<10000x128xf32, #tpu.memory_space<vmem>>, vector<10000x128xf32>
    tpu.vector_store %arg11[%swap3A, %swap3A_101], %max3A_100 {strides = array<i32>} : memref<10000x128xf32, #tpu.memory_space<vmem>>, vector<10000x128xf32>,
    return
  }
}

module attributes {stable_mosaic.version = 14 : i64} {
  func.func @_final_body(%arg0: memref<2x10112x128xf32, #tpu.memory_space<vmem>>, %arg1: memref<10000x128xf32, #tpu.memory_space<vmem>>, %arg2: memref<1xf32, #tpu.memory_space<smem>>, %arg3: memref<128x128xf32, #tpu.memory_space<vmem>>, %arg4: memref<1x128xf32, #tpu.memory_space<vmem>>, %arg5: memref<1x128xf32, #tpu.memory_space<vmem>>, %arg6: memref<1x128xf32, #tpu.memory_space<vmem>>, %arg7: memref<128x128xf32, #tpu.memory_space<vmem>>, %arg8: memref<1x128xf32, #tpu.memory_space<vmem>>, %arg9: memref<1x128xf32, #tpu.memory_space<vmem>>, %arg10: memref<1x128xf32, #tpu.memory_space<vmem>>, %arg11: memref<1x10000xi32, #tpu.memory_space<vmem>>, %arg12: memref<128x64xf32, #tpu.memory_space<vmem>>, %arg13: memref<1x64xf32, #tpu.memory_space<vmem>>, %arg14: memref<64x32xf32, #tpu.memory_space<vmem>>, %arg15: memref<1x32xf32, #tpu.memory_space<vmem>>, %arg16: memref<32x10xf32, #tpu.memory_space<vmem>>, %arg17: memref<1x10xf32, #tpu.memory_space<vmem>>, %arg18: memref<64x10xf32, #tpu.memory_space<vmem>>) attributes {dimension_semantics = [], scalar_prefetch = 0 : i64, scratch_operands = 0 : i64, tpu.core_type = #tpu.core_type<tc>} {
    %get3A = arith.constant 0 : index
    %get3A_0 = arith.constant 0 : index
    %get3A_1 = arith.constant 0 : index
    %get3A_2 = vector.load %arg0[%get3A, %get3A_0, %get3A_1] : memref<2x10112x128xf32, #tpu.memory_space<vmem>>, vector<1x10000x128xf32>
    %get3A_3 = vector.shape_cast %get3A_2 : vector<1x10000x128xf32> to vector<10000x128xf32>
    %get3A_4 = arith.constant 1 : index
    %get3A_5 = arith.constant 0 : index
    %get3A_6 = arith.constant 0 : index
    %get3A_7 = vector.load %arg0[%get3A_4, %get3A_5, %get3A_6] : memref<2x10112x128xf32, #tpu.memory_space<vmem>>, vector<1x10000x128xf32>
    %get3A_8 = vector.shape_cast %get3A_7 : vector<1x10000x128xf32> to vector<10000x128xf32>
    %add3A = arith.addf %get3A_3, %get3A_8 : vector<10000x128xf32>
    %get3A_9 = arith.constant 0 : index
    %get3A_10 = memref.load %arg2[%get3A_9] : memref<1xf32, #tpu.memory_space<smem>>
    %get3A_11 = arith.constant 0 : index
    %get3A_12 = arith.constant 0 : index
    %get3A_13 = vector.load %arg1[%get3A_11, %get3A_12] : memref<10000x128xf32, #tpu.memory_space<vmem>>, vector<10000x128xf32>
    %mul3A = vector.broadcast %get3A_10 : f32 to vector<10000x128xf32>
    %mul3A_14 = arith.mulf %mul3A, %get3A_13 : vector<10000x128xf32>
    %add3A_15 = arith.addf %add3A, %mul3A_14 : vector<10000x128xf32>
    %get3A_16 = arith.constant 0 : index
    %get3A_17 = arith.constant 0 : index
    %get3A_18 = vector.load %arg3[%get3A_16, %get3A_17] : memref<128x128xf32, #tpu.memory_space<vmem>>, vector<128x128xf32>
    %dot_general3A = arith.constant dense<0.000000e+00> : vector<10000x128xf32>
    %dot_general3A_19 = tpu.matmul %add3A_15, %get3A_18, %dot_general3A {dimension_numbers = #tpu.dot_dimension_numbers<[1], [0], [0], [1], [0, 0, 1, 1], [], []>, transpose_lhs_hint = false} : vector<10000x128xf32>, vector<128x128xf32>, vector<10000x128xf32> -> vector<10000x128xf32>
    %get3A_20 = arith.constant 0 : index
    %get3A_21 = arith.constant 0 : index
    %get3A_22 = vector.load %arg4[%get3A_20, %get3A_21] : memref<1x128xf32, #tpu.memory_space<vmem>>, vector<1x128xf32>
    %add3A_23 = vector.broadcast %get3A_22 : vector<1x128xf32> to vector<10000x128xf32>
    %add3A_24 = arith.addf %dot_general3A_19, %add3A_23 : vector<10000x128xf32>
    %get3A_25 = arith.constant 0 : index
    %get3A_26 = arith.constant 0 : index
    %get3A_27 = vector.load %arg5[%get3A_25, %get3A_26] : memref<1x128xf32, #tpu.memory_space<vmem>>, vector<1x128xf32>
    %get3A_28 = arith.constant 0 : index
    %get3A_29 = arith.constant 0 : index
    %get3A_30 = vector.load %arg6[%get3A_28, %get3A_29] : memref<1x128xf32, #tpu.memory_space<vmem>>, vector<1x128xf32>
    %reduce_sum3A = arith.constant dense<0.000000e+00> : vector<128xf32>
    %reduce_sum3A_31 = vector.multi_reduction <add>, %add3A_24, %reduce_sum3A [0] : vector<10000x128xf32> to vector<128xf32>
    %broadcast_in_dim3A = vector.shape_cast %reduce_sum3A_31 : vector<128xf32> to vector<1x128xf32>
    %div3A = arith.constant 1.000000e+04 : f32
    %div3A_32 = vector.broadcast %div3A : f32 to vector<1x128xf32>
    %div3A_33 = arith.divf %broadcast_in_dim3A, %div3A_32 : vector<1x128xf32>
    %mul3A_34 = arith.mulf %add3A_24, %add3A_24 : vector<10000x128xf32>
    %reduce_sum3A_35 = arith.constant dense<0.000000e+00> : vector<128xf32>
    %reduce_sum3A_36 = vector.multi_reduction <add>, %mul3A_34, %reduce_sum3A_35 [0] : vector<10000x128xf32> to vector<128xf32>
    %broadcast_in_dim3A_37 = vector.shape_cast %reduce_sum3A_36 : vector<128xf32> to vector<1x128xf32>
    %div3A_38 = arith.constant 1.000000e+04 : f32
    %div3A_39 = vector.broadcast %div3A_38 : f32 to vector<1x128xf32>
    %div3A_40 = arith.divf %broadcast_in_dim3A_37, %div3A_39 : vector<1x128xf32>
    %mul3A_41 = arith.mulf %div3A_33, %div3A_33 : vector<1x128xf32>
    %sub3A = arith.subf %div3A_40, %mul3A_41 : vector<1x128xf32>
    %sub3A_42 = vector.broadcast %div3A_33 : vector<1x128xf32> to vector<10000x128xf32>
    %sub3A_43 = arith.subf %add3A_24, %sub3A_42 : vector<10000x128xf32>
    %mul3A_44 = vector.broadcast %get3A_27 : vector<1x128xf32> to vector<10000x128xf32>
    %mul3A_45 = arith.mulf %mul3A_44, %sub3A_43 : vector<10000x128xf32>
    %add3A_46 = arith.constant 9.99999974E-6 : f32
    %add3A_47 = vector.broadcast %add3A_46 : f32 to vector<1x128xf32>
    %add3A_48 = arith.addf %sub3A, %add3A_47 : vector<1x128xf32>
    %rsqrt3A = math.rsqrt %add3A_48 : vector<1x128xf32>
    %mul3A_49 = vector.broadcast %rsqrt3A : vector<1x128xf32> to vector<10000x128xf32>
    %mul3A_50 = arith.mulf %mul3A_45, %mul3A_49 : vector<10000x128xf32>
    %add3A_51 = vector.broadcast %get3A_30 : vector<1x128xf32> to vector<10000x128xf32>
    %add3A_52 = arith.addf %mul3A_50, %add3A_51 : vector<10000x128xf32>
    %max3A = arith.constant 0.000000e+00 : f32
    %max3A_53 = vector.broadcast %max3A : f32 to vector<10000x128xf32>
    %max3A_54 = arith.maximumf %add3A_52, %max3A_53 : vector<10000x128xf32>
    %get3A_55 = arith.constant 0 : index
    %get3A_56 = arith.constant 0 : index
    %get3A_57 = vector.load %arg7[%get3A_55, %get3A_56] : memref<128x128xf32, #tpu.memory_space<vmem>>, vector<128x128xf32>
    %dot_general3A_58 = arith.constant dense<0.000000e+00> : vector<10000x128xf32>
    %dot_general3A_59 = tpu.matmul %max3A_54, %get3A_57, %dot_general3A_58 {dimension_numbers = #tpu.dot_dimension_numbers<[1], [0], [0], [1], [0, 0, 1, 1], [], []>, transpose_lhs_hint = false} : vector<10000x128xf32>, vector<128x128xf32>, vector<10000x128xf32> -> vector<10000x128xf32>
    %get3A_60 = arith.constant 0 : index
    %get3A_61 = arith.constant 0 : index
    %get3A_62 = vector.load %arg8[%get3A_60, %get3A_61] : memref<1x128xf32, #tpu.memory_space<vmem>>, vector<1x128xf32>
    %add3A_63 = vector.broadcast %get3A_62 : vector<1x128xf32> to vector<10000x128xf32>
    %add3A_64 = arith.addf %dot_general3A_59, %add3A_63 : vector<10000x128xf32>
    %get3A_65 = arith.constant 0 : index
    %get3A_66 = arith.constant 0 : index
    %get3A_67 = vector.load %arg9[%get3A_65, %get3A_66] : memref<1x128xf32, #tpu.memory_space<vmem>>, vector<1x128xf32>
    %get3A_68 = arith.constant 0 : index
    %get3A_69 = arith.constant 0 : index
    %get3A_70 = vector.load %arg10[%get3A_68, %get3A_69] : memref<1x128xf32, #tpu.memory_space<vmem>>, vector<1x128xf32>
    %reduce_sum3A_71 = arith.constant dense<0.000000e+00> : vector<128xf32>
    %reduce_sum3A_72 = vector.multi_reduction <add>, %add3A_64, %reduce_sum3A_71 [0] : vector<10000x128xf32> to vector<128xf32>
    %broadcast_in_dim3A_73 = vector.shape_cast %reduce_sum3A_72 : vector<128xf32> to vector<1x128xf32>
    %div3A_74 = arith.constant 1.000000e+04 : f32
    %div3A_75 = vector.broadcast %div3A_74 : f32 to vector<1x128xf32>
    %div3A_76 = arith.divf %broadcast_in_dim3A_73, %div3A_75 : vector<1x128xf32>
    %mul3A_77 = arith.mulf %add3A_64, %add3A_64 : vector<10000x128xf32>
    %reduce_sum3A_78 = arith.constant dense<0.000000e+00> : vector<128xf32>
    %reduce_sum3A_79 = vector.multi_reduction <add>, %mul3A_77, %reduce_sum3A_78 [0] : vector<10000x128xf32> to vector<128xf32>
    %broadcast_in_dim3A_80 = vector.shape_cast %reduce_sum3A_79 : vector<128xf32> to vector<1x128xf32>
    %div3A_81 = arith.constant 1.000000e+04 : f32
    %div3A_82 = vector.broadcast %div3A_81 : f32 to vector<1x128xf32>
    %div3A_83 = arith.divf %broadcast_in_dim3A_80, %div3A_82 : vector<1x128xf32>
    %mul3A_84 = arith.mulf %div3A_76, %div3A_76 : vector<1x128xf32>
    %sub3A_85 = arith.subf %div3A_83, %mul3A_84 : vector<1x128xf32>
    %sub3A_86 = vector.broadcast %div3A_76 : vector<1x128xf32> to vector<10000x128xf32>
    %sub3A_87 = arith.subf %add3A_64, %sub3A_86 : vector<10000x128xf32>
    %mul3A_88 = vector.broadcast %get3A_67 : vector<1x128xf32> to vector<10000x128xf32>
    %mul3A_89 = arith.mulf %mul3A_88, %sub3A_87 : vector<10000x128xf32>
    %add3A_90 = arith.constant 9.99999974E-6 : f32
    %add3A_91 = vector.broadcast %add3A_90 : f32 to vector<1x128xf32>
    %add3A_92 = arith.addf %sub3A_85, %add3A_91 : vector<1x128xf32>
    %rsqrt3A_93 = math.rsqrt %add3A_92 : vector<1x128xf32>
    %mul3A_94 = vector.broadcast %rsqrt3A_93 : vector<1x128xf32> to vector<10000x128xf32>
    %mul3A_95 = arith.mulf %mul3A_89, %mul3A_94 : vector<10000x128xf32>
    %add3A_96 = vector.broadcast %get3A_70 : vector<1x128xf32> to vector<10000x128xf32>
    %add3A_97 = arith.addf %mul3A_95, %add3A_96 : vector<10000x128xf32>
    %max3A_98 = arith.constant 0.000000e+00 : f32
    %max3A_99 = vector.broadcast %max3A_98 : f32 to vector<10000x128xf32>
    %max3A_100 = arith.maximumf %add3A_97, %max3A_99 : vector<10000x128xf32>
    %get3A_101 = arith.constant 0 : index
    %get3A_102 = arith.constant 0 : index
    %get3A_103 = vector.load %arg11[%get3A_101, %get3A_102] : memref<1x10000xi32, #tpu.memory_space<vmem>>, vector<1x10000xi32>
    %iota3A = tpu.iota {dimensions = array<i32: 0>} : vector<64x10000xi32>
    %eq3A = vector.broadcast %get3A_103 : vector<1x10000xi32> to vector<64x10000xi32>
    %eq3A_104 = arith.cmpi eq, %iota3A, %eq3A : vector<64x10000xi32>
    %convert_element_type3A = arith.extui %eq3A_104 : vector<64x10000xi1> to vector<64x10000xi32>
    %convert_element_type3A_105 = arith.sitofp %convert_element_type3A : vector<64x10000xi32> to vector<64x10000xf32>
    %dot_general3A_106 = arith.constant dense<0.000000e+00> : vector<64x128xf32>
    %dot_general3A_107 = tpu.matmul %convert_element_type3A_105, %max3A_100, %dot_general3A_106 {dimension_numbers = #tpu.dot_dimension_numbers<[1], [0], [0], [1], [0, 0, 1, 1], [], []>, transpose_lhs_hint = false} : vector<64x10000xf32>, vector<10000x128xf32>, vector<64x128xf32> -> vector<64x128xf32>
    %get3A_108 = arith.constant 0 : index
    %get3A_109 = arith.constant 0 : index
    %get3A_110 = vector.load %arg12[%get3A_108, %get3A_109] : memref<128x64xf32, #tpu.memory_space<vmem>>, vector<128x64xf32>
    %dot_general3A_111 = arith.constant dense<0.000000e+00> : vector<64x64xf32>
    %dot_general3A_112 = tpu.matmul %dot_general3A_107, %get3A_110, %dot_general3A_111 {dimension_numbers = #tpu.dot_dimension_numbers<[1], [0], [0], [1], [0, 0, 1, 1], [], []>, transpose_lhs_hint = false} : vector<64x128xf32>, vector<128x64xf32>, vector<64x64xf32> -> vector<64x64xf32>
    %get3A_113 = arith.constant 0 : index
    %get3A_114 = arith.constant 0 : index
    %get3A_115 = vector.load %arg13[%get3A_113, %get3A_114] : memref<1x64xf32, #tpu.memory_space<vmem>>, vector<1x64xf32>
    %add3A_116 = vector.broadcast %get3A_115 : vector<1x64xf32> to vector<64x64xf32>
    %add3A_117 = arith.addf %dot_general3A_112, %add3A_116 : vector<64x64xf32>
    %max3A_118 = arith.constant 0.000000e+00 : f32
    %max3A_119 = vector.broadcast %max3A_118 : f32 to vector<64x64xf32>
    %max3A_120 = arith.maximumf %add3A_117, %max3A_119 : vector<64x64xf32>
    %get3A_121 = arith.constant 0 : index
    %get3A_122 = arith.constant 0 : index
    %get3A_123 = vector.load %arg14[%get3A_121, %get3A_122] : memref<64x32xf32, #tpu.memory_space<vmem>>, vector<64x32xf32>
    %dot_general3A_124 = arith.constant dense<0.000000e+00> : vector<64x32xf32>
    %dot_general3A_125 = tpu.matmul %max3A_120, %get3A_123, %dot_general3A_124 {dimension_numbers = #tpu.dot_dimension_numbers<[1], [0], [0], [1], [0, 0, 1, 1], [], []>, transpose_lhs_hint = false} : vector<64x64xf32>, vector<64x32xf32>, vector<64x32xf32> -> vector<64x32xf32>
    %get3A_126 = arith.constant 0 : index
    %get3A_127 = arith.constant 0 : index
    %get3A_128 = vector.load %arg15[%get3A_126, %get3A_127] : memref<1x32xf32, #tpu.memory_space<vmem>>, vector<1x32xf32>
    %add3A_129 = vector.broadcast %get3A_128 : vector<1x32xf32> to vector<64x32xf32>
    %add3A_130 = arith.addf %dot_general3A_125, %add3A_129 : vector<64x32xf32>
    %max3A_131 = arith.constant 0.000000e+00 : f32
    %max3A_132 = vector.broadcast %max3A_131 : f32 to vector<64x32xf32>
    %max3A_133 = arith.maximumf %add3A_130, %max3A_132 : vector<64x32xf32>
    %get3A_134 = arith.constant 0 : index
    %get3A_135 = arith.constant 0 : index
    %get3A_136 = vector.load %arg16[%get3A_134, %get3A_135] : memref<32x10xf32, #tpu.memory_space<vmem>>, vector<32x10xf32>
    %dot_general3A_137 = arith.constant dense<0.000000e+00> : vector<64x10xf32>
    %dot_general3A_138 = tpu.matmul %max3A_133, %get3A_136, %dot_general3A_137 {dimension_numbers = #tpu.dot_dimension_numbers<[1], [0], [0], [1], [0, 0, 1, 1], [], []>, transpose_lhs_hint = false} : vector<64x32xf32>, vector<32x10xf32>, vector<64x10xf32> -> vector<64x10xf32>
    %get3A_139 = arith.constant 0 : index
    %get3A_140 = arith.constant 0 : index
    %get3A_141 = vector.load %arg17[%get3A_139, %get3A_140] : memref<1x10xf32, #tpu.memory_space<vmem>>, vector<1x10xf32>
    %add3A_142 = vector.broadcast %get3A_141 : vector<1x10xf32> to vector<64x10xf32>
    %add3A_143 = arith.addf %dot_general3A_138, %add3A_142 : vector<64x10xf32>
    %swap3A = arith.constant 0 : index
    %swap3A_144 = arith.constant 0 : index
    %swap3A_145 = vector.load %arg18[%swap3A, %swap3A_144] : memref<64x10xf32, #tpu.memory_space<vmem>>, vector<64x10xf32>
    tpu.vector_store %arg18[%swap3A, %swap3A_144], %add3A_143 {strides = array<i32>} : memref<64x10xf32, #tpu.memory_space<vmem>>, vector<64x10xf32>,
    return
  }
}

</mosaic_0001>

<sc_bundles>
// kernel: kernel.6.cloned.1.call-start
scs
__scs_entry_jumppad:
0x0: {  	(pc) =	sbr.rel $0x88, $3  }
0x1: {  	(tag) =	ssettag $0x0;
	lr =	simm.s32 $0x1  }
0x2: {  	[smem:$0x3F87] =	sst lr;
	_ =	strace $0xD0000000  }
0x3: {  	_ = 	snop  }
0x4: {  	_ = 	snop  }
0x5: {  	_ = 	snop  }
0x6: {  	_ = 	snop  }
0x7: {  	_ = 	snop  }
__scs_overlays_trampoline_lowered:
0x8: {  	[smem:$0x3F96] =	sst s0  }
0x9: {  	[smem:$0x3F97] =	sst s1  }
0xa: {  	[smem:$0x3F98] =	sst s2  }
0xb: {  	[smem:$0x3F99] =	sst s3  }
0xc: {  	[smem:$0x3F9A] =	sst s4  }
0xd: {  	[smem:$0x3F9B] =	sst s5  }
0xe: {  	[smem:$0x3F9C] =	sst s6  }
0xf: {  	[smem:$0x3F9D] =	sst s7  }
0x10: {  	[smem:$0x3F9E] =	sst s8  }
0x11: {  	[smem:$0x3F9F] =	sst s9;
	s0 =	simm.s32 @!p0 $0x0  }
0x12: {  	s1 =	sld [smem:$0x3F85];
	s0 =	simm.s32 @p0 $0x1  }
0x13: {  	[smem:$0x3FA0] =	sst s0;
	s0 =	simm.s32 @!p1 $0x0  }
0x14: {  	s2 =	sld [smem:$0x3F84];
	s0 =	simm.s32 @p1 $0x1  }
0x15: {  	[smem:$0x3FA1] =	sst s0;
	s0 =	simm.s32 @!p2 $0x0  }
0x16: {  	s3 =	sld [smem:$0x3FDB];
	s0 =	simm.s32 @p2 $0x1  }
0x17: {  	s4 =	simm.s32 $0x1BF5;
	[smem:$0x3FA3] =	sst s0  }
0x18: {  	s0 =	sld [smem:$0x3F86];
	_ =	swait.ge [sflag:s4], $0x0  }
0x19: {  	s7 =	sld [smem:$0x3F87]  }
0x1a: {  	s8 =	sadd.s32 $0xFFFFE003, lr  }
0x1b: {  	s9 =	sadd.s32 $0xFFFFFEF7, lr;
	s5 =	simm.s32 $0xFFFFFFFF;
	p2 =	slt.u32 s8, $0xFFFFF086  }
0x1c: {  	p1 =	slt.u32 s9, $0xF7A;
	s5 =	simm.s32 @!p2 $0x0  }
0x1d: {  	s5 =	simm.s32 @p1 $0x1;
	p0 =	seq.s32 s7, s2  }
0x1e: {  	s7 =	smul.u32 @!p0 $0xF7A, s2;
	p2 =	seq.s32 @!p0 s5, $0x0  }
0x1f: {  	s9 =	smul.u32 $0xF7A, s1;
	s8 =	simm.s32 @!p0 $0x1BF5;
	p2 =	por !p2, p0  }
0x20: {  	[sflag:s8] =	ssyncset.s32 @!p0 $0xFFFFF086;
	s6 =	sadd.s32 @!p0 s3, s7;
	s7 =	simm.s32 @!p0 $0x108  }
0x21: {  	s3 =	sadd.s32 s3, s9;
	s6 =	sadd.s32 @!p0 $0x88, s6;
	s7 =	simm.s32 @p2 $0x1082  }
0x22: {  	[simem:s7], [sflag:s8] =	dma.local @!p0 [hbm:s6], $0xF7A  }
0x23: {  	s9 =	sor.u32 $0xD0000000, s2;
	s6 =	simm.s32 $0x108;
	_ =	swait.ge @!p0 [sflag:s8], $0x0  }
0x24: {  	s3 =	sadd.s32 $0x88, s3;
	s6 =	simm.s32 @!p1 $0x1082;
	[sflag:s4] =	ssyncset.s32 $0xFFFFF086  }
0x25: {  	[simem:s6], [sflag:s4] =	dma.local [hbm:s3], $0xF7A  }
0x26: {  	[smem:$0x3F87] =	sst s1;
	(tag) =	ssettag s2;
	_ =	strace s9  }
0x27: {  	s1 =	sld [smem:$0x3F97]  }
0x28: {  	s2 =	sld [smem:$0x3F98]  }
0x29: {  	s4 =	sld [smem:$0x3F9A]  }
0x2a: {  	p0 =	seq.s32 s5, $0x0;
	s5 =	sld [smem:$0x3F9B]  }
0x2b: {  	s6 =	sld [smem:$0x3F9C]  }
0x2c: {  	s7 =	sld [smem:$0x3F9D]  }
0x2d: {  	s3 =	simm.s32 $0x108;
	s8 =	sld [smem:$0x3F9E]  }
0x2e: {  	s3 =	simm.s32 @!p0 $0x1082;
	s9 =	sld [smem:$0x3F9F]  }
0x2f: {  	lr =	sadd.s32 s0, s3;
	s0 =	sld [smem:$0x3F96]  }
0x30: {  	s3 =	sld [smem:$0x3F99]  }
0x31: {  	[smem:$0x3FA2] =	sst s10  }
0x32: {  	s10 =	sld [smem:$0x3FA0];
	_ =	sdelay $0x3  }
0x33: {  	p0 =	seq.s32 s10, $0x1;
	s10 =	sld [smem:$0x3FA2];
	_ =	sdelay $0x3  }
0x34: {  	[smem:$0x3FA2] =	sst s10  }
0x35: {  	s10 =	sld [smem:$0x3FA1];
	_ =	sdelay $0x3  }
0x36: {  	p1 =	seq.s32 s10, $0x1;
	s10 =	sld [smem:$0x3FA2];
	_ =	sdelay $0x3  }
0x37: {  	[smem:$0x3FA2] =	sst s10  }
0x38: {  	s10 =	sld [smem:$0x3FA3]  }
0x39: {  	_ = 	snop;
	(pc) =	sbr.ind lr, $3  }
0x3a: {  	_ = 	snop  }
0x3b: {  	_ = 	snop  }
0x3c: {  	p2 =	seq.s32 s10, $0x1;
	s10 =	sld [smem:$0x3FA2]  }
0x3d: {  	_ =	shalt  }
0x3e: {  	_ =	shalt  }
0x3f: {  	_ =	shalt  }
0x40: {  	_ =	shalt  }
0x41: {  	_ =	shalt  }
0x42: {  	_ =	shalt  }
0x43: {  	_ =	shalt  }
0x44: {  	_ =	shalt  }
0x45: {  	_ =	shalt  }
0x46: {  	_ =	shalt  }
0x47: {  	_ =	shalt  }
0x48: {  	_ =	shalt  }
0x49: {  	_ =	shalt  }
0x4a: {  	_ =	shalt  }
0x4b: {  	_ =	shalt  }
0x4c: {  	_ =	shalt  }
0x4d: {  	_ =	shalt  }
0x4e: {  	_ =	shalt  }
0x4f: {  	_ =	shalt  }
0x50: {  	_ =	shalt  }
0x51: {  	_ =	shalt  }
0x52: {  	_ =	shalt  }
0x53: {  	_ =	shalt  }
0x54: {  	_ =	shalt  }
0x55: {  	_ =	shalt  }
0x56: {  	_ =	shalt  }
0x57: {  	_ =	shalt  }
0x58: {  	_ =	shalt  }
0x59: {  	_ =	shalt  }
0x5a: {  	_ =	shalt  }
0x5b: {  	_ =	shalt  }
0x5c: {  	_ =	shalt  }
0x5d: {  	_ =	shalt  }
0x5e: {  	_ =	shalt  }
0x5f: {  	_ =	shalt  }
0x60: {  	_ =	shalt  }
0x61: {  	_ =	shalt  }
0x62: {  	_ =	shalt  }
0x63: {  	_ =	shalt  }
0x64: {  	_ =	shalt  }
0x65: {  	_ =	shalt  }
0x66: {  	_ =	shalt  }
0x67: {  	_ =	shalt  }
0x68: {  	_ =	shalt  }
0x69: {  	_ =	shalt  }
0x6a: {  	_ =	shalt  }
0x6b: {  	_ =	shalt  }
0x6c: {  	_ =	shalt  }
0x6d: {  	_ =	shalt  }
0x6e: {  	_ =	shalt  }
0x6f: {  	_ =	shalt  }
0x70: {  	_ =	shalt  }
0x71: {  	_ =	shalt  }
0x72: {  	_ =	shalt  }
0x73: {  	_ =	shalt  }
0x74: {  	_ =	shalt  }
0x75: {  	_ =	shalt  }
0x76: {  	_ =	shalt  }
0x77: {  	_ =	shalt  }
0x78: {  	_ =	shalt  }
0x79: {  	_ =	shalt  }
0x7a: {  	_ =	shalt  }
0x7b: {  	_ =	shalt  }
0x7c: {  	_ =	shalt  }
0x7d: {  	_ =	shalt  }
0x7e: {  	_ =	shalt  }
0x7f: {  	_ =	shalt  }
0x80: {  	_ =	shalt  }
0x81: {  	_ =	shalt  }
0x82: {  	_ =	shalt  }
0x83: {  	_ =	shalt  }
0x84: {  	_ =	shalt  }
0x85: {  	_ =	shalt  }
0x86: {  	_ =	shalt  }
0x87: {  	_ =	shalt  }
.Lfunc_end0:
.L_simem_size_0:
called_computation_lowered:
.L_overlay_start_0:
0x88: {  	s2 =	sld [smem:$0x3FD9]  }
0x89: {  	s3 =	sld [smem:$0x3FFE];
	_ =	sdelay $0x1  }
0x8a: {  	s1 =	srdreg.scid  }
0x8b: {  	s0 =	sand.u32 $0x1, s1  }
0x8c: {  	s17 =	sshll.u32 s0, $0xA;
	s2 =	sadd.s32 s3, s2  }
0x8d: {  	s2 =	sadd.s32 s2, s17  }
0x8e: {  	[smem:$0x3FAE] =	sst s2  }
0x8f: {  	_ = 	snop  }
0x90: {  	s2 =	sld [smem:$0x3FC9];
	(tm) =	ssettm $0x1  }
0x91: {  	s18 =	sld [smem:$0x3FFB];
	_ =	sdelay $0x3  }
0x92: {  	_ =	strace s18  }
0x93: {  	s3 =	sld [smem:$0x3FFC];
	_ =	sdelay $0x3  }
0x94: {  	_ =	strace s3  }
0x95: {  	s3 =	sld [smem:$0x3FFD];
	_ =	sdelay $0x3  }
0x96: {  	_ =	strace s3  }
0x97: {  	_ =	strace $0x8FFFFFFF  }
0x98: {  	s19 =	sld [smem:$0x3FDB];
	_ =	sdelay $0x1  }
0x99: {  	s4 =	simm.s32 $_scs_section_size  }
0x9a: {  	s5 =	simm.s32 $_size__tile_overlayer_lowered;
	s6 =	simm.s32 $_tile_overlayer_lowered  }
0x9b: {  	s22 =	simm.s32 $0x1BFF;
	s21 =	sshll.u32 s6, $0x1;
	s3 =	sadd.s32 s4, s19  }
0x9c: {  	s7 =	simm.s32 $0x0;
	s20 =	sshll.u32 s5, $0x1;
	s5 =	sadd.s32 s21, s3  }
0x9d: {  	[timem:s7], [sflag:s22] =	dma.local [hbm:s5], s20  }
0x9e: {  	_ =	swait.ge [sflag:s22], s20  }
0x9f: {  	s4 =	ssub.s32 $0x0, s20;
	[sflag:s22] =	ssyncset.done $0x0  }
0xa0: {  	[sflag:s22] =	ssyncadd.s32 s4;
	_ =	sdelay $0x1  }
0xa1: {  	s23 =	simm.s32 $0x1B8B  }
0xa2: {  	_ =	swait.ge [sflag:s23], $0x1  }
0xa3: {  	[sflag:s23] =	ssyncset.done $0x0  }
0xa4: {  	s25 =	simm.s32 $0x1B8E;
	s24 =	sld [smem:$0x3FFE];
	[sflag:s23] =	ssyncadd.s32 $0xFFFFFFFF  }
0xa5: {  	s26 =	simm.s32 $execute0_lowered;
	[smem:$0x3FD2] =	sst s25  }
0xa6: {  	s5 =	sshll.u32 s26, $0x1;
	_ =	strace $0x80000046;
	[dreg:$0x1] =	wrdreg $0xFFFFFFFF  }
0xa7: {  	s28 =	simm.s32 $_size_execute0_lowered;
	s3 =	sadd.s32 s3, s5;
	[dreg:$0x0] =	wrdreg $0x0  }
0xa8: {  	s5 =	sshll.u32 s28, $0x1;
	[dreg:$0x2] =	wrdreg s3  }
0xa9: {  	[dreg:$0x3] =	wrdreg s5  }
0xaa: {  	[dreg:$0x4] =	wrdreg $0xC0  }
0xab: {  	_ =	task [dreg:s7], $0x5FFFF  }
0xac: {  	[dreg:$0x1] =	wrdreg $0xFFFFFFFF  }
0xad: {  	[dreg:$0x0] =	wrdreg $0x60  }
0xae: {  	[dreg:$0x2] =	wrdreg s2  }
0xaf: {  	[dreg:$0x3] =	wrdreg s24  }
0xb0: {  	[dreg:$0x4] =	wrdreg $0xB4000  }
0xb1: {  	[dreg:$0x5] =	wrdreg $0x9  }
0xb2: {  	_ =	task.clear_ibuf [dreg:s7], $0x6FFFF;
	_ =	strace $0x90000046  }
0xb3: {  	s29 =	simm.s32 $0x9;
	_ =	strace $0x80000048  }
0xb4: {  	_ =	swait.ge [sflag:s29], $0x1  }
0xb5: {  	[sflag:s29] =	ssyncadd.s32 $0xFFFFFFFF  }
0xb6: {  	_ =	strace $0x90000048  }
0xb7: {  	_ =	sfence  }
0xb8: {  	s30 =	sld [smem:$0x0];
	_ =	sdelay $0x2  }
0xb9: {  	s31 =	sshll.u32 s1, $0xD;
	s1 =	sshrl.u32 s1, $0x2  }
0xba: {  	s3 =	sand.u32 $0x4000, s31;
	s1 =	sadd.s32 s1, s30  }
0xbb: {  	s0 =	sor.u32 s3, s0;
	s1 =	sshll.u32 s1, $0x11  }
0xbc: {  	s0 =	sor.u32 s1, s0  }
0xbd: {  	s0 =	sadd.s32 $0x8F2B, s0  }
0xbe: {  	[sflag:s0] =	ssyncadd.remote.s32 $0x1  }
0xbf: {  	_ =	sfence.sel $0xFFFF  }
0xc0: {  	[dreg:$0x0] =	wrdreg $0xFFFFFFFF;
	(pc) =	sbr.abs _section_cstart, $3  }
0xc1: {  	[dreg:$0x1] =	wrdreg $0xFFFFFFFF  }
0xc2: {  	_ =	task.clear_ibuf [dreg:s7], $0x2FFFF;
	_ =	strace $0x9FFFFFFF  }
0xc3: {  	(tm) =	ssettm $0x7FFFFFFF  }
tec
execute0_lowered:
.L_overlay_start_1:
0x0: {  	(tag) =	ssettag $0x1  }
0x1: {  	s1 =	rddreg [dreg:$0x0]  }
0x2: {  	s0 =	srdreg.scid;
	s5 =	rddreg [dreg:$0x1]  }
0x3: {  	s14 =	stileid.u32;
	s3 =	rddreg [dreg:$0x2];
	s4 =	simm.s32 $0x0  }
0x4: {  	s16 =	simm.s32 $0x2D00;
	s17 =	simm.s32 $0x2D80;
	s18 =	simm.s32 $0x2E00  }
0x5: {  	s19 =	simm.s32 $0x2E80;
	s20 =	simm.s32 $0x2F00;
	s21 =	simm.s32 $0x2F80  }
0x6: {  	s22 =	simm.s32 $0x3080;
	s28 =	simm.s32 $0x7;
	[smem:$0x7FF] =	sst s4  }
0x7: {  	s29 =	simm.s32 $0x0;
	_ =	strace $0x80000047;
	[dreg:$0x5] =	wrdreg s16  }
0x8: {  	s0 =	sand.u32 $0x1, s0;
	s7 =	smul.u32 $0x13C00, s14;
	[dreg:$0x6] =	wrdreg s17  }
0x9: {  	s13 =	sadd.s32 $0x4200, s5;
	s10 =	smul.u32 $0x4F000, s14;
	[dreg:$0x7] =	wrdreg s18  }
0xa: {  	s26 =	smul.u32 $0x3000, s14;
	s2 =	sshll.u32 s0, $0x4;
	[dreg:$0x8] =	wrdreg s19  }
0xb: {  	s8 =	smul.u32 $0x13C000, s0;
	s23 =	ssub.s32 $0x2, s0;
	[dreg:$0x9] =	wrdreg s20  }
0xc: {  	s0 =	smul.u32 $0x30000, s0;
	s16 =	simm.s32 $0x1;
	[dreg:$0xa] =	wrdreg s21  }
0xd: {  	s17 =	simm.s32 $0x6;
	s18 =	simm.s32 $0x2C00;
	[dreg:$0xb] =	wrdreg s22  }
0xe: {  	s19 =	simm.s32 $0x3000;
	s20 =	simm.s32 $0x4;
	s21 =	simm.s32 $0x80  }
0xf: {  	s22 =	simm.s32 $0x3400;
	s2 =	sor.u32 s14, s2;
	s9 =	sshrl.u32 s7, $0x3  }
0x10: {  	s24 =	sshrl.u32 s23, $0x1;
	s25 =	sshrl.u32 s10, $0x2;
	s6 =	smul.u32 $0x580, s2  }
0x11: {  	s9 =	sadd.s32 s9, s5;
	s7 =	sadd.s32 s7, s8;
	s2 =	smul.u32 $0x3000, s2  }
0x12: {  	s12 =	ssub.s32 s23, s24;
	s15 =	sadd.s32 s25, s3;
	s23 =	simm.s32 $0x3100  }
0x13: {  	s24 =	simm.s32 $0x3180;
	s25 =	simm.s32 $0x3200;
	[dreg:$0xc] =	wrdreg s23  }
0x14: {  	s7 =	sshrl.u32 s7, $0x3;
	s30 =	sadd.s32 $0x1B200, s9;
	[dreg:$0xd] =	wrdreg s24  }
0x15: {  	s12 =	smax.u32 s12, $0x1;
	s15 =	sshrl.u32 s15, $0x3;
	[dreg:$0xe] =	wrdreg s25  }
0x16: {  	s23 =	simm.s32 $0x7400;
	s24 =	simm.s32 $0x2;
	s25 =	simm.s32 $0x3  }
0x17: {  	s6 =	sadd.s32 s6, s5;
	s11 =	sadd.s32 s7, s5;
	s5 =	sshll.u32 s14, $0x6  }
0x18: {  	[dreg:$0x12] =	wrdreg s30;
	s2 =	sshrl.u32 s2, $0x3;
	s7 =	sadd.s32 s26, s0  }
0x19: {  	s14 =	simm.s32 $0x2C80;
	s26 =	simm.s32 $0x3280;
	s30 =	simm.s32 $0x3300  }
0x1a: {  	s31 =	sor.u32 $0x1C06, s5;
	s8 =	sadd.s32 $0x10200, s6;
	[dreg:$0x4] =	wrdreg s14  }
0x1b: {  	s9 =	sadd.s32 s13, s2;
	s11 =	sadd.s32 $0x42A00, s11;
	[dreg:$0xf] =	wrdreg s26  }
0x1c: {  	s0 =	sor.u32 $0xC00, s7;
	s2 =	sor.u32 $0x800, s7;
	[dreg:$0x10] =	wrdreg s30  }
0x1d: {  	s26 =	simm.s32 $0x5;
	[dreg:$0x13] =	wrdreg s31;
	s10 =	sadd.s32 $0x80, s9  }
0x1e: {  	s0 =	sshrl.u32 s0, $0x3;
	s2 =	sshrl.u32 s2, $0x3;
	s31 =	simm.s32 $0x3380  }
0x1f: {  	s0 =	sadd.s32 s0, s13;
	s14 =	sadd.s32 s2, s13;
	[dreg:$0x11] =	wrdreg s31  }
.LBB2_1:
0x20: {  	s2 =	rddreg [dreg:$0x12]  }
0x21: {  	s6 =	rddreg [dreg:$0x13]  }
0x22: {  	[spmem:s15], [sflag:s6] =	dma.local [hbm:s2], $0x2780  }
0x23: {  	[tilespmem:s4], [sflag:$0x1] =	stream.linear.gather [hbm4b:s8+s4], $0x2900, $0x38;
	[tilespmem:$0x1F000] =	vst v63  }
0x24: {  	_ =	swait.ge [sflag:s16], $0x2900  }
0x25: {  	[sflag:s16] =	ssyncset.done $0x0  }
0x26: {  	[sflag:s16] =	ssyncadd.s32 $0xFFFFD700  }
0x27: {  	_ =	swait.ge [sflag:s17], $0x2780  }
0x28: {  	[sflag:s17] =	ssyncset.done $0x0  }
0x29: {  	[sflag:s17] =	ssyncadd.s32 $0xFFFFD880  }
0x2a: {  	[bflag:$0x0] =	sbarrier.arrive $0xFFFF  }
0x2b: {  	[tilespmem:s18], [sflag:$0x4] =	stream.linear.gather [hbm4b:s9+s4], $0x400, $0x38;
	[tilespmem:$0x1F000] =	vst v63  }
0x2c: {  	_ = 	snop  }
0x2d: {  	[tilespmem:s19], [sflag:$0x5] =	stream.linear.gather [hbm4b:s10+s4], $0x400, $0x38;
	[tilespmem:$0x1F000] =	vst v63  }
0x2e: {  	_ =	swait.ge [sflag:s20], $0x400  }
0x2f: {  	[sflag:s20] =	ssyncset.done $0x0  }
0x30: {  	s6 =	simm.s32 $0x0;
	[sflag:s20] =	ssyncadd.s32 $0xFFFFFC00  }
0x31: {  	[tilespmem:s22], [sflag:$0x1] =	stream.indirect.gather [hbm4b:s1+s21], $0x80, s6, s21, $0xb8;
	[tilespmem:$0x1F000] =	vst v63  }
0x32: {  	_ =	swait.ge [sflag:s16], $0x4000  }
0x33: {  	[sflag:s16] =	ssyncset.done $0x0  }
0x34: {  	[sflag:s16] =	ssyncadd.s32 $0xFFFFC000  }
0x35: {  	[spmem:s3] =	stream.indirect.scatter.add.f32 [tilespmem:s22], [sflag:$0x2], $0x80, s18, s21, $0xb8;
	[tilespmem:$0x1F000] =	vst v63  }
0x36: {  	s7 =	simm.s32 $0x80  }
0x37: {  	[tilespmem:s23], [sflag:$0x1] =	stream.indirect.gather [hbm4b:s1+s21], $0x80, s7, s21, $0xb8;
	[tilespmem:$0x1F000] =	vst v63  }
0x38: {  	_ =	swait.ge [sflag:s16], $0x4000  }
0x39: {  	[sflag:s16] =	ssyncset.done $0x0  }
0x3a: {  	s13 =	rddreg [dreg:$0x4];
	[sflag:s16] =	ssyncadd.s32 $0xFFFFC000  }
0x3b: {  	[spmem:s3] =	stream.indirect.scatter.add.f32 [tilespmem:s23], [sflag:$0x3], $0x80, s13, s21, $0xb8;
	[tilespmem:$0x1F000] =	vst v63  }
0x3c: {  	_ =	swait.ge [sflag:s24], $0x4000  }
0x3d: {  	[sflag:s24] =	ssyncset.done $0x0  }
0x3e: {  	s6 =	simm.s32 $0x100;
	[sflag:s24] =	ssyncadd.s32 $0xFFFFC000  }
0x3f: {  	[tilespmem:s22], [sflag:$0x1] =	stream.indirect.gather [hbm4b:s1+s21], $0x80, s6, s21, $0xb8;
	[tilespmem:$0x1F000] =	vst v63  }
0x40: {  	_ =	swait.ge [sflag:s16], $0x4000  }
0x41: {  	[sflag:s16] =	ssyncset.done $0x0  }
0x42: {  	s7 =	rddreg [dreg:$0x5];
	[sflag:s16] =	ssyncadd.s32 $0xFFFFC000  }
0x43: {  	[spmem:s3] =	stream.indirect.scatter.add.f32 [tilespmem:s22], [sflag:$0x2], $0x80, s7, s21, $0xb8;
	[tilespmem:$0x1F000] =	vst v63  }
0x44: {  	_ =	swait.ge [sflag:s25], $0x4000  }
0x45: {  	[sflag:s25] =	ssyncset.done $0x0  }
0x46: {  	s13 =	simm.s32 $0x180;
	[sflag:s25] =	ssyncadd.s32 $0xFFFFC000  }
0x47: {  	[tilespmem:s23], [sflag:$0x1] =	stream.indirect.gather [hbm4b:s1+s21], $0x80, s13, s21, $0xb8;
	[tilespmem:$0x1F000] =	vst v63  }
0x48: {  	_ =	swait.ge [sflag:s16], $0x4000  }
0x49: {  	[sflag:s16] =	ssyncset.done $0x0  }
0x4a: {  	s6 =	rddreg [dreg:$0x6];
	[sflag:s16] =	ssyncadd.s32 $0xFFFFC000  }
0x4b: {  	[spmem:s3] =	stream.indirect.scatter.add.f32 [tilespmem:s23], [sflag:$0x3], $0x80, s6, s21, $0xb8;
	[tilespmem:$0x1F000] =	vst v63  }
0x4c: {  	_ =	swait.ge [sflag:s24], $0x4000  }
0x4d: {  	[sflag:s24] =	ssyncset.done $0x0  }
0x4e: {  	s7 =	simm.s32 $0x200;
	[sflag:s24] =	ssyncadd.s32 $0xFFFFC000  }
0x4f: {  	[tilespmem:s22], [sflag:$0x1] =	stream.indirect.gather [hbm4b:s1+s21], $0x80, s7, s21, $0xb8;
	[tilespmem:$0x1F000] =	vst v63  }
0x50: {  	_ =	swait.ge [sflag:s16], $0x4000  }
0x51: {  	[sflag:s16] =	ssyncset.done $0x0  }
0x52: {  	s13 =	rddreg [dreg:$0x7];
	[sflag:s16] =	ssyncadd.s32 $0xFFFFC000  }
0x53: {  	[spmem:s3] =	stream.indirect.scatter.add.f32 [tilespmem:s22], [sflag:$0x2], $0x80, s13, s21, $0xb8;
	[tilespmem:$0x1F000] =	vst v63  }
0x54: {  	_ =	swait.ge [sflag:s25], $0x4000  }
0x55: {  	[sflag:s25] =	ssyncset.done $0x0  }
0x56: {  	s6 =	simm.s32 $0x280;
	[sflag:s25] =	ssyncadd.s32 $0xFFFFC000  }
0x57: {  	[tilespmem:s23], [sflag:$0x1] =	stream.indirect.gather [hbm4b:s1+s21], $0x80, s6, s21, $0xb8;
	[tilespmem:$0x1F000] =	vst v63  }
0x58: {  	_ =	swait.ge [sflag:s16], $0x4000  }
0x59: {  	[sflag:s16] =	ssyncset.done $0x0  }
0x5a: {  	s7 =	rddreg [dreg:$0x8];
	[sflag:s16] =	ssyncadd.s32 $0xFFFFC000  }
0x5b: {  	[spmem:s3] =	stream.indirect.scatter.add.f32 [tilespmem:s23], [sflag:$0x3], $0x80, s7, s21, $0xb8;
	[tilespmem:$0x1F000] =	vst v63  }
0x5c: {  	_ =	swait.ge [sflag:s24], $0x4000  }
0x5d: {  	[sflag:s24] =	ssyncset.done $0x0  }
0x5e: {  	s13 =	simm.s32 $0x300;
	[sflag:s24] =	ssyncadd.s32 $0xFFFFC000  }
0x5f: {  	[tilespmem:s22], [sflag:$0x1] =	stream.indirect.gather [hbm4b:s1+s21], $0x80, s13, s21, $0xb8;
	[tilespmem:$0x1F000] =	vst v63  }
0x60: {  	_ =	swait.ge [sflag:s16], $0x4000  }
0x61: {  	[sflag:s16] =	ssyncset.done $0x0  }
0x62: {  	s6 =	rddreg [dreg:$0x9];
	[sflag:s16] =	ssyncadd.s32 $0xFFFFC000  }
0x63: {  	[spmem:s3] =	stream.indirect.scatter.add.f32 [tilespmem:s22], [sflag:$0x2], $0x80, s6, s21, $0xb8;
	[tilespmem:$0x1F000] =	vst v63  }
0x64: {  	_ =	swait.ge [sflag:s25], $0x4000  }
0x65: {  	[sflag:s25] =	ssyncset.done $0x0  }
0x66: {  	s7 =	simm.s32 $0x380;
	[sflag:s25] =	ssyncadd.s32 $0xFFFFC000  }
0x67: {  	[tilespmem:s23], [sflag:$0x1] =	stream.indirect.gather [hbm4b:s1+s21], $0x80, s7, s21, $0xb8;
	[tilespmem:$0x1F000] =	vst v63  }
0x68: {  	_ =	swait.ge [sflag:s16], $0x4000  }
0x69: {  	[sflag:s16] =	ssyncset.done $0x0  }
0x6a: {  	s13 =	rddreg [dreg:$0xa];
	[sflag:s16] =	ssyncadd.s32 $0xFFFFC000  }
0x6b: {  	[spmem:s3] =	stream.indirect.scatter.add.f32 [tilespmem:s23], [sflag:$0x3], $0x80, s13, s21, $0xb8;
	[tilespmem:$0x1F000] =	vst v63  }
0x6c: {  	_ =	swait.ge [sflag:s24], $0x4000  }
0x6d: {  	[sflag:s24] =	ssyncset.done $0x0  }
0x6e: {  	[sflag:s24] =	ssyncadd.s32 $0xFFFFC000  }
0x6f: {  	_ =	swait.ge [sflag:s25], $0x4000  }
0x70: {  	[sflag:s25] =	ssyncset.done $0x0  }
0x71: {  	[sflag:s25] =	ssyncadd.s32 $0xFFFFC000  }
0x72: {  	[tilespmem:s18], [sflag:$0x4] =	stream.linear.gather [hbm4b:s14+s4], $0x400, $0x38;
	[tilespmem:$0x1F000] =	vst v63  }
0x73: {  	_ =	swait.ge [sflag:s26], $0x400  }
0x74: {  	[sflag:s26] =	ssyncset.done $0x0  }
0x75: {  	s6 =	simm.s32 $0x400;
	[sflag:s26] =	ssyncadd.s32 $0xFFFFFC00  }
0x76: {  	[tilespmem:s22], [sflag:$0x1] =	stream.indirect.gather [hbm4b:s1+s21], $0x80, s6, s21, $0xb8;
	[tilespmem:$0x1F000] =	vst v63  }
0x77: {  	_ =	swait.ge [sflag:s16], $0x4000  }
0x78: {  	[sflag:s16] =	ssyncset.done $0x0  }
0x79: {  	[sflag:s16] =	ssyncadd.s32 $0xFFFFC000  }
0x7a: {  	[spmem:s3] =	stream.indirect.scatter.add.f32 [tilespmem:s22], [sflag:$0x2], $0x80, s19, s21, $0xb8;
	[tilespmem:$0x1F000] =	vst v63  }
0x7b: {  	s7 =	simm.s32 $0x480  }
0x7c: {  	[tilespmem:s23], [sflag:$0x1] =	stream.indirect.gather [hbm4b:s1+s21], $0x80, s7, s21, $0xb8;
	[tilespmem:$0x1F000] =	vst v63  }
0x7d: {  	_ =	swait.ge [sflag:s16], $0x4000  }
0x7e: {  	[sflag:s16] =	ssyncset.done $0x0  }
0x7f: {  	s13 =	rddreg [dreg:$0xb];
	[sflag:s16] =	ssyncadd.s32 $0xFFFFC000  }
0x80: {  	[spmem:s3] =	stream.indirect.scatter.add.f32 [tilespmem:s23], [sflag:$0x3], $0x80, s13, s21, $0xb8;
	[tilespmem:$0x1F000] =	vst v63  }
0x81: {  	_ =	swait.ge [sflag:s24], $0x4000  }
0x82: {  	[sflag:s24] =	ssyncset.done $0x0  }
0x83: {  	s6 =	simm.s32 $0x500;
	[sflag:s24] =	ssyncadd.s32 $0xFFFFC000  }
0x84: {  	[tilespmem:s22], [sflag:$0x1] =	stream.indirect.gather [hbm4b:s1+s21], $0x80, s6, s21, $0xb8;
	[tilespmem:$0x1F000] =	vst v63  }
0x85: {  	_ =	swait.ge [sflag:s16], $0x4000  }
0x86: {  	[sflag:s16] =	ssyncset.done $0x0  }
0x87: {  	s7 =	rddreg [dreg:$0xc];
	[sflag:s16] =	ssyncadd.s32 $0xFFFFC000  }
0x88: {  	[spmem:s3] =	stream.indirect.scatter.add.f32 [tilespmem:s22], [sflag:$0x2], $0x80, s7, s21, $0xb8;
	[tilespmem:$0x1F000] =	vst v63  }
0x89: {  	_ =	swait.ge [sflag:s25], $0x4000  }
0x8a: {  	[sflag:s25] =	ssyncset.done $0x0  }
0x8b: {  	s13 =	simm.s32 $0x580;
	[sflag:s25] =	ssyncadd.s32 $0xFFFFC000  }
0x8c: {  	[tilespmem:s23], [sflag:$0x1] =	stream.indirect.gather [hbm4b:s1+s21], $0x80, s13, s21, $0xb8;
	[tilespmem:$0x1F000] =	vst v63  }
0x8d: {  	_ =	swait.ge [sflag:s16], $0x4000  }
0x8e: {  	[sflag:s16] =	ssyncset.done $0x0  }
0x8f: {  	s6 =	rddreg [dreg:$0xd];
	[sflag:s16] =	ssyncadd.s32 $0xFFFFC000  }
0x90: {  	[spmem:s3] =	stream.indirect.scatter.add.f32 [tilespmem:s23], [sflag:$0x3], $0x80, s6, s21, $0xb8;
	[tilespmem:$0x1F000] =	vst v63  }
0x91: {  	_ =	swait.ge [sflag:s24], $0x4000  }
0x92: {  	[sflag:s24] =	ssyncset.done $0x0  }
0x93: {  	s7 =	simm.s32 $0x600;
	[sflag:s24] =	ssyncadd.s32 $0xFFFFC000  }
0x94: {  	[tilespmem:s22], [sflag:$0x1] =	stream.indirect.gather [hbm4b:s1+s21], $0x80, s7, s21, $0xb8;
	[tilespmem:$0x1F000] =	vst v63  }
0x95: {  	_ =	swait.ge [sflag:s16], $0x4000  }
0x96: {  	[sflag:s16] =	ssyncset.done $0x0  }
0x97: {  	s13 =	rddreg [dreg:$0xe];
	[sflag:s16] =	ssyncadd.s32 $0xFFFFC000  }
0x98: {  	[spmem:s3] =	stream.indirect.scatter.add.f32 [tilespmem:s22], [sflag:$0x2], $0x80, s13, s21, $0xb8;
	[tilespmem:$0x1F000] =	vst v63  }
0x99: {  	_ =	swait.ge [sflag:s25], $0x4000  }
0x9a: {  	[sflag:s25] =	ssyncset.done $0x0  }
0x9b: {  	s6 =	simm.s32 $0x680;
	[sflag:s25] =	ssyncadd.s32 $0xFFFFC000  }
0x9c: {  	[tilespmem:s23], [sflag:$0x1] =	stream.indirect.gather [hbm4b:s1+s21], $0x80, s6, s21, $0xb8;
	[tilespmem:$0x1F000] =	vst v63  }
0x9d: {  	_ =	swait.ge [sflag:s16], $0x4000  }
0x9e: {  	[sflag:s16] =	ssyncset.done $0x0  }
0x9f: {  	s7 =	rddreg [dreg:$0xf];
	[sflag:s16] =	ssyncadd.s32 $0xFFFFC000  }
0xa0: {  	[spmem:s3] =	stream.indirect.scatter.add.f32 [tilespmem:s23], [sflag:$0x3], $0x80, s7, s21, $0xb8;
	[tilespmem:$0x1F000] =	vst v63  }
0xa1: {  	_ =	swait.ge [sflag:s24], $0x4000  }
0xa2: {  	[sflag:s24] =	ssyncset.done $0x0  }
0xa3: {  	s13 =	simm.s32 $0x700;
	[sflag:s24] =	ssyncadd.s32 $0xFFFFC000  }
0xa4: {  	[tilespmem:s22], [sflag:$0x1] =	stream.indirect.gather [hbm4b:s1+s21], $0x80, s13, s21, $0xb8;
	[tilespmem:$0x1F000] =	vst v63  }
0xa5: {  	_ =	swait.ge [sflag:s16], $0x4000  }
0xa6: {  	[sflag:s16] =	ssyncset.done $0x0  }
0xa7: {  	s6 =	rddreg [dreg:$0x10];
	[sflag:s16] =	ssyncadd.s32 $0xFFFFC000  }
0xa8: {  	[spmem:s3] =	stream.indirect.scatter.add.f32 [tilespmem:s22], [sflag:$0x2], $0x80, s6, s21, $0xb8;
	[tilespmem:$0x1F000] =	vst v63  }
0xa9: {  	_ =	swait.ge [sflag:s25], $0x4000  }
0xaa: {  	[sflag:s25] =	ssyncset.done $0x0  }
0xab: {  	s7 =	simm.s32 $0x780;
	[sflag:s25] =	ssyncadd.s32 $0xFFFFC000  }
0xac: {  	[tilespmem:s23], [sflag:$0x1] =	stream.indirect.gather [hbm4b:s1+s21], $0x80, s7, s21, $0xb8;
	[tilespmem:$0x1F000] =	vst v63  }
0xad: {  	_ =	swait.ge [sflag:s16], $0x4000  }
0xae: {  	[sflag:s16] =	ssyncset.done $0x0  }
0xaf: {  	s13 =	rddreg [dreg:$0x11];
	[sflag:s16] =	ssyncadd.s32 $0xFFFFC000  }
0xb0: {  	[spmem:s3] =	stream.indirect.scatter.add.f32 [tilespmem:s23], [sflag:$0x3], $0x80, s13, s21, $0xb8;
	[tilespmem:$0x1F000] =	vst v63  }
0xb1: {  	_ =	swait.ge [sflag:s24], $0x4000  }
0xb2: {  	[sflag:s24] =	ssyncset.done $0x0  }
0xb3: {  	[sflag:s24] =	ssyncadd.s32 $0xFFFFC000  }
0xb4: {  	_ =	swait.ge [sflag:s25], $0x4000  }
0xb5: {  	s30 =	simm.s32 $0x2000;
	s31 =	sadd.s32 $0x100, s0;
	[sflag:s25] =	ssyncset.done $0x0  }
0xb6: {  	s2 =	sadd.s32 $0x100, s14;
	s13 =	smov.u32 s0;
	[sflag:s25] =	ssyncadd.s32 $0xFFFFC000  }
.LBB2_2:
0xb7: {  	[tilespmem:s19], [sflag:$0x5] =	stream.linear.gather [hbm4b:s13+s4], $0x400, $0x38;
	[tilespmem:$0x1F000] =	vst v63  }
0xb8: {  	_ =	swait.ge [sflag:s20], $0x400  }
0xb9: {  	s6 =	smov.u32 s30;
	[sflag:s20] =	ssyncset.done $0x0  }
0xba: {  	s6 =	sshra.s32 s6, $0x2;
	[sflag:s20] =	ssyncadd.s32 $0xFFFFFC00  }
0xbb: {  	[tilespmem:s22], [sflag:$0x1] =	stream.indirect.gather [hbm4b:s1+s21], $0x80, s6, s21, $0xb8;
	[tilespmem:$0x1F000] =	vst v63  }
0xbc: {  	_ =	swait.ge [sflag:s16], $0x4000  }
0xbd: {  	[sflag:s16] =	ssyncset.done $0x0  }
0xbe: {  	[sflag:s16] =	ssyncadd.s32 $0xFFFFC000  }
0xbf: {  	[spmem:s3] =	stream.indirect.scatter.add.f32 [tilespmem:s22], [sflag:$0x2], $0x80, s18, s21, $0xb8;
	[tilespmem:$0x1F000] =	vst v63  }
0xc0: {  	s7 =	sadd.s32 $0x80, s6  }
0xc1: {  	[tilespmem:s23], [sflag:$0x1] =	stream.indirect.gather [hbm4b:s1+s21], $0x80, s7, s21, $0xb8;
	[tilespmem:$0x1F000] =	vst v63  }
0xc2: {  	_ =	swait.ge [sflag:s16], $0x4000  }
0xc3: {  	[sflag:s16] =	ssyncset.done $0x0  }
0xc4: {  	s7 =	rddreg [dreg:$0x4];
	[sflag:s16] =	ssyncadd.s32 $0xFFFFC000  }
0xc5: {  	[spmem:s3] =	stream.indirect.scatter.add.f32 [tilespmem:s23], [sflag:$0x3], $0x80, s7, s21, $0xb8;
	[tilespmem:$0x1F000] =	vst v63  }
0xc6: {  	_ =	swait.ge [sflag:s24], $0x4000  }
0xc7: {  	[sflag:s24] =	ssyncset.done $0x0  }
0xc8: {  	s7 =	sadd.s32 $0x100, s6;
	[sflag:s24] =	ssyncadd.s32 $0xFFFFC000  }
0xc9: {  	[tilespmem:s22], [sflag:$0x1] =	stream.indirect.gather [hbm4b:s1+s21], $0x80, s7, s21, $0xb8;
	[tilespmem:$0x1F000] =	vst v63  }
0xca: {  	_ =	swait.ge [sflag:s16], $0x4000  }
0xcb: {  	[sflag:s16] =	ssyncset.done $0x0  }
0xcc: {  	s7 =	rddreg [dreg:$0x5];
	[sflag:s16] =	ssyncadd.s32 $0xFFFFC000  }
0xcd: {  	[spmem:s3] =	stream.indirect.scatter.add.f32 [tilespmem:s22], [sflag:$0x2], $0x80, s7, s21, $0xb8;
	[tilespmem:$0x1F000] =	vst v63  }
0xce: {  	_ =	swait.ge [sflag:s25], $0x4000  }
0xcf: {  	[sflag:s25] =	ssyncset.done $0x0  }
0xd0: {  	s7 =	sadd.s32 $0x180, s6;
	[sflag:s25] =	ssyncadd.s32 $0xFFFFC000  }
0xd1: {  	[tilespmem:s23], [sflag:$0x1] =	stream.indirect.gather [hbm4b:s1+s21], $0x80, s7, s21, $0xb8;
	[tilespmem:$0x1F000] =	vst v63  }
0xd2: {  	_ =	swait.ge [sflag:s16], $0x4000  }
0xd3: {  	[sflag:s16] =	ssyncset.done $0x0  }
0xd4: {  	s7 =	rddreg [dreg:$0x6];
	[sflag:s16] =	ssyncadd.s32 $0xFFFFC000  }
0xd5: {  	[spmem:s3] =	stream.indirect.scatter.add.f32 [tilespmem:s23], [sflag:$0x3], $0x80, s7, s21, $0xb8;
	[tilespmem:$0x1F000] =	vst v63  }
0xd6: {  	_ =	swait.ge [sflag:s24], $0x4000  }
0xd7: {  	[sflag:s24] =	ssyncset.done $0x0  }
0xd8: {  	s7 =	sadd.s32 $0x200, s6;
	[sflag:s24] =	ssyncadd.s32 $0xFFFFC000  }
0xd9: {  	[tilespmem:s22], [sflag:$0x1] =	stream.indirect.gather [hbm4b:s1+s21], $0x80, s7, s21, $0xb8;
	[tilespmem:$0x1F000] =	vst v63  }
0xda: {  	_ =	swait.ge [sflag:s16], $0x4000  }
0xdb: {  	[sflag:s16] =	ssyncset.done $0x0  }
0xdc: {  	s7 =	rddreg [dreg:$0x7];
	[sflag:s16] =	ssyncadd.s32 $0xFFFFC000  }
0xdd: {  	[spmem:s3] =	stream.indirect.scatter.add.f32 [tilespmem:s22], [sflag:$0x2], $0x80, s7, s21, $0xb8;
	[tilespmem:$0x1F000] =	vst v63  }
0xde: {  	_ =	swait.ge [sflag:s25], $0x4000  }
0xdf: {  	[sflag:s25] =	ssyncset.done $0x0  }
0xe0: {  	s7 =	sadd.s32 $0x280, s6;
	[sflag:s25] =	ssyncadd.s32 $0xFFFFC000  }
0xe1: {  	[tilespmem:s23], [sflag:$0x1] =	stream.indirect.gather [hbm4b:s1+s21], $0x80, s7, s21, $0xb8;
	[tilespmem:$0x1F000] =	vst v63  }
0xe2: {  	_ =	swait.ge [sflag:s16], $0x4000  }
0xe3: {  	[sflag:s16] =	ssyncset.done $0x0  }
0xe4: {  	s7 =	rddreg [dreg:$0x8];
	[sflag:s16] =	ssyncadd.s32 $0xFFFFC000  }
0xe5: {  	[spmem:s3] =	stream.indirect.scatter.add.f32 [tilespmem:s23], [sflag:$0x3], $0x80, s7, s21, $0xb8;
	[tilespmem:$0x1F000] =	vst v63  }
0xe6: {  	_ =	swait.ge [sflag:s24], $0x4000  }
0xe7: {  	[sflag:s24] =	ssyncset.done $0x0  }
0xe8: {  	s7 =	sadd.s32 $0x300, s6;
	[sflag:s24] =	ssyncadd.s32 $0xFFFFC000  }
0xe9: {  	[tilespmem:s22], [sflag:$0x1] =	stream.indirect.gather [hbm4b:s1+s21], $0x80, s7, s21, $0xb8;
	[tilespmem:$0x1F000] =	vst v63  }
0xea: {  	_ =	swait.ge [sflag:s16], $0x4000  }
0xeb: {  	[sflag:s16] =	ssyncset.done $0x0  }
0xec: {  	s7 =	rddreg [dreg:$0x9];
	[sflag:s16] =	ssyncadd.s32 $0xFFFFC000  }
0xed: {  	[spmem:s3] =	stream.indirect.scatter.add.f32 [tilespmem:s22], [sflag:$0x2], $0x80, s7, s21, $0xb8;
	[tilespmem:$0x1F000] =	vst v63  }
0xee: {  	_ =	swait.ge [sflag:s25], $0x4000  }
0xef: {  	[sflag:s25] =	ssyncset.done $0x0  }
0xf0: {  	s7 =	sadd.s32 $0x380, s6;
	[sflag:s25] =	ssyncadd.s32 $0xFFFFC000  }
0xf1: {  	[tilespmem:s23], [sflag:$0x1] =	stream.indirect.gather [hbm4b:s1+s21], $0x80, s7, s21, $0xb8;
	[tilespmem:$0x1F000] =	vst v63  }
0xf2: {  	_ =	swait.ge [sflag:s16], $0x4000  }
0xf3: {  	[sflag:s16] =	ssyncset.done $0x0  }
0xf4: {  	s7 =	rddreg [dreg:$0xa];
	[sflag:s16] =	ssyncadd.s32 $0xFFFFC000  }
0xf5: {  	[spmem:s3] =	stream.indirect.scatter.add.f32 [tilespmem:s23], [sflag:$0x3], $0x80, s7, s21, $0xb8;
	[tilespmem:$0x1F000] =	vst v63  }
0xf6: {  	_ =	swait.ge [sflag:s24], $0x4000  }
0xf7: {  	[sflag:s24] =	ssyncset.done $0x0  }
0xf8: {  	[sflag:s24] =	ssyncadd.s32 $0xFFFFC000  }
0xf9: {  	_ =	swait.ge [sflag:s25], $0x4000  }
0xfa: {  	[sflag:s25] =	ssyncset.done $0x0  }
0xfb: {  	[sflag:s25] =	ssyncadd.s32 $0xFFFFC000  }
0xfc: {  	[tilespmem:s18], [sflag:$0x4] =	stream.linear.gather [hbm4b:s2+s4], $0x400, $0x38;
	[tilespmem:$0x1F000] =	vst v63  }
0xfd: {  	_ =	swait.ge [sflag:s26], $0x400  }
0xfe: {  	[sflag:s26] =	ssyncset.done $0x0  }
0xff: {  	s7 =	sadd.s32 $0x400, s6;
	[sflag:s26] =	ssyncadd.s32 $0xFFFFFC00  }
0x100: {  	[tilespmem:s22], [sflag:$0x1] =	stream.indirect.gather [hbm4b:s1+s21], $0x80, s7, s21, $0xb8;
	[tilespmem:$0x1F000] =	vst v63  }
0x101: {  	_ =	swait.ge [sflag:s16], $0x4000  }
0x102: {  	[sflag:s16] =	ssyncset.done $0x0  }
0x103: {  	[sflag:s16] =	ssyncadd.s32 $0xFFFFC000  }
0x104: {  	[spmem:s3] =	stream.indirect.scatter.add.f32 [tilespmem:s22], [sflag:$0x2], $0x80, s19, s21, $0xb8;
	[tilespmem:$0x1F000] =	vst v63  }
0x105: {  	s7 =	sadd.s32 $0x480, s6  }
0x106: {  	[tilespmem:s23], [sflag:$0x1] =	stream.indirect.gather [hbm4b:s1+s21], $0x80, s7, s21, $0xb8;
	[tilespmem:$0x1F000] =	vst v63  }
0x107: {  	_ =	swait.ge [sflag:s16], $0x4000  }
0x108: {  	[sflag:s16] =	ssyncset.done $0x0  }
0x109: {  	s7 =	rddreg [dreg:$0xb];
	[sflag:s16] =	ssyncadd.s32 $0xFFFFC000  }
0x10a: {  	[spmem:s3] =	stream.indirect.scatter.add.f32 [tilespmem:s23], [sflag:$0x3], $0x80, s7, s21, $0xb8;
	[tilespmem:$0x1F000] =	vst v63  }
0x10b: {  	_ =	swait.ge [sflag:s24], $0x4000  }
0x10c: {  	[sflag:s24] =	ssyncset.done $0x0  }
0x10d: {  	s7 =	sadd.s32 $0x500, s6;
	[sflag:s24] =	ssyncadd.s32 $0xFFFFC000  }
0x10e: {  	[tilespmem:s22], [sflag:$0x1] =	stream.indirect.gather [hbm4b:s1+s21], $0x80, s7, s21, $0xb8;
	[tilespmem:$0x1F000] =	vst v63  }
0x10f: {  	_ =	swait.ge [sflag:s16], $0x4000  }
0x110: {  	[sflag:s16] =	ssyncset.done $0x0  }
0x111: {  	s7 =	rddreg [dreg:$0xc];
	[sflag:s16] =	ssyncadd.s32 $0xFFFFC000  }
0x112: {  	[spmem:s3] =	stream.indirect.scatter.add.f32 [tilespmem:s22], [sflag:$0x2], $0x80, s7, s21, $0xb8;
	[tilespmem:$0x1F000] =	vst v63  }
0x113: {  	_ =	swait.ge [sflag:s25], $0x4000  }
0x114: {  	[sflag:s25] =	ssyncset.done $0x0  }
0x115: {  	s7 =	sadd.s32 $0x580, s6;
	[sflag:s25] =	ssyncadd.s32 $0xFFFFC000  }
0x116: {  	[tilespmem:s23], [sflag:$0x1] =	stream.indirect.gather [hbm4b:s1+s21], $0x80, s7, s21, $0xb8;
	[tilespmem:$0x1F000] =	vst v63  }
0x117: {  	_ =	swait.ge [sflag:s16], $0x4000  }
0x118: {  	[sflag:s16] =	ssyncset.done $0x0  }
0x119: {  	s7 =	rddreg [dreg:$0xd];
	[sflag:s16] =	ssyncadd.s32 $0xFFFFC000  }
0x11a: {  	[spmem:s3] =	stream.indirect.scatter.add.f32 [tilespmem:s23], [sflag:$0x3], $0x80, s7, s21, $0xb8;
	[tilespmem:$0x1F000] =	vst v63  }
0x11b: {  	_ =	swait.ge [sflag:s24], $0x4000  }
0x11c: {  	[sflag:s24] =	ssyncset.done $0x0  }
0x11d: {  	s7 =	sadd.s32 $0x600, s6;
	[sflag:s24] =	ssyncadd.s32 $0xFFFFC000  }
0x11e: {  	[tilespmem:s22], [sflag:$0x1] =	stream.indirect.gather [hbm4b:s1+s21], $0x80, s7, s21, $0xb8;
	[tilespmem:$0x1F000] =	vst v63  }
0x11f: {  	_ =	swait.ge [sflag:s16], $0x4000  }
0x120: {  	[sflag:s16] =	ssyncset.done $0x0  }
0x121: {  	s7 =	rddreg [dreg:$0xe];
	[sflag:s16] =	ssyncadd.s32 $0xFFFFC000  }
0x122: {  	[spmem:s3] =	stream.indirect.scatter.add.f32 [tilespmem:s22], [sflag:$0x2], $0x80, s7, s21, $0xb8;
	[tilespmem:$0x1F000] =	vst v63  }
0x123: {  	_ =	swait.ge [sflag:s25], $0x4000  }
0x124: {  	[sflag:s25] =	ssyncset.done $0x0  }
0x125: {  	s7 =	sadd.s32 $0x680, s6;
	[sflag:s25] =	ssyncadd.s32 $0xFFFFC000  }
0x126: {  	[tilespmem:s23], [sflag:$0x1] =	stream.indirect.gather [hbm4b:s1+s21], $0x80, s7, s21, $0xb8;
	[tilespmem:$0x1F000] =	vst v63  }
0x127: {  	_ =	swait.ge [sflag:s16], $0x4000  }
0x128: {  	[sflag:s16] =	ssyncset.done $0x0  }
0x129: {  	s7 =	rddreg [dreg:$0xf];
	[sflag:s16] =	ssyncadd.s32 $0xFFFFC000  }
0x12a: {  	[spmem:s3] =	stream.indirect.scatter.add.f32 [tilespmem:s23], [sflag:$0x3], $0x80, s7, s21, $0xb8;
	[tilespmem:$0x1F000] =	vst v63  }
0x12b: {  	_ =	swait.ge [sflag:s24], $0x4000  }
0x12c: {  	[sflag:s24] =	ssyncset.done $0x0  }
0x12d: {  	s7 =	sadd.s32 $0x700, s6;
	[sflag:s24] =	ssyncadd.s32 $0xFFFFC000  }
0x12e: {  	[tilespmem:s22], [sflag:$0x1] =	stream.indirect.gather [hbm4b:s1+s21], $0x80, s7, s21, $0xb8;
	[tilespmem:$0x1F000] =	vst v63  }
0x12f: {  	_ =	swait.ge [sflag:s16], $0x4000  }
0x130: {  	[sflag:s16] =	ssyncset.done $0x0  }
0x131: {  	s7 =	rddreg [dreg:$0x10];
	[sflag:s16] =	ssyncadd.s32 $0xFFFFC000  }
0x132: {  	[spmem:s3] =	stream.indirect.scatter.add.f32 [tilespmem:s22], [sflag:$0x2], $0x80, s7, s21, $0xb8;
	[tilespmem:$0x1F000] =	vst v63  }
0x133: {  	_ =	swait.ge [sflag:s25], $0x4000  }
0x134: {  	[sflag:s25] =	ssyncset.done $0x0  }
0x135: {  	s6 =	sadd.s32 $0x780, s6;
	[sflag:s25] =	ssyncadd.s32 $0xFFFFC000  }
0x136: {  	[tilespmem:s23], [sflag:$0x1] =	stream.indirect.gather [hbm4b:s1+s21], $0x80, s6, s21, $0xb8;
	[tilespmem:$0x1F000] =	vst v63  }
0x137: {  	_ =	swait.ge [sflag:s16], $0x4000  }
0x138: {  	[sflag:s16] =	ssyncset.done $0x0  }
0x139: {  	s7 =	rddreg [dreg:$0x11];
	[sflag:s16] =	ssyncadd.s32 $0xFFFFC000  }
0x13a: {  	[spmem:s3] =	stream.indirect.scatter.add.f32 [tilespmem:s23], [sflag:$0x3], $0x80, s7, s21, $0xb8;
	[tilespmem:$0x1F000] =	vst v63  }
0x13b: {  	p0 =	sne.s32 s30, $0x8000;
	_ =	swait.ge [sflag:s24], $0x4000  }
.Ltmp0:
0x13c: {  	[sflag:s24] =	ssyncset.done $0x0;
	(pc) =	sbr.rel @p0 .LBB2_2-.Ltmp0, $4  }
0x13d: {  	[sflag:s24] =	ssyncadd.s32 $0xFFFFC000  }
0x13e: {  	_ =	swait.ge [sflag:s25], $0x4000  }
0x13f: {  	s13 =	smov.u32 s31;
	s30 =	sadd.s32 $0x2000, s30;
	[sflag:s25] =	ssyncset.done $0x0  }
0x140: {  	s31 =	sadd.s32 $0x100, s31;
	s2 =	sadd.s32 $0x100, s2;
	[sflag:s25] =	ssyncadd.s32 $0xFFFFC000  }
0x141: {  	[tilespmem:s19], [sflag:$0x5] =	stream.linear.gather [hbm4b:s13+s4], $0x400, $0x38;
	[tilespmem:$0x1F000] =	vst v63  }
0x142: {  	_ =	swait.ge [sflag:s20], $0x400  }
0x143: {  	[sflag:s20] =	ssyncset.done $0x0  }
0x144: {  	[sflag:s20] =	ssyncadd.s32 $0xFFFFFC00  }
0x145: {  	_ =	swait.ge [sflag:s26], $0x400  }
0x146: {  	s29 =	sadd.s32 $0x1, s29;
	[sflag:s26] =	ssyncset.done $0x0  }
0x147: {  	p0 =	sne.s32 s29, s12;
	[sflag:s26] =	ssyncadd.s32 $0xFFFFFC00  }
.Ltmp1:
0x148: {  	s2 =	sor.u32 $0x1C07, s5;
	[bflag:$0x0] =	sbarrier.arrive $0xFFFF;
	(pc) =	sbr.rel @p0 .LBB2_1-.Ltmp1, $4  }
0x149: {  	[hbm:s11], [sflag:s2] =	dma.local [spmem:s15], $0x2780  }
0x14a: {  	_ =	swait.ge [sflag:s28], $0x2780  }
0x14b: {  	[sflag:s28] =	ssyncset.done $0x0  }
0x14c: {  	[sflag:s28] =	ssyncadd.s32 $0xFFFFD880  }
0x14d: {  	_ =	sfence.sel $0x180000  }
0x14e: {  	[bflag:$0x0] =	sbarrier.arrive $0xFFFF  }
0x14f: {  	_ =	strace $0x90000047  }
0x150: {  	s0 =	stileid.u32;
	[bflag:$0x2] =	sbarrier.arrive $0xFFFF  }
0x151: {  	p0 =	sne.s32 s0, $0x0;
	s0 =	rddreg [dreg:$0x3]  }
0x152: {  	s0 =	sadd.s32 @!p0 $0x100000, s0  }
0x153: {  	[sflag:s0] =	ssyncadd.tile.s32 @!p0 $0x1;
	_ =	shalt  }
.Lfunc_end2:
_tile_overlayer_lowered:
.L_overlay_start_2:
0x154: {  	(tag) =	ssettag $0x2  }
0x155: {  	s0 =	rddreg [dreg:$0x0];
	s2 =	stileid.u32  }
0x156: {  	s1 =	rddreg [dreg:$0x1];
	p0 =	sne.s32 s2, $0x0  }
0x157: {  	s3 =	rddreg [dreg:$0x2];
	[bflag:$0x3] =	sbarrier.arrive $0xFFFF;
	s2 =	simm.s32 @!p0 $0x1C07  }
0x158: {  	[timem:s3], [sflag:s2] =	dma.local @!p0 [hbm:s0], s1  }
0x159: {  	s0 =	simm.s32 @!p0 $0x7  }
0x15a: {  	_ =	swait.ge @!p0 [sflag:s0], s1  }
0x15b: {  	s1 =	ssub.s32 @!p0 $0x0, s1;
	[sflag:s0] =	ssyncset.done @!p0 $0x0  }
0x15c: {  	[sflag:s0] =	ssyncadd.s32 @!p0 s1  }
0x15d: {  	[bflag:$0x3] =	sbarrier.arrive $0xFFFF  }
0x15e: {  	_ =	shalt  }

// kernel: kernel.9.cloned.1.call-start
scs
__scs_entry_jumppad:
0x0: {  	(pc) =	sbr.rel $0x88, $3  }
0x1: {  	(tag) =	ssettag $0x0;
	lr =	simm.s32 $0x1  }
0x2: {  	[smem:$0x3F87] =	sst lr;
	_ =	strace $0xD0000000  }
0x3: {  	_ = 	snop  }
0x4: {  	_ = 	snop  }
0x5: {  	_ = 	snop  }
0x6: {  	_ = 	snop  }
0x7: {  	_ = 	snop  }
__scs_overlays_trampoline_lowered:
0x8: {  	[smem:$0x3F96] =	sst s0  }
0x9: {  	[smem:$0x3F97] =	sst s1  }
0xa: {  	[smem:$0x3F98] =	sst s2  }
0xb: {  	[smem:$0x3F99] =	sst s3  }
0xc: {  	[smem:$0x3F9A] =	sst s4  }
0xd: {  	[smem:$0x3F9B] =	sst s5  }
0xe: {  	[smem:$0x3F9C] =	sst s6  }
0xf: {  	[smem:$0x3F9D] =	sst s7  }
0x10: {  	[smem:$0x3F9E] =	sst s8  }
0x11: {  	[smem:$0x3F9F] =	sst s9;
	s0 =	simm.s32 @!p0 $0x0  }
0x12: {  	s1 =	sld [smem:$0x3F85];
	s0 =	simm.s32 @p0 $0x1  }
0x13: {  	[smem:$0x3FA0] =	sst s0;
	s0 =	simm.s32 @!p1 $0x0  }
0x14: {  	s2 =	sld [smem:$0x3F84];
	s0 =	simm.s32 @p1 $0x1  }
0x15: {  	[smem:$0x3FA1] =	sst s0;
	s0 =	simm.s32 @!p2 $0x0  }
0x16: {  	s3 =	sld [smem:$0x3FDB];
	s0 =	simm.s32 @p2 $0x1  }
0x17: {  	s4 =	simm.s32 $0x1BF5;
	[smem:$0x3FA3] =	sst s0  }
0x18: {  	s0 =	sld [smem:$0x3F86];
	_ =	swait.ge [sflag:s4], $0x0  }
0x19: {  	s7 =	sld [smem:$0x3F87]  }
0x1a: {  	s8 =	sadd.s32 $0xFFFFE003, lr  }
0x1b: {  	s9 =	sadd.s32 $0xFFFFFEF7, lr;
	s5 =	simm.s32 $0xFFFFFFFF;
	p2 =	slt.u32 s8, $0xFFFFF086  }
0x1c: {  	p1 =	slt.u32 s9, $0xF7A;
	s5 =	simm.s32 @!p2 $0x0  }
0x1d: {  	s5 =	simm.s32 @p1 $0x1;
	p0 =	seq.s32 s7, s2  }
0x1e: {  	s7 =	smul.u32 @!p0 $0xF7A, s2;
	p2 =	seq.s32 @!p0 s5, $0x0  }
0x1f: {  	s9 =	smul.u32 $0xF7A, s1;
	s8 =	simm.s32 @!p0 $0x1BF5;
	p2 =	por !p2, p0  }
0x20: {  	[sflag:s8] =	ssyncset.s32 @!p0 $0xFFFFF086;
	s6 =	sadd.s32 @!p0 s3, s7;
	s7 =	simm.s32 @!p0 $0x108  }
0x21: {  	s3 =	sadd.s32 s3, s9;
	s6 =	sadd.s32 @!p0 $0x88, s6;
	s7 =	simm.s32 @p2 $0x1082  }
0x22: {  	[simem:s7], [sflag:s8] =	dma.local @!p0 [hbm:s6], $0xF7A  }
0x23: {  	s9 =	sor.u32 $0xD0000000, s2;
	s6 =	simm.s32 $0x108;
	_ =	swait.ge @!p0 [sflag:s8], $0x0  }
0x24: {  	s3 =	sadd.s32 $0x88, s3;
	s6 =	simm.s32 @!p1 $0x1082;
	[sflag:s4] =	ssyncset.s32 $0xFFFFF086  }
0x25: {  	[simem:s6], [sflag:s4] =	dma.local [hbm:s3], $0xF7A  }
0x26: {  	[smem:$0x3F87] =	sst s1;
	(tag) =	ssettag s2;
	_ =	strace s9  }
0x27: {  	s1 =	sld [smem:$0x3F97]  }
0x28: {  	s2 =	sld [smem:$0x3F98]  }
0x29: {  	s4 =	sld [smem:$0x3F9A]  }
0x2a: {  	p0 =	seq.s32 s5, $0x0;
	s5 =	sld [smem:$0x3F9B]  }
0x2b: {  	s6 =	sld [smem:$0x3F9C]  }
0x2c: {  	s7 =	sld [smem:$0x3F9D]  }
0x2d: {  	s3 =	simm.s32 $0x108;
	s8 =	sld [smem:$0x3F9E]  }
0x2e: {  	s3 =	simm.s32 @!p0 $0x1082;
	s9 =	sld [smem:$0x3F9F]  }
0x2f: {  	lr =	sadd.s32 s0, s3;
	s0 =	sld [smem:$0x3F96]  }
0x30: {  	s3 =	sld [smem:$0x3F99]  }
0x31: {  	[smem:$0x3FA2] =	sst s10  }
0x32: {  	s10 =	sld [smem:$0x3FA0];
	_ =	sdelay $0x3  }
0x33: {  	p0 =	seq.s32 s10, $0x1;
	s10 =	sld [smem:$0x3FA2];
	_ =	sdelay $0x3  }
0x34: {  	[smem:$0x3FA2] =	sst s10  }
0x35: {  	s10 =	sld [smem:$0x3FA1];
	_ =	sdelay $0x3  }
0x36: {  	p1 =	seq.s32 s10, $0x1;
	s10 =	sld [smem:$0x3FA2];
	_ =	sdelay $0x3  }
0x37: {  	[smem:$0x3FA2] =	sst s10  }
0x38: {  	s10 =	sld [smem:$0x3FA3]  }
0x39: {  	_ = 	snop;
	(pc) =	sbr.ind lr, $3  }
0x3a: {  	_ = 	snop  }
0x3b: {  	_ = 	snop  }
0x3c: {  	p2 =	seq.s32 s10, $0x1;
	s10 =	sld [smem:$0x3FA2]  }
0x3d: {  	_ =	shalt  }
0x3e: {  	_ =	shalt  }
0x3f: {  	_ =	shalt  }
0x40: {  	_ =	shalt  }
0x41: {  	_ =	shalt  }
0x42: {  	_ =	shalt  }
0x43: {  	_ =	shalt  }
0x44: {  	_ =	shalt  }
0x45: {  	_ =	shalt  }
0x46: {  	_ =	shalt  }
0x47: {  	_ =	shalt  }
0x48: {  	_ =	shalt  }
0x49: {  	_ =	shalt  }
0x4a: {  	_ =	shalt  }
0x4b: {  	_ =	shalt  }
0x4c: {  	_ =	shalt  }
0x4d: {  	_ =	shalt  }
0x4e: {  	_ =	shalt  }
0x4f: {  	_ =	shalt  }
0x50: {  	_ =	shalt  }
0x51: {  	_ =	shalt  }
0x52: {  	_ =	shalt  }
0x53: {  	_ =	shalt  }
0x54: {  	_ =	shalt  }
0x55: {  	_ =	shalt  }
0x56: {  	_ =	shalt  }
0x57: {  	_ =	shalt  }
0x58: {  	_ =	shalt  }
0x59: {  	_ =	shalt  }
0x5a: {  	_ =	shalt  }
0x5b: {  	_ =	shalt  }
0x5c: {  	_ =	shalt  }
0x5d: {  	_ =	shalt  }
0x5e: {  	_ =	shalt  }
0x5f: {  	_ =	shalt  }
0x60: {  	_ =	shalt  }
0x61: {  	_ =	shalt  }
0x62: {  	_ =	shalt  }
0x63: {  	_ =	shalt  }
0x64: {  	_ =	shalt  }
0x65: {  	_ =	shalt  }
0x66: {  	_ =	shalt  }
0x67: {  	_ =	shalt  }
0x68: {  	_ =	shalt  }
0x69: {  	_ =	shalt  }
0x6a: {  	_ =	shalt  }
0x6b: {  	_ =	shalt  }
0x6c: {  	_ =	shalt  }
0x6d: {  	_ =	shalt  }
0x6e: {  	_ =	shalt  }
0x6f: {  	_ =	shalt  }
0x70: {  	_ =	shalt  }
0x71: {  	_ =	shalt  }
0x72: {  	_ =	shalt  }
0x73: {  	_ =	shalt  }
0x74: {  	_ =	shalt  }
0x75: {  	_ =	shalt  }
0x76: {  	_ =	shalt  }
0x77: {  	_ =	shalt  }
0x78: {  	_ =	shalt  }
0x79: {  	_ =	shalt  }
0x7a: {  	_ =	shalt  }
0x7b: {  	_ =	shalt  }
0x7c: {  	_ =	shalt  }
0x7d: {  	_ =	shalt  }
0x7e: {  	_ =	shalt  }
0x7f: {  	_ =	shalt  }
0x80: {  	_ =	shalt  }
0x81: {  	_ =	shalt  }
0x82: {  	_ =	shalt  }
0x83: {  	_ =	shalt  }
0x84: {  	_ =	shalt  }
0x85: {  	_ =	shalt  }
0x86: {  	_ =	shalt  }
0x87: {  	_ =	shalt  }
.Lfunc_end0:
.L_simem_size_0:
called_computation.1_lowered:
.L_overlay_start_0:
0x88: {  	s2 =	sld [smem:$0x3FD9]  }
0x89: {  	s3 =	sld [smem:$0x3FFE];
	_ =	sdelay $0x1  }
0x8a: {  	s1 =	srdreg.scid  }
0x8b: {  	s0 =	sand.u32 $0x1, s1  }
0x8c: {  	s16 =	sshll.u32 s0, $0xA;
	s2 =	sadd.s32 s3, s2  }
0x8d: {  	s2 =	sadd.s32 s2, s16  }
0x8e: {  	[smem:$0x3FAE] =	sst s2  }
0x8f: {  	_ = 	snop  }
0x90: {  	(tm) =	ssettm $0x1  }
0x91: {  	s17 =	sld [smem:$0x3FFB];
	_ =	sdelay $0x3  }
0x92: {  	_ =	strace s17  }
0x93: {  	s2 =	sld [smem:$0x3FFC];
	_ =	sdelay $0x3  }
0x94: {  	_ =	strace s2  }
0x95: {  	s2 =	sld [smem:$0x3FFD];
	_ =	sdelay $0x3  }
0x96: {  	_ =	strace s2  }
0x97: {  	_ =	strace $0x8FFFFFFF  }
0x98: {  	s18 =	sld [smem:$0x3FDB];
	_ =	sdelay $0x1  }
0x99: {  	s19 =	simm.s32 $_scs_section_size  }
0x9a: {  	s4 =	simm.s32 $_size__tile_overlayer_lowered;
	s5 =	simm.s32 $_tile_overlayer_lowered  }
0x9b: {  	s22 =	simm.s32 $0x1BFF;
	s21 =	sshll.u32 s5, $0x1;
	s2 =	sadd.s32 s19, s18  }
0x9c: {  	s6 =	simm.s32 $0x0;
	s20 =	sshll.u32 s4, $0x1;
	s4 =	sadd.s32 s21, s2  }
0x9d: {  	[timem:s6], [sflag:s22] =	dma.local [hbm:s4], s20  }
0x9e: {  	_ =	swait.ge [sflag:s22], s20  }
0x9f: {  	s3 =	ssub.s32 $0x0, s20;
	[sflag:s22] =	ssyncset.done $0x0  }
0xa0: {  	[sflag:s22] =	ssyncadd.s32 s3;
	_ =	sdelay $0x1  }
0xa1: {  	s23 =	simm.s32 $0x1B8B  }
0xa2: {  	_ =	swait.ge [sflag:s23], $0x1  }
0xa3: {  	[sflag:s23] =	ssyncset.done $0x0  }
0xa4: {  	s25 =	simm.s32 $0x1B8E;
	s24 =	sld [smem:$0x3FFE];
	[sflag:s23] =	ssyncadd.s32 $0xFFFFFFFF  }
0xa5: {  	s26 =	simm.s32 $execute0_lowered;
	[smem:$0x3FD2] =	sst s25  }
0xa6: {  	s4 =	sshll.u32 s26, $0x1;
	_ =	strace $0x80000049;
	[dreg:$0x1] =	wrdreg $0xFFFFFFFF  }
0xa7: {  	s28 =	simm.s32 $_size_execute0_lowered;
	s2 =	sadd.s32 s2, s4;
	[dreg:$0x0] =	wrdreg $0x0  }
0xa8: {  	s4 =	sshll.u32 s28, $0x1;
	[dreg:$0x2] =	wrdreg s2  }
0xa9: {  	[dreg:$0x3] =	wrdreg s4  }
0xaa: {  	[dreg:$0x4] =	wrdreg $0xC0  }
0xab: {  	_ =	task [dreg:s6], $0x5FFFF  }
0xac: {  	[dreg:$0x1] =	wrdreg $0xFFFFFFFF  }
0xad: {  	[dreg:$0x0] =	wrdreg $0x60  }
0xae: {  	[dreg:$0x2] =	wrdreg s24  }
0xaf: {  	[dreg:$0x3] =	wrdreg $0xB4000  }
0xb0: {  	[dreg:$0x4] =	wrdreg $0x9  }
0xb1: {  	_ =	task.clear_ibuf [dreg:s6], $0x5FFFF;
	_ =	strace $0x90000049  }
0xb2: {  	s29 =	simm.s32 $0x9;
	_ =	strace $0x8000004B  }
0xb3: {  	_ =	swait.ge [sflag:s29], $0x1  }
0xb4: {  	[sflag:s29] =	ssyncadd.s32 $0xFFFFFFFF  }
0xb5: {  	_ =	strace $0x9000004B  }
0xb6: {  	_ =	sfence  }
0xb7: {  	s30 =	sld [smem:$0x0];
	_ =	sdelay $0x2  }
0xb8: {  	s31 =	sshll.u32 s1, $0xD;
	s1 =	sshrl.u32 s1, $0x2  }
0xb9: {  	s3 =	sand.u32 $0x4000, s31;
	s1 =	sadd.s32 s1, s30  }
0xba: {  	s0 =	sor.u32 s3, s0;
	s1 =	sshll.u32 s1, $0x11  }
0xbb: {  	s0 =	sor.u32 s1, s0  }
0xbc: {  	s0 =	sadd.s32 $0x8F2B, s0  }
0xbd: {  	[sflag:s0] =	ssyncadd.remote.s32 $0x1  }
0xbe: {  	_ =	sfence.sel $0xFFFF  }
0xbf: {  	[dreg:$0x0] =	wrdreg $0xFFFFFFFF;
	(pc) =	sbr.abs _section_cstart, $3  }
0xc0: {  	[dreg:$0x1] =	wrdreg $0xFFFFFFFF  }
0xc1: {  	_ =	task.clear_ibuf [dreg:s6], $0x2FFFF;
	_ =	strace $0x9FFFFFFF  }
0xc2: {  	(tm) =	ssettm $0x7FFFFFFF  }
0xc3: {  	_ =	shalt  }
tec
execute0_lowered:
.L_overlay_start_1:
0x0: {  	(tag) =	ssettag $0x1  }
0x1: {  	s0 =	srdreg.scid  }
0x2: {  	s1 =	rddreg [dreg:$0x0];
	s14 =	stileid.u32  }
0x3: {  	s2 =	rddreg [dreg:$0x1];
	s16 =	simm.s32 $0x2D00;
	s17 =	simm.s32 $0x2D80  }
0x4: {  	s18 =	simm.s32 $0x2E00;
	s19 =	simm.s32 $0x2E80;
	s20 =	simm.s32 $0x2F00  }
0x5: {  	s21 =	simm.s32 $0x2F80;
	s28 =	simm.s32 $0x7;
	s7 =	smul.u32 $0x13C00, s14  }
0x6: {  	s29 =	simm.s32 $0x0;
	s0 =	sand.u32 $0x1, s0;
	s10 =	smul.u32 $0x4F000, s14  }
0x7: {  	s4 =	sadd.s32 $0x42A00, s1;
	s13 =	sadd.s32 $0x4200, s1;
	s25 =	smul.u32 $0x3000, s14  }
0x8: {  	s3 =	sshll.u32 s0, $0x4;
	s8 =	smul.u32 $0x13C000, s0;
	s22 =	ssub.s32 $0x2, s0  }
0x9: {  	s0 =	smul.u32 $0x30000, s0;
	s5 =	sor.u32 s14, s3;
	s3 =	simm.s32 $0x0  }
0xa: {  	s9 =	sshrl.u32 s7, $0x3;
	s6 =	smul.u32 $0x580, s5;
	[smem:$0x7FF] =	sst s3  }
0xb: {  	s11 =	smul.u32 $0x3000, s5;
	s5 =	sshll.u32 s14, $0x6;
	s14 =	simm.s32 $0x2C80  }
0xc: {  	s23 =	sshrl.u32 s22, $0x1;
	_ =	strace $0x8000004A;
	[dreg:$0x3] =	wrdreg s14  }
0xd: {  	s24 =	sshrl.u32 s10, $0x2;
	s9 =	sadd.s32 s9, s1;
	[dreg:$0x4] =	wrdreg s16  }
0xe: {  	s7 =	sadd.s32 s7, s8;
	s12 =	ssub.s32 s22, s23;
	[dreg:$0x5] =	wrdreg s17  }
0xf: {  	s15 =	sadd.s32 s24, s2;
	s22 =	simm.s32 $0x3080;
	[dreg:$0x6] =	wrdreg s18  }
0x10: {  	s23 =	simm.s32 $0x3100;
	s24 =	simm.s32 $0x3180;
	[dreg:$0x7] =	wrdreg s19  }
0x11: {  	s7 =	sshrl.u32 s7, $0x3;
	s26 =	sadd.s32 $0x1B200, s9;
	[dreg:$0x8] =	wrdreg s20  }
0x12: {  	s30 =	sor.u32 $0x1C06, s5;
	s12 =	smax.u32 s12, $0x1;
	[dreg:$0x9] =	wrdreg s21  }
0x13: {  	s15 =	sshrl.u32 s15, $0x3;
	s16 =	simm.s32 $0x1;
	[dreg:$0xa] =	wrdreg s22  }
0x14: {  	s17 =	simm.s32 $0x6;
	s18 =	simm.s32 $0x2C00;
	[dreg:$0xb] =	wrdreg s23  }
0x15: {  	s19 =	simm.s32 $0x3000;
	s20 =	simm.s32 $0x4;
	[dreg:$0xc] =	wrdreg s24  }
0x16: {  	s21 =	simm.s32 $0x80;
	s22 =	simm.s32 $0x3400;
	s23 =	simm.s32 $0x7400  }
0x17: {  	s24 =	simm.s32 $0x2;
	s6 =	sadd.s32 s6, s1;
	[dreg:$0x11] =	wrdreg s26  }
0x18: {  	s1 =	sadd.s32 s7, s1;
	[dreg:$0x12] =	wrdreg s30;
	s31 =	sshrl.u32 s11, $0x3  }
0x19: {  	s7 =	sadd.s32 s25, s0;
	s25 =	simm.s32 $0x3200;
	s26 =	simm.s32 $0x3280  }
0x1a: {  	s30 =	simm.s32 $0x3300;
	s8 =	sadd.s32 $0x10200, s6;
	[dreg:$0xd] =	wrdreg s25  }
0x1b: {  	s9 =	sadd.s32 s13, s31;
	s11 =	sadd.s32 $0x69C00, s1;
	[dreg:$0xe] =	wrdreg s26  }
0x1c: {  	s0 =	sor.u32 $0xC00, s7;
	s6 =	sor.u32 $0x800, s7;
	[dreg:$0xf] =	wrdreg s30  }
0x1d: {  	s31 =	simm.s32 $0x3380;
	s25 =	simm.s32 $0x3;
	s26 =	simm.s32 $0x5  }
0x1e: {  	s10 =	sadd.s32 $0x80, s9;
	s0 =	sshrl.u32 s0, $0x3;
	s6 =	sshrl.u32 s6, $0x3  }
0x1f: {  	[dreg:$0x10] =	wrdreg s31;
	s0 =	sadd.s32 s0, s13;
	s14 =	sadd.s32 s6, s13  }
.LBB2_1:
0x20: {  	s1 =	rddreg [dreg:$0x11]  }
0x21: {  	s6 =	rddreg [dreg:$0x12]  }
0x22: {  	[spmem:s15], [sflag:s6] =	dma.local [hbm:s1], $0x2780  }
0x23: {  	[tilespmem:s3], [sflag:$0x1] =	stream.linear.gather [hbm4b:s8+s3], $0x2900, $0x38;
	[tilespmem:$0x1F000] =	vst v63  }
0x24: {  	_ =	swait.ge [sflag:s16], $0x2900  }
0x25: {  	[sflag:s16] =	ssyncset.done $0x0  }
0x26: {  	[sflag:s16] =	ssyncadd.s32 $0xFFFFD700  }
0x27: {  	_ =	swait.ge [sflag:s17], $0x2780  }
0x28: {  	[sflag:s17] =	ssyncset.done $0x0  }
0x29: {  	[sflag:s17] =	ssyncadd.s32 $0xFFFFD880  }
0x2a: {  	[bflag:$0x0] =	sbarrier.arrive $0xFFFF  }
0x2b: {  	[tilespmem:s18], [sflag:$0x4] =	stream.linear.gather [hbm4b:s9+s3], $0x400, $0x38;
	[tilespmem:$0x1F000] =	vst v63  }
0x2c: {  	_ = 	snop  }
0x2d: {  	[tilespmem:s19], [sflag:$0x5] =	stream.linear.gather [hbm4b:s10+s3], $0x400, $0x38;
	[tilespmem:$0x1F000] =	vst v63  }
0x2e: {  	_ =	swait.ge [sflag:s20], $0x400  }
0x2f: {  	[sflag:s20] =	ssyncset.done $0x0  }
0x30: {  	s6 =	simm.s32 $0x0;
	[sflag:s20] =	ssyncadd.s32 $0xFFFFFC00  }
0x31: {  	[tilespmem:s22], [sflag:$0x1] =	stream.indirect.gather [hbm4b:s4+s21], $0x80, s6, s21, $0xb8;
	[tilespmem:$0x1F000] =	vst v63  }
0x32: {  	_ =	swait.ge [sflag:s16], $0x4000  }
0x33: {  	[sflag:s16] =	ssyncset.done $0x0  }
0x34: {  	[sflag:s16] =	ssyncadd.s32 $0xFFFFC000  }
0x35: {  	[spmem:s2] =	stream.indirect.scatter.add.f32 [tilespmem:s22], [sflag:$0x2], $0x80, s18, s21, $0xb8;
	[tilespmem:$0x1F000] =	vst v63  }
0x36: {  	s7 =	simm.s32 $0x80  }
0x37: {  	[tilespmem:s23], [sflag:$0x1] =	stream.indirect.gather [hbm4b:s4+s21], $0x80, s7, s21, $0xb8;
	[tilespmem:$0x1F000] =	vst v63  }
0x38: {  	_ =	swait.ge [sflag:s16], $0x4000  }
0x39: {  	[sflag:s16] =	ssyncset.done $0x0  }
0x3a: {  	s13 =	rddreg [dreg:$0x3];
	[sflag:s16] =	ssyncadd.s32 $0xFFFFC000  }
0x3b: {  	[spmem:s2] =	stream.indirect.scatter.add.f32 [tilespmem:s23], [sflag:$0x3], $0x80, s13, s21, $0xb8;
	[tilespmem:$0x1F000] =	vst v63  }
0x3c: {  	_ =	swait.ge [sflag:s24], $0x4000  }
0x3d: {  	[sflag:s24] =	ssyncset.done $0x0  }
0x3e: {  	s6 =	simm.s32 $0x100;
	[sflag:s24] =	ssyncadd.s32 $0xFFFFC000  }
0x3f: {  	[tilespmem:s22], [sflag:$0x1] =	stream.indirect.gather [hbm4b:s4+s21], $0x80, s6, s21, $0xb8;
	[tilespmem:$0x1F000] =	vst v63  }
0x40: {  	_ =	swait.ge [sflag:s16], $0x4000  }
0x41: {  	[sflag:s16] =	ssyncset.done $0x0  }
0x42: {  	s7 =	rddreg [dreg:$0x4];
	[sflag:s16] =	ssyncadd.s32 $0xFFFFC000  }
0x43: {  	[spmem:s2] =	stream.indirect.scatter.add.f32 [tilespmem:s22], [sflag:$0x2], $0x80, s7, s21, $0xb8;
	[tilespmem:$0x1F000] =	vst v63  }
0x44: {  	_ =	swait.ge [sflag:s25], $0x4000  }
0x45: {  	[sflag:s25] =	ssyncset.done $0x0  }
0x46: {  	s13 =	simm.s32 $0x180;
	[sflag:s25] =	ssyncadd.s32 $0xFFFFC000  }
0x47: {  	[tilespmem:s23], [sflag:$0x1] =	stream.indirect.gather [hbm4b:s4+s21], $0x80, s13, s21, $0xb8;
	[tilespmem:$0x1F000] =	vst v63  }
0x48: {  	_ =	swait.ge [sflag:s16], $0x4000  }
0x49: {  	[sflag:s16] =	ssyncset.done $0x0  }
0x4a: {  	s6 =	rddreg [dreg:$0x5];
	[sflag:s16] =	ssyncadd.s32 $0xFFFFC000  }
0x4b: {  	[spmem:s2] =	stream.indirect.scatter.add.f32 [tilespmem:s23], [sflag:$0x3], $0x80, s6, s21, $0xb8;
	[tilespmem:$0x1F000] =	vst v63  }
0x4c: {  	_ =	swait.ge [sflag:s24], $0x4000  }
0x4d: {  	[sflag:s24] =	ssyncset.done $0x0  }
0x4e: {  	s7 =	simm.s32 $0x200;
	[sflag:s24] =	ssyncadd.s32 $0xFFFFC000  }
0x4f: {  	[tilespmem:s22], [sflag:$0x1] =	stream.indirect.gather [hbm4b:s4+s21], $0x80, s7, s21, $0xb8;
	[tilespmem:$0x1F000] =	vst v63  }
0x50: {  	_ =	swait.ge [sflag:s16], $0x4000  }
0x51: {  	[sflag:s16] =	ssyncset.done $0x0  }
0x52: {  	s13 =	rddreg [dreg:$0x6];
	[sflag:s16] =	ssyncadd.s32 $0xFFFFC000  }
0x53: {  	[spmem:s2] =	stream.indirect.scatter.add.f32 [tilespmem:s22], [sflag:$0x2], $0x80, s13, s21, $0xb8;
	[tilespmem:$0x1F000] =	vst v63  }
0x54: {  	_ =	swait.ge [sflag:s25], $0x4000  }
0x55: {  	[sflag:s25] =	ssyncset.done $0x0  }
0x56: {  	s6 =	simm.s32 $0x280;
	[sflag:s25] =	ssyncadd.s32 $0xFFFFC000  }
0x57: {  	[tilespmem:s23], [sflag:$0x1] =	stream.indirect.gather [hbm4b:s4+s21], $0x80, s6, s21, $0xb8;
	[tilespmem:$0x1F000] =	vst v63  }
0x58: {  	_ =	swait.ge [sflag:s16], $0x4000  }
0x59: {  	[sflag:s16] =	ssyncset.done $0x0  }
0x5a: {  	s7 =	rddreg [dreg:$0x7];
	[sflag:s16] =	ssyncadd.s32 $0xFFFFC000  }
0x5b: {  	[spmem:s2] =	stream.indirect.scatter.add.f32 [tilespmem:s23], [sflag:$0x3], $0x80, s7, s21, $0xb8;
	[tilespmem:$0x1F000] =	vst v63  }
0x5c: {  	_ =	swait.ge [sflag:s24], $0x4000  }
0x5d: {  	[sflag:s24] =	ssyncset.done $0x0  }
0x5e: {  	s13 =	simm.s32 $0x300;
	[sflag:s24] =	ssyncadd.s32 $0xFFFFC000  }
0x5f: {  	[tilespmem:s22], [sflag:$0x1] =	stream.indirect.gather [hbm4b:s4+s21], $0x80, s13, s21, $0xb8;
	[tilespmem:$0x1F000] =	vst v63  }
0x60: {  	_ =	swait.ge [sflag:s16], $0x4000  }
0x61: {  	[sflag:s16] =	ssyncset.done $0x0  }
0x62: {  	s6 =	rddreg [dreg:$0x8];
	[sflag:s16] =	ssyncadd.s32 $0xFFFFC000  }
0x63: {  	[spmem:s2] =	stream.indirect.scatter.add.f32 [tilespmem:s22], [sflag:$0x2], $0x80, s6, s21, $0xb8;
	[tilespmem:$0x1F000] =	vst v63  }
0x64: {  	_ =	swait.ge [sflag:s25], $0x4000  }
0x65: {  	[sflag:s25] =	ssyncset.done $0x0  }
0x66: {  	s7 =	simm.s32 $0x380;
	[sflag:s25] =	ssyncadd.s32 $0xFFFFC000  }
0x67: {  	[tilespmem:s23], [sflag:$0x1] =	stream.indirect.gather [hbm4b:s4+s21], $0x80, s7, s21, $0xb8;
	[tilespmem:$0x1F000] =	vst v63  }
0x68: {  	_ =	swait.ge [sflag:s16], $0x4000  }
0x69: {  	[sflag:s16] =	ssyncset.done $0x0  }
0x6a: {  	s13 =	rddreg [dreg:$0x9];
	[sflag:s16] =	ssyncadd.s32 $0xFFFFC000  }
0x6b: {  	[spmem:s2] =	stream.indirect.scatter.add.f32 [tilespmem:s23], [sflag:$0x3], $0x80, s13, s21, $0xb8;
	[tilespmem:$0x1F000] =	vst v63  }
0x6c: {  	_ =	swait.ge [sflag:s24], $0x4000  }
0x6d: {  	[sflag:s24] =	ssyncset.done $0x0  }
0x6e: {  	[sflag:s24] =	ssyncadd.s32 $0xFFFFC000  }
0x6f: {  	_ =	swait.ge [sflag:s25], $0x4000  }
0x70: {  	[sflag:s25] =	ssyncset.done $0x0  }
0x71: {  	[sflag:s25] =	ssyncadd.s32 $0xFFFFC000  }
0x72: {  	[tilespmem:s18], [sflag:$0x4] =	stream.linear.gather [hbm4b:s14+s3], $0x400, $0x38;
	[tilespmem:$0x1F000] =	vst v63  }
0x73: {  	_ =	swait.ge [sflag:s26], $0x400  }
0x74: {  	[sflag:s26] =	ssyncset.done $0x0  }
0x75: {  	s6 =	simm.s32 $0x400;
	[sflag:s26] =	ssyncadd.s32 $0xFFFFFC00  }
0x76: {  	[tilespmem:s22], [sflag:$0x1] =	stream.indirect.gather [hbm4b:s4+s21], $0x80, s6, s21, $0xb8;
	[tilespmem:$0x1F000] =	vst v63  }
0x77: {  	_ =	swait.ge [sflag:s16], $0x4000  }
0x78: {  	[sflag:s16] =	ssyncset.done $0x0  }
0x79: {  	[sflag:s16] =	ssyncadd.s32 $0xFFFFC000  }
0x7a: {  	[spmem:s2] =	stream.indirect.scatter.add.f32 [tilespmem:s22], [sflag:$0x2], $0x80, s19, s21, $0xb8;
	[tilespmem:$0x1F000] =	vst v63  }
0x7b: {  	s7 =	simm.s32 $0x480  }
0x7c: {  	[tilespmem:s23], [sflag:$0x1] =	stream.indirect.gather [hbm4b:s4+s21], $0x80, s7, s21, $0xb8;
	[tilespmem:$0x1F000] =	vst v63  }
0x7d: {  	_ =	swait.ge [sflag:s16], $0x4000  }
0x7e: {  	[sflag:s16] =	ssyncset.done $0x0  }
0x7f: {  	s13 =	rddreg [dreg:$0xa];
	[sflag:s16] =	ssyncadd.s32 $0xFFFFC000  }
0x80: {  	[spmem:s2] =	stream.indirect.scatter.add.f32 [tilespmem:s23], [sflag:$0x3], $0x80, s13, s21, $0xb8;
	[tilespmem:$0x1F000] =	vst v63  }
0x81: {  	_ =	swait.ge [sflag:s24], $0x4000  }
0x82: {  	[sflag:s24] =	ssyncset.done $0x0  }
0x83: {  	s6 =	simm.s32 $0x500;
	[sflag:s24] =	ssyncadd.s32 $0xFFFFC000  }
0x84: {  	[tilespmem:s22], [sflag:$0x1] =	stream.indirect.gather [hbm4b:s4+s21], $0x80, s6, s21, $0xb8;
	[tilespmem:$0x1F000] =	vst v63  }
0x85: {  	_ =	swait.ge [sflag:s16], $0x4000  }
0x86: {  	[sflag:s16] =	ssyncset.done $0x0  }
0x87: {  	s7 =	rddreg [dreg:$0xb];
	[sflag:s16] =	ssyncadd.s32 $0xFFFFC000  }
0x88: {  	[spmem:s2] =	stream.indirect.scatter.add.f32 [tilespmem:s22], [sflag:$0x2], $0x80, s7, s21, $0xb8;
	[tilespmem:$0x1F000] =	vst v63  }
0x89: {  	_ =	swait.ge [sflag:s25], $0x4000  }
0x8a: {  	[sflag:s25] =	ssyncset.done $0x0  }
0x8b: {  	s13 =	simm.s32 $0x580;
	[sflag:s25] =	ssyncadd.s32 $0xFFFFC000  }
0x8c: {  	[tilespmem:s23], [sflag:$0x1] =	stream.indirect.gather [hbm4b:s4+s21], $0x80, s13, s21, $0xb8;
	[tilespmem:$0x1F000] =	vst v63  }
0x8d: {  	_ =	swait.ge [sflag:s16], $0x4000  }
0x8e: {  	[sflag:s16] =	ssyncset.done $0x0  }
0x8f: {  	s6 =	rddreg [dreg:$0xc];
	[sflag:s16] =	ssyncadd.s32 $0xFFFFC000  }
0x90: {  	[spmem:s2] =	stream.indirect.scatter.add.f32 [tilespmem:s23], [sflag:$0x3], $0x80, s6, s21, $0xb8;
	[tilespmem:$0x1F000] =	vst v63  }
0x91: {  	_ =	swait.ge [sflag:s24], $0x4000  }
0x92: {  	[sflag:s24] =	ssyncset.done $0x0  }
0x93: {  	s7 =	simm.s32 $0x600;
	[sflag:s24] =	ssyncadd.s32 $0xFFFFC000  }
0x94: {  	[tilespmem:s22], [sflag:$0x1] =	stream.indirect.gather [hbm4b:s4+s21], $0x80, s7, s21, $0xb8;
	[tilespmem:$0x1F000] =	vst v63  }
0x95: {  	_ =	swait.ge [sflag:s16], $0x4000  }
0x96: {  	[sflag:s16] =	ssyncset.done $0x0  }
0x97: {  	s13 =	rddreg [dreg:$0xd];
	[sflag:s16] =	ssyncadd.s32 $0xFFFFC000  }
0x98: {  	[spmem:s2] =	stream.indirect.scatter.add.f32 [tilespmem:s22], [sflag:$0x2], $0x80, s13, s21, $0xb8;
	[tilespmem:$0x1F000] =	vst v63  }
0x99: {  	_ =	swait.ge [sflag:s25], $0x4000  }
0x9a: {  	[sflag:s25] =	ssyncset.done $0x0  }
0x9b: {  	s6 =	simm.s32 $0x680;
	[sflag:s25] =	ssyncadd.s32 $0xFFFFC000  }
0x9c: {  	[tilespmem:s23], [sflag:$0x1] =	stream.indirect.gather [hbm4b:s4+s21], $0x80, s6, s21, $0xb8;
	[tilespmem:$0x1F000] =	vst v63  }
0x9d: {  	_ =	swait.ge [sflag:s16], $0x4000  }
0x9e: {  	[sflag:s16] =	ssyncset.done $0x0  }
0x9f: {  	s7 =	rddreg [dreg:$0xe];
	[sflag:s16] =	ssyncadd.s32 $0xFFFFC000  }
0xa0: {  	[spmem:s2] =	stream.indirect.scatter.add.f32 [tilespmem:s23], [sflag:$0x3], $0x80, s7, s21, $0xb8;
	[tilespmem:$0x1F000] =	vst v63  }
0xa1: {  	_ =	swait.ge [sflag:s24], $0x4000  }
0xa2: {  	[sflag:s24] =	ssyncset.done $0x0  }
0xa3: {  	s13 =	simm.s32 $0x700;
	[sflag:s24] =	ssyncadd.s32 $0xFFFFC000  }
0xa4: {  	[tilespmem:s22], [sflag:$0x1] =	stream.indirect.gather [hbm4b:s4+s21], $0x80, s13, s21, $0xb8;
	[tilespmem:$0x1F000] =	vst v63  }
0xa5: {  	_ =	swait.ge [sflag:s16], $0x4000  }
0xa6: {  	[sflag:s16] =	ssyncset.done $0x0  }
0xa7: {  	s6 =	rddreg [dreg:$0xf];
	[sflag:s16] =	ssyncadd.s32 $0xFFFFC000  }
0xa8: {  	[spmem:s2] =	stream.indirect.scatter.add.f32 [tilespmem:s22], [sflag:$0x2], $0x80, s6, s21, $0xb8;
	[tilespmem:$0x1F000] =	vst v63  }
0xa9: {  	_ =	swait.ge [sflag:s25], $0x4000  }
0xaa: {  	[sflag:s25] =	ssyncset.done $0x0  }
0xab: {  	s7 =	simm.s32 $0x780;
	[sflag:s25] =	ssyncadd.s32 $0xFFFFC000  }
0xac: {  	[tilespmem:s23], [sflag:$0x1] =	stream.indirect.gather [hbm4b:s4+s21], $0x80, s7, s21, $0xb8;
	[tilespmem:$0x1F000] =	vst v63  }
0xad: {  	_ =	swait.ge [sflag:s16], $0x4000  }
0xae: {  	[sflag:s16] =	ssyncset.done $0x0  }
0xaf: {  	s13 =	rddreg [dreg:$0x10];
	[sflag:s16] =	ssyncadd.s32 $0xFFFFC000  }
0xb0: {  	[spmem:s2] =	stream.indirect.scatter.add.f32 [tilespmem:s23], [sflag:$0x3], $0x80, s13, s21, $0xb8;
	[tilespmem:$0x1F000] =	vst v63  }
0xb1: {  	_ =	swait.ge [sflag:s24], $0x4000  }
0xb2: {  	[sflag:s24] =	ssyncset.done $0x0  }
0xb3: {  	[sflag:s24] =	ssyncadd.s32 $0xFFFFC000  }
0xb4: {  	_ =	swait.ge [sflag:s25], $0x4000  }
0xb5: {  	s30 =	simm.s32 $0x2000;
	s31 =	sadd.s32 $0x100, s0;
	[sflag:s25] =	ssyncset.done $0x0  }
0xb6: {  	s1 =	sadd.s32 $0x100, s14;
	s13 =	smov.u32 s0;
	[sflag:s25] =	ssyncadd.s32 $0xFFFFC000  }
.LBB2_2:
0xb7: {  	[tilespmem:s19], [sflag:$0x5] =	stream.linear.gather [hbm4b:s13+s3], $0x400, $0x38;
	[tilespmem:$0x1F000] =	vst v63  }
0xb8: {  	_ =	swait.ge [sflag:s20], $0x400  }
0xb9: {  	s6 =	smov.u32 s30;
	[sflag:s20] =	ssyncset.done $0x0  }
0xba: {  	s6 =	sshra.s32 s6, $0x2;
	[sflag:s20] =	ssyncadd.s32 $0xFFFFFC00  }
0xbb: {  	[tilespmem:s22], [sflag:$0x1] =	stream.indirect.gather [hbm4b:s4+s21], $0x80, s6, s21, $0xb8;
	[tilespmem:$0x1F000] =	vst v63  }
0xbc: {  	_ =	swait.ge [sflag:s16], $0x4000  }
0xbd: {  	[sflag:s16] =	ssyncset.done $0x0  }
0xbe: {  	[sflag:s16] =	ssyncadd.s32 $0xFFFFC000  }
0xbf: {  	[spmem:s2] =	stream.indirect.scatter.add.f32 [tilespmem:s22], [sflag:$0x2], $0x80, s18, s21, $0xb8;
	[tilespmem:$0x1F000] =	vst v63  }
0xc0: {  	s7 =	sadd.s32 $0x80, s6  }
0xc1: {  	[tilespmem:s23], [sflag:$0x1] =	stream.indirect.gather [hbm4b:s4+s21], $0x80, s7, s21, $0xb8;
	[tilespmem:$0x1F000] =	vst v63  }
0xc2: {  	_ =	swait.ge [sflag:s16], $0x4000  }
0xc3: {  	[sflag:s16] =	ssyncset.done $0x0  }
0xc4: {  	s7 =	rddreg [dreg:$0x3];
	[sflag:s16] =	ssyncadd.s32 $0xFFFFC000  }
0xc5: {  	[spmem:s2] =	stream.indirect.scatter.add.f32 [tilespmem:s23], [sflag:$0x3], $0x80, s7, s21, $0xb8;
	[tilespmem:$0x1F000] =	vst v63  }
0xc6: {  	_ =	swait.ge [sflag:s24], $0x4000  }
0xc7: {  	[sflag:s24] =	ssyncset.done $0x0  }
0xc8: {  	s7 =	sadd.s32 $0x100, s6;
	[sflag:s24] =	ssyncadd.s32 $0xFFFFC000  }
0xc9: {  	[tilespmem:s22], [sflag:$0x1] =	stream.indirect.gather [hbm4b:s4+s21], $0x80, s7, s21, $0xb8;
	[tilespmem:$0x1F000] =	vst v63  }
0xca: {  	_ =	swait.ge [sflag:s16], $0x4000  }
0xcb: {  	[sflag:s16] =	ssyncset.done $0x0  }
0xcc: {  	s7 =	rddreg [dreg:$0x4];
	[sflag:s16] =	ssyncadd.s32 $0xFFFFC000  }
0xcd: {  	[spmem:s2] =	stream.indirect.scatter.add.f32 [tilespmem:s22], [sflag:$0x2], $0x80, s7, s21, $0xb8;
	[tilespmem:$0x1F000] =	vst v63  }
0xce: {  	_ =	swait.ge [sflag:s25], $0x4000  }
0xcf: {  	[sflag:s25] =	ssyncset.done $0x0  }
0xd0: {  	s7 =	sadd.s32 $0x180, s6;
	[sflag:s25] =	ssyncadd.s32 $0xFFFFC000  }
0xd1: {  	[tilespmem:s23], [sflag:$0x1] =	stream.indirect.gather [hbm4b:s4+s21], $0x80, s7, s21, $0xb8;
	[tilespmem:$0x1F000] =	vst v63  }
0xd2: {  	_ =	swait.ge [sflag:s16], $0x4000  }
0xd3: {  	[sflag:s16] =	ssyncset.done $0x0  }
0xd4: {  	s7 =	rddreg [dreg:$0x5];
	[sflag:s16] =	ssyncadd.s32 $0xFFFFC000  }
0xd5: {  	[spmem:s2] =	stream.indirect.scatter.add.f32 [tilespmem:s23], [sflag:$0x3], $0x80, s7, s21, $0xb8;
	[tilespmem:$0x1F000] =	vst v63  }
0xd6: {  	_ =	swait.ge [sflag:s24], $0x4000  }
0xd7: {  	[sflag:s24] =	ssyncset.done $0x0  }
0xd8: {  	s7 =	sadd.s32 $0x200, s6;
	[sflag:s24] =	ssyncadd.s32 $0xFFFFC000  }
0xd9: {  	[tilespmem:s22], [sflag:$0x1] =	stream.indirect.gather [hbm4b:s4+s21], $0x80, s7, s21, $0xb8;
	[tilespmem:$0x1F000] =	vst v63  }
0xda: {  	_ =	swait.ge [sflag:s16], $0x4000  }
0xdb: {  	[sflag:s16] =	ssyncset.done $0x0  }
0xdc: {  	s7 =	rddreg [dreg:$0x6];
	[sflag:s16] =	ssyncadd.s32 $0xFFFFC000  }
0xdd: {  	[spmem:s2] =	stream.indirect.scatter.add.f32 [tilespmem:s22], [sflag:$0x2], $0x80, s7, s21, $0xb8;
	[tilespmem:$0x1F000] =	vst v63  }
0xde: {  	_ =	swait.ge [sflag:s25], $0x4000  }
0xdf: {  	[sflag:s25] =	ssyncset.done $0x0  }
0xe0: {  	s7 =	sadd.s32 $0x280, s6;
	[sflag:s25] =	ssyncadd.s32 $0xFFFFC000  }
0xe1: {  	[tilespmem:s23], [sflag:$0x1] =	stream.indirect.gather [hbm4b:s4+s21], $0x80, s7, s21, $0xb8;
	[tilespmem:$0x1F000] =	vst v63  }
0xe2: {  	_ =	swait.ge [sflag:s16], $0x4000  }
0xe3: {  	[sflag:s16] =	ssyncset.done $0x0  }
0xe4: {  	s7 =	rddreg [dreg:$0x7];
	[sflag:s16] =	ssyncadd.s32 $0xFFFFC000  }
0xe5: {  	[spmem:s2] =	stream.indirect.scatter.add.f32 [tilespmem:s23], [sflag:$0x3], $0x80, s7, s21, $0xb8;
	[tilespmem:$0x1F000] =	vst v63  }
0xe6: {  	_ =	swait.ge [sflag:s24], $0x4000  }
0xe7: {  	[sflag:s24] =	ssyncset.done $0x0  }
0xe8: {  	s7 =	sadd.s32 $0x300, s6;
	[sflag:s24] =	ssyncadd.s32 $0xFFFFC000  }
0xe9: {  	[tilespmem:s22], [sflag:$0x1] =	stream.indirect.gather [hbm4b:s4+s21], $0x80, s7, s21, $0xb8;
	[tilespmem:$0x1F000] =	vst v63  }
0xea: {  	_ =	swait.ge [sflag:s16], $0x4000  }
0xeb: {  	[sflag:s16] =	ssyncset.done $0x0  }
0xec: {  	s7 =	rddreg [dreg:$0x8];
	[sflag:s16] =	ssyncadd.s32 $0xFFFFC000  }
0xed: {  	[spmem:s2] =	stream.indirect.scatter.add.f32 [tilespmem:s22], [sflag:$0x2], $0x80, s7, s21, $0xb8;
	[tilespmem:$0x1F000] =	vst v63  }
0xee: {  	_ =	swait.ge [sflag:s25], $0x4000  }
0xef: {  	[sflag:s25] =	ssyncset.done $0x0  }
0xf0: {  	s7 =	sadd.s32 $0x380, s6;
	[sflag:s25] =	ssyncadd.s32 $0xFFFFC000  }
0xf1: {  	[tilespmem:s23], [sflag:$0x1] =	stream.indirect.gather [hbm4b:s4+s21], $0x80, s7, s21, $0xb8;
	[tilespmem:$0x1F000] =	vst v63  }
0xf2: {  	_ =	swait.ge [sflag:s16], $0x4000  }
0xf3: {  	[sflag:s16] =	ssyncset.done $0x0  }
0xf4: {  	s7 =	rddreg [dreg:$0x9];
	[sflag:s16] =	ssyncadd.s32 $0xFFFFC000  }
0xf5: {  	[spmem:s2] =	stream.indirect.scatter.add.f32 [tilespmem:s23], [sflag:$0x3], $0x80, s7, s21, $0xb8;
	[tilespmem:$0x1F000] =	vst v63  }
0xf6: {  	_ =	swait.ge [sflag:s24], $0x4000  }
0xf7: {  	[sflag:s24] =	ssyncset.done $0x0  }
0xf8: {  	[sflag:s24] =	ssyncadd.s32 $0xFFFFC000  }
0xf9: {  	_ =	swait.ge [sflag:s25], $0x4000  }
0xfa: {  	[sflag:s25] =	ssyncset.done $0x0  }
0xfb: {  	[sflag:s25] =	ssyncadd.s32 $0xFFFFC000  }
0xfc: {  	[tilespmem:s18], [sflag:$0x4] =	stream.linear.gather [hbm4b:s1+s3], $0x400, $0x38;
	[tilespmem:$0x1F000] =	vst v63  }
0xfd: {  	_ =	swait.ge [sflag:s26], $0x400  }
0xfe: {  	[sflag:s26] =	ssyncset.done $0x0  }
0xff: {  	s7 =	sadd.s32 $0x400, s6;
	[sflag:s26] =	ssyncadd.s32 $0xFFFFFC00  }
0x100: {  	[tilespmem:s22], [sflag:$0x1] =	stream.indirect.gather [hbm4b:s4+s21], $0x80, s7, s21, $0xb8;
	[tilespmem:$0x1F000] =	vst v63  }
0x101: {  	_ =	swait.ge [sflag:s16], $0x4000  }
0x102: {  	[sflag:s16] =	ssyncset.done $0x0  }
0x103: {  	[sflag:s16] =	ssyncadd.s32 $0xFFFFC000  }
0x104: {  	[spmem:s2] =	stream.indirect.scatter.add.f32 [tilespmem:s22], [sflag:$0x2], $0x80, s19, s21, $0xb8;
	[tilespmem:$0x1F000] =	vst v63  }
0x105: {  	s7 =	sadd.s32 $0x480, s6  }
0x106: {  	[tilespmem:s23], [sflag:$0x1] =	stream.indirect.gather [hbm4b:s4+s21], $0x80, s7, s21, $0xb8;
	[tilespmem:$0x1F000] =	vst v63  }
0x107: {  	_ =	swait.ge [sflag:s16], $0x4000  }
0x108: {  	[sflag:s16] =	ssyncset.done $0x0  }
0x109: {  	s7 =	rddreg [dreg:$0xa];
	[sflag:s16] =	ssyncadd.s32 $0xFFFFC000  }
0x10a: {  	[spmem:s2] =	stream.indirect.scatter.add.f32 [tilespmem:s23], [sflag:$0x3], $0x80, s7, s21, $0xb8;
	[tilespmem:$0x1F000] =	vst v63  }
0x10b: {  	_ =	swait.ge [sflag:s24], $0x4000  }
0x10c: {  	[sflag:s24] =	ssyncset.done $0x0  }
0x10d: {  	s7 =	sadd.s32 $0x500, s6;
	[sflag:s24] =	ssyncadd.s32 $0xFFFFC000  }
0x10e: {  	[tilespmem:s22], [sflag:$0x1] =	stream.indirect.gather [hbm4b:s4+s21], $0x80, s7, s21, $0xb8;
	[tilespmem:$0x1F000] =	vst v63  }
0x10f: {  	_ =	swait.ge [sflag:s16], $0x4000  }
0x110: {  	[sflag:s16] =	ssyncset.done $0x0  }
0x111: {  	s7 =	rddreg [dreg:$0xb];
	[sflag:s16] =	ssyncadd.s32 $0xFFFFC000  }
0x112: {  	[spmem:s2] =	stream.indirect.scatter.add.f32 [tilespmem:s22], [sflag:$0x2], $0x80, s7, s21, $0xb8;
	[tilespmem:$0x1F000] =	vst v63  }
0x113: {  	_ =	swait.ge [sflag:s25], $0x4000  }
0x114: {  	[sflag:s25] =	ssyncset.done $0x0  }
0x115: {  	s7 =	sadd.s32 $0x580, s6;
	[sflag:s25] =	ssyncadd.s32 $0xFFFFC000  }
0x116: {  	[tilespmem:s23], [sflag:$0x1] =	stream.indirect.gather [hbm4b:s4+s21], $0x80, s7, s21, $0xb8;
	[tilespmem:$0x1F000] =	vst v63  }
0x117: {  	_ =	swait.ge [sflag:s16], $0x4000  }
0x118: {  	[sflag:s16] =	ssyncset.done $0x0  }
0x119: {  	s7 =	rddreg [dreg:$0xc];
	[sflag:s16] =	ssyncadd.s32 $0xFFFFC000  }
0x11a: {  	[spmem:s2] =	stream.indirect.scatter.add.f32 [tilespmem:s23], [sflag:$0x3], $0x80, s7, s21, $0xb8;
	[tilespmem:$0x1F000] =	vst v63  }
0x11b: {  	_ =	swait.ge [sflag:s24], $0x4000  }
0x11c: {  	[sflag:s24] =	ssyncset.done $0x0  }
0x11d: {  	s7 =	sadd.s32 $0x600, s6;
	[sflag:s24] =	ssyncadd.s32 $0xFFFFC000  }
0x11e: {  	[tilespmem:s22], [sflag:$0x1] =	stream.indirect.gather [hbm4b:s4+s21], $0x80, s7, s21, $0xb8;
	[tilespmem:$0x1F000] =	vst v63  }
0x11f: {  	_ =	swait.ge [sflag:s16], $0x4000  }
0x120: {  	[sflag:s16] =	ssyncset.done $0x0  }
0x121: {  	s7 =	rddreg [dreg:$0xd];
	[sflag:s16] =	ssyncadd.s32 $0xFFFFC000  }
0x122: {  	[spmem:s2] =	stream.indirect.scatter.add.f32 [tilespmem:s22], [sflag:$0x2], $0x80, s7, s21, $0xb8;
	[tilespmem:$0x1F000] =	vst v63  }
0x123: {  	_ =	swait.ge [sflag:s25], $0x4000  }
0x124: {  	[sflag:s25] =	ssyncset.done $0x0  }
0x125: {  	s7 =	sadd.s32 $0x680, s6;
	[sflag:s25] =	ssyncadd.s32 $0xFFFFC000  }
0x126: {  	[tilespmem:s23], [sflag:$0x1] =	stream.indirect.gather [hbm4b:s4+s21], $0x80, s7, s21, $0xb8;
	[tilespmem:$0x1F000] =	vst v63  }
0x127: {  	_ =	swait.ge [sflag:s16], $0x4000  }
0x128: {  	[sflag:s16] =	ssyncset.done $0x0  }
0x129: {  	s7 =	rddreg [dreg:$0xe];
	[sflag:s16] =	ssyncadd.s32 $0xFFFFC000  }
0x12a: {  	[spmem:s2] =	stream.indirect.scatter.add.f32 [tilespmem:s23], [sflag:$0x3], $0x80, s7, s21, $0xb8;
	[tilespmem:$0x1F000] =	vst v63  }
0x12b: {  	_ =	swait.ge [sflag:s24], $0x4000  }
0x12c: {  	[sflag:s24] =	ssyncset.done $0x0  }
0x12d: {  	s7 =	sadd.s32 $0x700, s6;
	[sflag:s24] =	ssyncadd.s32 $0xFFFFC000  }
0x12e: {  	[tilespmem:s22], [sflag:$0x1] =	stream.indirect.gather [hbm4b:s4+s21], $0x80, s7, s21, $0xb8;
	[tilespmem:$0x1F000] =	vst v63  }
0x12f: {  	_ =	swait.ge [sflag:s16], $0x4000  }
0x130: {  	[sflag:s16] =	ssyncset.done $0x0  }
0x131: {  	s7 =	rddreg [dreg:$0xf];
	[sflag:s16] =	ssyncadd.s32 $0xFFFFC000  }
0x132: {  	[spmem:s2] =	stream.indirect.scatter.add.f32 [tilespmem:s22], [sflag:$0x2], $0x80, s7, s21, $0xb8;
	[tilespmem:$0x1F000] =	vst v63  }
0x133: {  	_ =	swait.ge [sflag:s25], $0x4000  }
0x134: {  	[sflag:s25] =	ssyncset.done $0x0  }
0x135: {  	s6 =	sadd.s32 $0x780, s6;
	[sflag:s25] =	ssyncadd.s32 $0xFFFFC000  }
0x136: {  	[tilespmem:s23], [sflag:$0x1] =	stream.indirect.gather [hbm4b:s4+s21], $0x80, s6, s21, $0xb8;
	[tilespmem:$0x1F000] =	vst v63  }
0x137: {  	_ =	swait.ge [sflag:s16], $0x4000  }
0x138: {  	[sflag:s16] =	ssyncset.done $0x0  }
0x139: {  	s7 =	rddreg [dreg:$0x10];
	[sflag:s16] =	ssyncadd.s32 $0xFFFFC000  }
0x13a: {  	[spmem:s2] =	stream.indirect.scatter.add.f32 [tilespmem:s23], [sflag:$0x3], $0x80, s7, s21, $0xb8;
	[tilespmem:$0x1F000] =	vst v63  }
0x13b: {  	p0 =	sne.s32 s30, $0x8000;
	_ =	swait.ge [sflag:s24], $0x4000  }
.Ltmp0:
0x13c: {  	[sflag:s24] =	ssyncset.done $0x0;
	(pc) =	sbr.rel @p0 .LBB2_2-.Ltmp0, $4  }
0x13d: {  	[sflag:s24] =	ssyncadd.s32 $0xFFFFC000  }
0x13e: {  	_ =	swait.ge [sflag:s25], $0x4000  }
0x13f: {  	s13 =	smov.u32 s31;
	s30 =	sadd.s32 $0x2000, s30;
	[sflag:s25] =	ssyncset.done $0x0  }
0x140: {  	s31 =	sadd.s32 $0x100, s31;
	s1 =	sadd.s32 $0x100, s1;
	[sflag:s25] =	ssyncadd.s32 $0xFFFFC000  }
0x141: {  	[tilespmem:s19], [sflag:$0x5] =	stream.linear.gather [hbm4b:s13+s3], $0x400, $0x38;
	[tilespmem:$0x1F000] =	vst v63  }
0x142: {  	_ =	swait.ge [sflag:s20], $0x400  }
0x143: {  	[sflag:s20] =	ssyncset.done $0x0  }
0x144: {  	[sflag:s20] =	ssyncadd.s32 $0xFFFFFC00  }
0x145: {  	_ =	swait.ge [sflag:s26], $0x400  }
0x146: {  	s29 =	sadd.s32 $0x1, s29;
	[sflag:s26] =	ssyncset.done $0x0  }
0x147: {  	p0 =	sne.s32 s29, s12;
	[sflag:s26] =	ssyncadd.s32 $0xFFFFFC00  }
.Ltmp1:
0x148: {  	s1 =	sor.u32 $0x1C07, s5;
	[bflag:$0x0] =	sbarrier.arrive $0xFFFF;
	(pc) =	sbr.rel @p0 .LBB2_1-.Ltmp1, $4  }
0x149: {  	[hbm:s11], [sflag:s1] =	dma.local [spmem:s15], $0x2780  }
0x14a: {  	_ =	swait.ge [sflag:s28], $0x2780  }
0x14b: {  	[sflag:s28] =	ssyncset.done $0x0  }
0x14c: {  	[sflag:s28] =	ssyncadd.s32 $0xFFFFD880  }
0x14d: {  	_ =	sfence.sel $0x180000  }
0x14e: {  	[bflag:$0x0] =	sbarrier.arrive $0xFFFF  }
0x14f: {  	_ =	strace $0x9000004A  }
0x150: {  	s0 =	stileid.u32;
	[bflag:$0x2] =	sbarrier.arrive $0xFFFF  }
0x151: {  	p0 =	sne.s32 s0, $0x0;
	s0 =	rddreg [dreg:$0x2]  }
0x152: {  	s0 =	sadd.s32 @!p0 $0x100000, s0  }
0x153: {  	[sflag:s0] =	ssyncadd.tile.s32 @!p0 $0x1;
	_ =	shalt  }
.Lfunc_end2:
_tile_overlayer_lowered:
.L_overlay_start_2:
0x154: {  	(tag) =	ssettag $0x2  }
0x155: {  	s0 =	rddreg [dreg:$0x0];
	s2 =	stileid.u32  }
0x156: {  	s1 =	rddreg [dreg:$0x1];
	p0 =	sne.s32 s2, $0x0  }
0x157: {  	s3 =	rddreg [dreg:$0x2];
	[bflag:$0x3] =	sbarrier.arrive $0xFFFF;
	s2 =	simm.s32 @!p0 $0x1C07  }
0x158: {  	[timem:s3], [sflag:s2] =	dma.local @!p0 [hbm:s0], s1  }
0x159: {  	s0 =	simm.s32 @!p0 $0x7  }
0x15a: {  	_ =	swait.ge @!p0 [sflag:s0], s1  }
0x15b: {  	s1 =	ssub.s32 @!p0 $0x0, s1;
	[sflag:s0] =	ssyncset.done @!p0 $0x0  }
0x15c: {  	[sflag:s0] =	ssyncadd.s32 @!p0 s1  }
0x15d: {  	[bflag:$0x3] =	sbarrier.arrive $0xFFFF  }
0x15e: {  	_ =	shalt  }

</sc_bundles>
